<compile_context>
chip_gen: v7x
topology: tpu7x:2x2x1
jax: 0.10.2.dev20260603
libtpu: 0.0.44.dev20260713+nightly
codegen_flags: <defaults>
</compile_context>

<pallas_src>
import functools

import jax
import jax.numpy as jnp
import numpy as np
from jax import lax
from jax.experimental import pallas as pl
from jax.experimental.pallas import tpu as pltpu
from jax.experimental.pallas import tpu_sc as plsc

_N = 10000
_E = 160000
_H = 256
_NH = 8
_HD = 32
_S = 16

_BN = 1000
_BE = 4000


def _lnorm(x, w, b):
    m = jnp.mean(x, axis=-1, keepdims=True)
    v = jnp.mean((x - m) ** 2, axis=-1, keepdims=True)
    return (x - m) / jnp.sqrt(v + 1e-5) * w + b


def _dot(a, b):
    return jnp.dot(a, b, preferred_element_type=jnp.float32)


def _node_kernel(h_ref, xs_ref, wq_ref, wk_ref, wv_ref, wstat_ref,
                 lnds_w_ref, lnds_b_ref, m1h_ref, m1x_ref, mb1_ref,
                 m2_ref, mb2_ref, gs_ref, gr_ref, gxs_ref, gxr_ref,
                 gb1_ref, lnw_ref, lnb_ref,
                 td_ref, ts_ref, ps_ref):
    h = h_ref[...]
    xs = xs_ref[...]
    hn = _lnorm(h, lnw_ref[...], lnb_ref[...])
    hc = _lnorm(hn + _dot(xs, wstat_ref[...]), lnds_w_ref[...], lnds_b_ref[...])
    ps = _dot(hn, gs_ref[...]) + _dot(xs, gxs_ref[...]) + gb1_ref[...]
    td_ref[:, 0:_H] = ps
    ps_ref[...] = ps
    m1 = jnp.maximum(_dot(hn, m1h_ref[...]) + _dot(xs, m1x_ref[...]) + mb1_ref[...], 0.0)
    td_ref[:, _H:2 * _H] = _dot(m1, m2_ref[...]) + mb2_ref[...]
    td_ref[:, 2 * _H:3 * _H] = _dot(hc, wq_ref[...])
    ts_ref[:, 0:_H] = _dot(hn, gr_ref[...]) + _dot(xs, gxr_ref[...])
    ts_ref[:, _H:2 * _H] = _dot(hc, wk_ref[...])
    ts_ref[:, 2 * _H:3 * _H] = _dot(hc, wv_ref[...])


def _node_precompute(h, x_s, W_q, W_k, W_v, W_static, ln_ds_w, ln_ds_b,
                     msg_W1, msg_b1, msg_W2, msg_b2, gate_W1, gate_b1,
                     ln_w, ln_b):
    grid = _N // _BN
    row = lambda i: (i, 0)
    full = lambda i: (0, 0)
    hspec = pl.BlockSpec((_BN, _H), row)
    xspec = pl.BlockSpec((_BN, _S), row)
    wspec = pl.BlockSpec((_H, _H), full)
    sspec = pl.BlockSpec((_S, _H), full)
    bspec = pl.BlockSpec((1, _H), full)
    tspec = pl.BlockSpec((_BN, 3 * _H), row)
    out = [jax.ShapeDtypeStruct((_N, 3 * _H), jnp.float32),
           jax.ShapeDtypeStruct((_N, 3 * _H), jnp.float32),
           jax.ShapeDtypeStruct((_N, _H), jnp.float32)]
    return pl.pallas_call(
        _node_kernel,
        grid=(grid,),
        in_specs=[hspec, xspec, wspec, wspec, wspec, sspec, bspec, bspec,
                  wspec, sspec, bspec, wspec, bspec, wspec, wspec, sspec,
                  sspec, bspec, bspec, bspec],
        out_specs=[tspec, tspec, hspec],
        out_shape=out,
    )(h, x_s, W_q, W_k, W_v, W_static,
      ln_ds_w.reshape(1, _H), ln_ds_b.reshape(1, _H),
      msg_W1[:_H], msg_W1[_H:], msg_b1.reshape(1, _H), msg_W2,
      msg_b2.reshape(1, _H),
      gate_W1[:_H], gate_W1[_H:2 * _H], gate_W1[2 * _H:2 * _H + _S],
      gate_W1[2 * _H + _S:], gate_b1.reshape(1, _H),
      ln_w.reshape(1, _H), ln_b.reshape(1, _H))


_EC = 16


def _escore_kernel(qd_ref, ks_ref, sel_ref, e16_ref, e128_ref):
    prod = qd_ref[...] * ks_ref[...]
    s = _dot(prod, sel_ref[...]) * (1.0 / np.sqrt(float(_HD)))
    ex = jnp.exp(s)
    e16_ref[...] = ex[:, :_EC]
    e128_ref[...] = ex


def _escore(gd, gs):
    sel = jnp.repeat(jnp.eye(_NH, dtype=jnp.float32), _HD, axis=0)
    sel = jnp.concatenate(
        [sel, jnp.zeros((_H, 128 - _NH), jnp.float32)], axis=1)
    grid = _E // _BE
    return pl.pallas_call(
        _escore_kernel,
        grid=(grid,),
        in_specs=[pl.BlockSpec((_BE, _H), lambda i: (i, 2)),
                  pl.BlockSpec((_BE, _H), lambda i: (i, 1)),
                  pl.BlockSpec((_H, 128), lambda i: (0, 0))],
        out_specs=[pl.BlockSpec((_BE, _EC), lambda i: (i, 0)),
                   pl.BlockSpec((_BE, 128), lambda i: (i, 0))],
        out_shape=[jax.ShapeDtypeStruct((_E, _EC), jnp.float32),
                   jax.ShapeDtypeStruct((_E, 128), jnp.float32)],
    )(gd, gs, sel)


def _wvun_kernel(e_ref, vs_ref, exp_ref, wv_ref):
    wv_ref[...] = vs_ref[...] * _dot(e_ref[:, :_NH], exp_ref[...])


def _wv_un(e16, gs):
    expand = jnp.repeat(jnp.eye(_NH, dtype=jnp.float32), _HD, axis=1)
    grid = _E // _BE
    return pl.pallas_call(
        _wvun_kernel,
        grid=(grid,),
        in_specs=[pl.BlockSpec((_BE, _EC), lambda i: (i, 0)),
                  pl.BlockSpec((_BE, _H), lambda i: (i, 2)),
                  pl.BlockSpec((_NH, _H), lambda i: (0, 0))],
        out_specs=pl.BlockSpec((_BE, _H), lambda i: (i, 0)),
        out_shape=jax.ShapeDtypeStruct((_E, _H), jnp.float32),
    )(e16, gs, expand)


def _attn_kernel(e_ref, zd_ref, attn_ref):
    attn_ref[...] = e_ref[:, :_NH] / (zd_ref[:, :_NH] + 1e-9)


def _attn(e16, zd16):
    grid = _E // _BE
    row = lambda i: (i, 0)
    return pl.pallas_call(
        _attn_kernel,
        grid=(grid,),
        in_specs=[pl.BlockSpec((_BE, _EC), row), pl.BlockSpec((_BE, _EC), row)],
        out_specs=pl.BlockSpec((_BE, _NH), row),
        out_shape=jax.ShapeDtypeStruct((_E, _NH), jnp.float32),
    )(e16, zd16)


def _gate_kernel(xa_ref, xb_ref, m_ref, w2_ref, b2_ref, out_ref):
    g1 = jnp.maximum(xa_ref[...] + xb_ref[...], 0.0)
    g = jax.nn.sigmoid(_dot(g1, w2_ref[...]) + b2_ref[...])
    out_ref[...] = g * m_ref[...]


def _gate_mm(xa, ablk, xb, bblk, m, mblk, W2, b2, block):
    rows = xa.shape[0]
    grid = rows // block
    full = lambda i: (0, 0)
    return pl.pallas_call(
        _gate_kernel,
        grid=(grid,),
        in_specs=[pl.BlockSpec((block, _H), lambda i, a=ablk: (i, a)),
                  pl.BlockSpec((block, _H), lambda i, b=bblk: (i, b)),
                  pl.BlockSpec((block, _H), lambda i, c=mblk: (i, c)),
                  pl.BlockSpec((_H, _H), full), pl.BlockSpec((1, _H), full)],
        out_specs=pl.BlockSpec((block, _H), lambda i: (i, 0)),
        out_shape=jax.ShapeDtypeStruct((rows, _H), jnp.float32),
    )(xa, xb, m, W2, b2.reshape(1, _H))


_SC_BLK = 80
_SC_EPT = _E // 16
_SC_NBLK = _SC_EPT // _SC_BLK
_SC_ACC = _N + 8
_SC_ZPT = 624


def _sc_segsum_body(vals_hbm, idx_hbm, zeros_hbm, out_hbm,
                    idx0, idx1, valb0, valb1, acc, sems):
    c = lax.axis_index("c")
    s = lax.axis_index("s")
    col = c * 128
    ebase = s * _SC_EPT
    idxb = (idx0, idx1)
    valb = (valb0, valb1)

    @pl.when(s < 15)
    def _():
        pltpu.sync_copy(zeros_hbm.at[pl.ds(0, _SC_ZPT)],
                        acc.at[pl.ds(s * _SC_ZPT, _SC_ZPT)])

    @pl.when(s == 15)
    def _():
        pltpu.sync_copy(zeros_hbm,
                        acc.at[pl.ds(15 * _SC_ZPT, _SC_ACC - 15 * _SC_ZPT)])

    plsc.subcore_barrier()

    def _copies(g, slot):
        return [
            pltpu.make_async_copy(
                vals_hbm.at[pl.ds(ebase + g * _SC_BLK, _SC_BLK),
                            pl.ds(col, 128)],
                valb[slot], sems.at[slot]),
            pltpu.make_async_copy(
                idx_hbm.at[pl.ds(ebase + g * _SC_BLK, _SC_BLK)],
                idxb[slot], sems.at[slot]),
        ]

    def _start(g, slot):
        for cp in _copies(g, slot):
            cp.start()

    def _wait(g, slot):
        for cp in _copies(g, slot):
            cp.wait()

    def _scatter(slot):
        pltpu.sync_copy(valb[slot], acc.at[idxb[slot]], add=True)

    _start(0, 0)

    def _body(i, carry):
        g0 = 2 * i
        _wait(g0, 0)
        _start(g0 + 1, 1)
        _scatter(0)
        _wait(g0 + 1, 1)
        _start(g0 + 2, 0)
        _scatter(1)
        return carry

    lax.fori_loop(0, (_SC_NBLK - 1) // 2, _body, 0)
    _wait(_SC_NBLK - 1, 0)
    _scatter(0)

    plsc.subcore_barrier()

    @pl.when(s < 15)
    def _():
        pltpu.sync_copy(
            acc.at[pl.ds(s * _SC_ZPT, _SC_ZPT)],
            out_hbm.at[pl.ds(s * _SC_ZPT, _SC_ZPT), pl.ds(col, 128)])

    @pl.when(s == 15)
    def _():
        pltpu.sync_copy(
            acc.at[pl.ds(15 * _SC_ZPT, _N - 15 * _SC_ZPT)],
            out_hbm.at[pl.ds(15 * _SC_ZPT, _N - 15 * _SC_ZPT),
                       pl.ds(col, 128)])


_SCZ_BLK = 40
_SCZ_EPT = _E // 32
_SCZ_NBLK = _SCZ_EPT // _SCZ_BLK


def _sc_zsum_body(e_hbm, idx_hbm, zeros_hbm, out_hbm,
                  idx0, idx1, eb0, eb1, acc, sems):
    c = lax.axis_index("c")
    s = lax.axis_index("s")
    col = c * 128
    ebase = (c * 16 + s) * _SCZ_EPT
    idxb = (idx0, idx1)
    eb = (eb0, eb1)

    @pl.when(s < 15)
    def _():
        pltpu.sync_copy(zeros_hbm.at[pl.ds(0, _SC_ZPT)],
                        acc.at[pl.ds(s * _SC_ZPT, _SC_ZPT)])

    @pl.when(s == 15)
    def _():
        pltpu.sync_copy(zeros_hbm,
                        acc.at[pl.ds(15 * _SC_ZPT, _SC_ACC - 15 * _SC_ZPT)])

    plsc.subcore_barrier()

    def _copies(g, slot):
        return [
            pltpu.make_async_copy(
                e_hbm.at[pl.ds(ebase + g * _SCZ_BLK, _SCZ_BLK)],
                eb[slot], sems.at[slot]),
            pltpu.make_async_copy(
                idx_hbm.at[pl.ds(ebase + g * _SCZ_BLK, _SCZ_BLK)],
                idxb[slot], sems.at[slot]),
        ]

    def _start(g, slot):
        for cp in _copies(g, slot):
            cp.start()

    def _wait(g, slot):
        for cp in _copies(g, slot):
            cp.wait()

    def _scatter(slot):
        pltpu.sync_copy(eb[slot], acc.at[idxb[slot]], add=True)

    _start(0, 0)

    def _body(i, carry):
        g0 = 2 * i
        _wait(g0, 0)
        _start(g0 + 1, 1)
        _scatter(0)
        _wait(g0 + 1, 1)
        _start(g0 + 2, 0)
        _scatter(1)
        return carry

    lax.fori_loop(0, (_SCZ_NBLK - 1) // 2, _body, 0)
    _wait(_SCZ_NBLK - 1, 0)
    _scatter(0)

    plsc.subcore_barrier()

    @pl.when(s < 15)
    def _():
        pltpu.sync_copy(
            acc.at[pl.ds(s * _SC_ZPT, _SC_ZPT)],
            out_hbm.at[pl.ds(s * _SC_ZPT, _SC_ZPT), pl.ds(col, 128)])

    @pl.when(s == 15)
    def _():
        pltpu.sync_copy(
            acc.at[pl.ds(15 * _SC_ZPT, _N - 15 * _SC_ZPT)],
            out_hbm.at[pl.ds(15 * _SC_ZPT, _N - 15 * _SC_ZPT),
                       pl.ds(col, 128)])


def _sc_zsum(e128, idx):
    zeros = jnp.zeros((_SC_ACC - 15 * _SC_ZPT, 128), jnp.float32)
    mesh = plsc.VectorSubcoreMesh(core_axis_name="c", subcore_axis_name="s")
    f = pl.kernel(
        _sc_zsum_body,
        out_type=jax.ShapeDtypeStruct((_N, 256), jnp.float32),
        mesh=mesh,
        scratch_types=[
            pltpu.VMEM((_SCZ_BLK,), jnp.int32),
            pltpu.VMEM((_SCZ_BLK,), jnp.int32),
            pltpu.VMEM((_SCZ_BLK, 128), jnp.float32),
            pltpu.VMEM((_SCZ_BLK, 128), jnp.float32),
            pltpu.VMEM_SHARED((_SC_ACC, 128), jnp.float32),
            pltpu.SemaphoreType.DMA((2,)),
        ],
    )
    return f(e128, idx.astype(jnp.int32), zeros)


def _sc_segsum(vals, idx):
    zeros = jnp.zeros((_SC_ACC - 15 * _SC_ZPT, 128), jnp.float32)
    mesh = plsc.VectorSubcoreMesh(core_axis_name="c", subcore_axis_name="s")
    f = pl.kernel(
        _sc_segsum_body,
        out_type=jax.ShapeDtypeStruct((_N, _H), jnp.float32),
        mesh=mesh,
        scratch_types=[
            pltpu.VMEM((_SC_BLK,), jnp.int32),
            pltpu.VMEM((_SC_BLK,), jnp.int32),
            pltpu.VMEM((_SC_BLK, 128), jnp.float32),
            pltpu.VMEM((_SC_BLK, 128), jnp.float32),
            pltpu.VMEM_SHARED((_SC_ACC, 128), jnp.float32),
            pltpu.SemaphoreType.DMA((2,)),
        ],
    )
    return f(vals, idx.astype(jnp.int32), zeros)


_SCW_EPT = _E // 32
_SCW_VREGS = _SCW_EPT // 16
_SCW_TAIL = _SCW_EPT - 16 * _SCW_VREGS


def _sc_winner_body(idx_hbm, out_hbm, ibuf, tbl, sem):
    c = lax.axis_index("c")
    s = lax.axis_index("s")
    w = c * 16 + s
    base = w * _SCW_EPT

    ibuf[pl.ds(_SCW_EPT - _SCW_TAIL, 16)] = jnp.zeros((16,), jnp.int32)
    cp = pltpu.make_async_copy(idx_hbm.at[pl.ds(base, _SCW_EPT)],
                               ibuf.at[pl.ds(0, _SCW_EPT)], sem)
    cp.start()

    def _init(i, carry):
        tbl[pl.ds(i * 16, 16)] = jnp.full((16,), -1, jnp.int32)
        return carry

    lax.fori_loop(0, _N // 16, _init, 0)
    cp.wait()

    lanes = lax.iota(jnp.int32, 16)
    masks = [lanes == l for l in range(16)]

    def _step(j, carry):
        iv = ibuf[pl.ds(j * 16, 16)]
        ids = lanes + (base + j * 16)
        for l in range(16):
            plsc.store_scatter(tbl, (iv,), ids, mask=masks[l])
        return carry

    lax.fori_loop(0, _SCW_VREGS, _step, 0)
    ivt = ibuf[pl.ds(_SCW_VREGS * 16, 16)]
    idt = lanes + (base + _SCW_VREGS * 16)
    valid = lanes < _SCW_TAIL
    for l in range(_SCW_TAIL):
        plsc.store_scatter(tbl, (ivt,), idt, mask=masks[l] & valid)

    pltpu.sync_copy(tbl, out_hbm.at[pl.ds(w * _N, _N)])


def _sc_winner(idx):
    mesh = plsc.VectorSubcoreMesh(core_axis_name="c", subcore_axis_name="s")
    f = pl.kernel(
        _sc_winner_body,
        out_type=jax.ShapeDtypeStruct((32 * _N,), jnp.int32),
        mesh=mesh,
        scratch_types=[
            pltpu.VMEM((_SCW_EPT + 16,), jnp.int32),
            pltpu.VMEM((_N,), jnp.int32),
            pltpu.SemaphoreType.DMA,
        ],
    )
    return f(idx.astype(jnp.int32))


def _combine_kernel(h_ref, ag_ref, z_ref, up_ref, exp_ref, wout_ref,
                    wc1_ref, wc2_ref, bc_ref, out_ref):
    recip = 1.0 / (z_ref[:, :_NH] + 1e-9)
    ag = ag_ref[...] * _dot(recip, exp_ref[...])
    ds = _dot(ag, wout_ref[...])
    out_ref[...] = (h_ref[...] + _dot(ds, wc1_ref[...])
                    + _dot(up_ref[...], wc2_ref[...]) + bc_ref[...])


def _combine(h, aggr_un, z16, upstream, W_out, W_comb, b_comb):
    expand = jnp.repeat(jnp.eye(_NH, dtype=jnp.float32), _HD, axis=1)
    grid = _N // _BN
    row = lambda i: (i, 0)
    full = lambda i: (0, 0)
    return pl.pallas_call(
        _combine_kernel,
        grid=(grid,),
        in_specs=[pl.BlockSpec((_BN, _H), row), pl.BlockSpec((_BN, _H), row),
                  pl.BlockSpec((_BN, _EC), row), pl.BlockSpec((_BN, _H), row),
                  pl.BlockSpec((_NH, _H), full)]
        + [pl.BlockSpec((_H, _H), full)] * 3
        + [pl.BlockSpec((1, _H), full)],
        out_specs=pl.BlockSpec((_BN, _H), row),
        out_shape=jax.ShapeDtypeStruct((_N, _H), jnp.float32),
    )(h, aggr_un, z16, upstream, expand, W_out, W_comb[:_H], W_comb[_H:],
      b_comb.reshape(1, _H))


def kernel(h, x_s, edge_index, node_mask, edge_mask, W_q, W_k, W_v, W_static, W_out, ln_ds_w, ln_ds_b, msg_W1, msg_b1, msg_W2, msg_b2, gate_W1, gate_b1, gate_W2, gate_b2, ln_w, ln_b, W_comb, b_comb):
    src = edge_index[0]
    dest = edge_index[1]
    td, ts, ps = _node_precompute(
        h, x_s, W_q, W_k, W_v, W_static, ln_ds_w, ln_ds_b,
        msg_W1, msg_b1, msg_W2, msg_b2, gate_W1, gate_b1, ln_w, ln_b)

    gd = td[dest]
    gs = ts[src]
    e16, e128 = _escore(gd, gs)
    wv = _wv_un(e16, gs)
    aggr_un = _sc_segsum(wv, dest)
    zpart = _sc_zsum(e128, dest)
    z16 = zpart[:, :_EC] + zpart[:, 128:128 + _EC]
    zd = z16[dest]
    attn = _attn(e16, zd)

    gated = _gate_mm(gd, 0, gs, 0, gd, 1, gate_W2, gate_b2, _BE)
    upstream = _sc_segsum(gated, src)

    winner = jnp.full((_N,), -1, jnp.int32).at[src].max(
        jnp.arange(_E, dtype=jnp.int32))
    has = winner >= 0
    partner = dest[jnp.where(has, winner, 0)]
    psp = ps[partner]
    hasf = jnp.broadcast_to(has[:, None], (_N, _H)).astype(jnp.float32)
    gpn = _gate_mm(psp, 0, ts, 0, hasf, 0, gate_W2, gate_b2, _BN)

    out = _combine(h, aggr_un, z16, upstream, W_out, W_comb, b_comb)
    return (out, attn, gpn)

# --- scband reference (transcript-rebuilt; emitter-appended) ---
"""Pipeline reference for scband-bidirectional-graph-layer-39230231282384 (READ-ONLY COPY).

The authoritative reference and input builder live on the scoring server;
editing this copy changes nothing except your own understanding.
"""

import jax, jax.numpy as jnp
import numpy as np

N = 10000
E = 160000
H = 256
NH = 8
HD = 32
S = 16


def _ln(x, w, b):
    m = jnp.mean(x, axis=-1, keepdims=True)
    v = jnp.var(x, axis=-1, keepdims=True)
    return (x - m) / jnp.sqrt(v + 1e-5) * w + b


def setup_inputs(seed: int = 0):
    key = jax.random.key(seed)
    ks = jax.random.split(key, 16)

    def w(k, i, o):
        return (jax.random.normal(k, (i, o), jnp.float32) / np.sqrt(i)).astype(jnp.float32)

    inp = {}
    inp['h'] = jax.random.normal(ks[0], (N, H), jnp.float32)
    inp['x_s'] = jax.random.normal(ks[1], (N, S), jnp.float32)
    inp['edge_index'] = jax.random.randint(ks[2], (2, E), 0, N, dtype=jnp.int32)
    inp['node_mask'] = jnp.ones((N,), jnp.float32)
    inp['edge_mask'] = jnp.ones((E,), dtype=bool)
    inp['W_q'] = w(ks[3], H, H)
    inp['W_k'] = w(ks[4], H, H)
    inp['W_v'] = w(ks[5], H, H)
    inp['W_static'] = w(ks[6], S, H)
    inp['W_out'] = w(ks[7], H, H)
    inp['ln_ds_w'] = jnp.ones((H,), jnp.float32)
    inp['ln_ds_b'] = jnp.zeros((H,), jnp.float32)
    inp['msg_W1'] = w(ks[8], H + S, H)
    inp['msg_b1'] = jnp.zeros((H,), jnp.float32)
    inp['msg_W2'] = w(ks[9], H, H)
    inp['msg_b2'] = jnp.zeros((H,), jnp.float32)
    inp['gate_W1'] = w(ks[10], 2 * H + 2 * S, H)
    inp['gate_b1'] = jnp.zeros((H,), jnp.float32)
    inp['gate_W2'] = w(ks[11], H, H)
    inp['gate_b2'] = jnp.zeros((H,), jnp.float32)
    inp['ln_w'] = jnp.ones((H,), jnp.float32)
    inp['ln_b'] = jnp.zeros((H,), jnp.float32)
    inp['W_comb'] = w(ks[12], 2 * H, H)
    inp['b_comb'] = jnp.zeros((H,), jnp.float32)
    return inp


def reference(h, x_s, edge_index, node_mask, edge_mask, W_q, W_k, W_v, W_static, W_out, ln_ds_w, ln_ds_b, msg_W1, msg_b1, msg_W2, msg_b2, gate_W1, gate_b1, gate_W2, gate_b2, ln_w, ln_b, W_comb, b_comb):
    num_nodes = h.shape[0]
    src = edge_index[0]
    dest = edge_index[1]
    h_norm = _ln(h, ln_w, ln_b)
    # Downstream attention-weighted aggregation
    static_emb = x_s @ W_static
    h_cond = _ln(h_norm + static_emb, ln_ds_w, ln_ds_b)
    Q = (h_cond @ W_q).reshape(num_nodes, NH, HD)
    K = (h_cond @ W_k).reshape(num_nodes, NH, HD)
    V = (h_cond @ W_v).reshape(num_nodes, NH, HD)
    Q_dest = Q[dest]
    K_src = K[src]
    V_src = V[src]
    scores = jnp.einsum('ehd,ehd->eh', Q_dest, K_src) / jnp.sqrt(float(HD))
    scores = jnp.where(edge_mask[:, None], scores, -1e9)
    m = jax.ops.segment_max(scores, dest, num_segments=num_nodes)
    e = jnp.exp(scores - m[dest])
    z = jax.ops.segment_sum(e, dest, num_segments=num_nodes)
    attn = e / (z[dest] + 1e-9)
    weighted_V = (V_src * attn[:, :, None]).reshape(E, H)
    aggr = jax.ops.segment_sum(weighted_V, dest, num_segments=num_nodes)
    downstream_msg = (aggr @ W_out) * node_mask[:, None]
    # Upstream gated propagation (reversed edges)
    sender = dest
    receiver = src
    sender_input = jnp.concatenate([h_norm[sender], x_s[sender]], axis=-1)
    message = jax.nn.relu(sender_input @ msg_W1 + msg_b1) @ msg_W2 + msg_b2
    gate_input = jnp.concatenate([h_norm[sender], h_norm[receiver], x_s[sender], x_s[receiver]], axis=-1)
    gate = jax.nn.sigmoid(jax.nn.relu(gate_input @ gate_W1 + gate_b1) @ gate_W2 + gate_b2)
    gated = message * gate * edge_mask[:, None]
    upstream_msg = jnp.zeros((num_nodes, H), jnp.float32).at[receiver].add(gated)
    gate_per_node = jnp.zeros((num_nodes, H), jnp.float32).at[receiver].set(gate * edge_mask[:, None])
    # Combine
    combined = jnp.concatenate([downstream_msg, upstream_msg], axis=-1)
    out = h + (combined @ W_comb + b_comb)
    return (out, attn, gate_per_node)

if __name__ == "__main__":
    import jax
    _d = setup_inputs()
    print(jax.jit(kernel)(*tuple(_d.values())))

</pallas_src>

<mosaic_0001>
#map = affine_map<(d0, d1) -> (0, 0)>
#map1 = affine_map<(d0, d1) -> (0)>
module attributes {stable_mosaic.version = 14 : i64} {
  func.func @_sc_zsum_body(%arg0: i32, %arg1: i32, %arg2: memref<160000x128xf32, #tpu.memory_space<hbm>>, %arg3: memref<160000xi32, #tpu.memory_space<hbm>>, %arg4: memref<648x128xf32, #tpu.memory_space<hbm>>, %arg5: memref<10000x256xf32, #tpu.memory_space<hbm>>, %arg6: memref<40xi32, #tpu.memory_space<vmem>>, %arg7: memref<40xi32, #tpu.memory_space<vmem>>, %arg8: memref<40x128xf32, #tpu.memory_space<vmem>>, %arg9: memref<40x128xf32, #tpu.memory_space<vmem>>, %arg10: memref<10008x128xf32, #tpu.memory_space<vmem_shared>>, %arg11: memref<2x!tpu.dma_semaphore, #tpu.memory_space<semaphore_mem>>) attributes {dimension_semantics = [#tpu.dimension_semantics<core_parallel>, #tpu.dimension_semantics<subcore_parallel>], iteration_bounds = array<i64: 2, 16>, scalar_prefetch = 0 : i64, scratch_operands = 6 : i64, tpu.core_type = #tpu.core_type<sc_vector_subcore>, window_params = [{transform_indices = #map}, {transform_indices = #map1}, {transform_indices = #map}, {transform_indices = #map}]} {
    %mul3A = arith.constant 128 : i32
    %mul3A_0 = arith.muli %arg0, %mul3A : i32
    %mul3A_1 = arith.constant 16 : i32
    %mul3A_2 = arith.muli %arg0, %mul3A_1 : i32
    %add3A = arith.addi %mul3A_2, %arg1 : i32
    %mul3A_3 = arith.constant 5000 : i32
    %mul3A_4 = arith.muli %add3A, %mul3A_3 : i32
    %lt3A = arith.constant 15 : i32
    %lt3A_5 = arith.cmpi slt, %arg1, %lt3A : i32
    %convert_element_type3A = arith.extui %lt3A_5 : i1 to i32
    %cond3A = arith.constant 0 : i32
    %cond3A_6 = arith.cmpi ne, %convert_element_type3A, %cond3A : i32
    scf.if %cond3A_6 {
      %mul3A_57 = arith.constant 624 : i32
      %mul3A_58 = arith.muli %arg1, %mul3A_57 : i32
      "tpu.region"() ({
        %run_scoped3A = tpu.sem_alloc : memref<!tpu.dma_semaphore, #tpu.memory_space<semaphore_mem>>
        %dma_start3A_59 = arith.constant 0 : i32
        %dma_start3A_60 = tpu.memref_slice %arg10[%mul3A_58, %dma_start3A_59] : memref<10008x128xf32, #tpu.memory_space<vmem_shared>> -> memref<624x128xf32, #tpu.memory_space<vmem_shared>>
        %dma_start3A_61 = arith.constant 0 : i32
        %dma_start3A_62 = arith.constant 0 : i32
        %dma_start3A_63 = tpu.memref_slice %arg4[%dma_start3A_61, %dma_start3A_62] : memref<648x128xf32, #tpu.memory_space<hbm>> -> memref<624x128xf32, #tpu.memory_space<hbm>>
        tpu.enqueue_dma source(%dma_start3A_63 : memref<624x128xf32, #tpu.memory_space<hbm>>) target(%dma_start3A_60 : memref<624x128xf32, #tpu.memory_space<vmem_shared>>) target_semaphore(%run_scoped3A : memref<!tpu.dma_semaphore, #tpu.memory_space<semaphore_mem>>)
        %dma_wait3A_64 = arith.constant 0 : i32
        %dma_wait3A_65 = tpu.memref_slice %arg10[%mul3A_58, %dma_wait3A_64] : memref<10008x128xf32, #tpu.memory_space<vmem_shared>> -> memref<624x128xf32, #tpu.memory_space<vmem_shared>>
        %dma_wait3A_66 = arith.constant 0 : i32
        %dma_wait3A_67 = arith.constant 0 : i32
        %dma_wait3A_68 = tpu.memref_slice %arg4[%dma_wait3A_66, %dma_wait3A_67] : memref<648x128xf32, #tpu.memory_space<hbm>> -> memref<624x128xf32, #tpu.memory_space<hbm>>
        tpu.wait_dma2 semaphore(%run_scoped3A : memref<!tpu.dma_semaphore, #tpu.memory_space<semaphore_mem>>) src(%dma_wait3A_68 : memref<624x128xf32, #tpu.memory_space<hbm>>) dst(%dma_wait3A_65 : memref<624x128xf32, #tpu.memory_space<vmem_shared>>)
        tpu.yield
      }) : () -> ()
    } else {
    }
    %eq3A = arith.constant 15 : i32
    %eq3A_7 = arith.cmpi eq, %arg1, %eq3A : i32
    %convert_element_type3A_8 = arith.extui %eq3A_7 : i1 to i32
    %cond3A_9 = arith.constant 0 : i32
    %cond3A_10 = arith.cmpi ne, %convert_element_type3A_8, %cond3A_9 : i32
    scf.if %cond3A_10 {
      "tpu.region"() ({
        %run_scoped3A = tpu.sem_alloc : memref<!tpu.dma_semaphore, #tpu.memory_space<semaphore_mem>>
        %dma_start3A_57 = arith.constant 9360 : i32
        %dma_start3A_58 = arith.constant 0 : i32
        %dma_start3A_59 = tpu.memref_slice %arg10[%dma_start3A_57, %dma_start3A_58] : memref<10008x128xf32, #tpu.memory_space<vmem_shared>> -> memref<648x128xf32, #tpu.memory_space<vmem_shared>>
        tpu.enqueue_dma source(%arg4 : memref<648x128xf32, #tpu.memory_space<hbm>>) target(%dma_start3A_59 : memref<648x128xf32, #tpu.memory_space<vmem_shared>>) target_semaphore(%run_scoped3A : memref<!tpu.dma_semaphore, #tpu.memory_space<semaphore_mem>>)
        %dma_wait3A_60 = arith.constant 9360 : i32
        %dma_wait3A_61 = arith.constant 0 : i32
        %dma_wait3A_62 = tpu.memref_slice %arg10[%dma_wait3A_60, %dma_wait3A_61] : memref<10008x128xf32, #tpu.memory_space<vmem_shared>> -> memref<648x128xf32, #tpu.memory_space<vmem_shared>>
        tpu.wait_dma2 semaphore(%run_scoped3A : memref<!tpu.dma_semaphore, #tpu.memory_space<semaphore_mem>>) src(%arg4 : memref<648x128xf32, #tpu.memory_space<hbm>>) dst(%dma_wait3A_62 : memref<648x128xf32, #tpu.memory_space<vmem_shared>>)
        tpu.yield
      }) : () -> ()
    } else {
    }
    %barrier3A = arith.constant 0 : index
    tpu.barrier barrier_id(%barrier3A)
    %add3A_11 = arith.constant 0 : i32
    %add3A_12 = arith.addi %mul3A_4, %add3A_11 : i32
    %add3A_13 = arith.constant 0 : i32
    %add3A_14 = arith.addi %mul3A_4, %add3A_13 : i32
    %dma_start3A = arith.constant 0 : i32
    %dma_start3A_15 = arith.constant 0 : i32
    %dma_start3A_16 = tpu.memref_slice %arg2[%add3A_12, %dma_start3A_15] : memref<160000x128xf32, #tpu.memory_space<hbm>> -> memref<40x128xf32, #tpu.memory_space<hbm>>
    %dma_start3A_17 = tpu.memref_slice %arg11[%dma_start3A] : memref<2x!tpu.dma_semaphore, #tpu.memory_space<semaphore_mem>> -> memref<1x!tpu.dma_semaphore, #tpu.memory_space<semaphore_mem>>
    %dma_start3A_18 = tpu.memref_squeeze %dma_start3A_17 : memref<1x!tpu.dma_semaphore, #tpu.memory_space<semaphore_mem>> -> memref<!tpu.dma_semaphore, #tpu.memory_space<semaphore_mem>>
    %dma_start3A_19 = arith.constant 0 : i32
    %dma_start3A_20 = tpu.memref_slice %arg2[%add3A_12, %dma_start3A_19] : memref<160000x128xf32, #tpu.memory_space<hbm>> -> memref<40x128xf32, #tpu.memory_space<hbm>>
    tpu.enqueue_dma source(%dma_start3A_20 : memref<40x128xf32, #tpu.memory_space<hbm>>) target(%arg8 : memref<40x128xf32, #tpu.memory_space<vmem>>) target_semaphore(%dma_start3A_18 : memref<!tpu.dma_semaphore, #tpu.memory_space<semaphore_mem>>)
    %dma_start3A_21 = arith.constant 0 : i32
    %dma_start3A_22 = tpu.memref_slice %arg3[%add3A_14] : memref<160000xi32, #tpu.memory_space<hbm>> -> memref<40xi32, #tpu.memory_space<hbm>>
    %dma_start3A_23 = tpu.memref_slice %arg11[%dma_start3A_21] : memref<2x!tpu.dma_semaphore, #tpu.memory_space<semaphore_mem>> -> memref<1x!tpu.dma_semaphore, #tpu.memory_space<semaphore_mem>>
    %dma_start3A_24 = tpu.memref_squeeze %dma_start3A_23 : memref<1x!tpu.dma_semaphore, #tpu.memory_space<semaphore_mem>> -> memref<!tpu.dma_semaphore, #tpu.memory_space<semaphore_mem>>
    %dma_start3A_25 = tpu.memref_slice %arg3[%add3A_14] : memref<160000xi32, #tpu.memory_space<hbm>> -> memref<40xi32, #tpu.memory_space<hbm>>
    tpu.enqueue_dma source(%dma_start3A_25 : memref<40xi32, #tpu.memory_space<hbm>>) target(%arg6 : memref<40xi32, #tpu.memory_space<vmem>>) target_semaphore(%dma_start3A_24 : memref<!tpu.dma_semaphore, #tpu.memory_space<semaphore_mem>>)
    %scan3A = arith.constant 0 : i32
    %scan3A_26 = arith.constant 0 : i32
    %scan3A_27 = arith.constant 62 : i32
    %scan3A_28 = arith.addi %scan3A_26, %scan3A_27 : i32
    %scan3A_29 = arith.constant 1 : i32
    scf.for %scan3A_57 = %scan3A_26 to %scan3A_28 step %scan3A_29  : i32 {
      %mul3A_58 = arith.constant 2 : i32
      %mul3A_59 = arith.muli %mul3A_58, %scan3A_57 : i32
      %mul3A_60 = arith.constant 40 : i32
      %mul3A_61 = arith.muli %mul3A_59, %mul3A_60 : i32
      %add3A_62 = arith.addi %mul3A_4, %mul3A_61 : i32
      %mul3A_63 = arith.constant 40 : i32
      %mul3A_64 = arith.muli %mul3A_59, %mul3A_63 : i32
      %add3A_65 = arith.addi %mul3A_4, %mul3A_64 : i32
      %dma_wait3A_66 = arith.constant 0 : i32
      %dma_wait3A_67 = arith.constant 0 : i32
      %dma_wait3A_68 = tpu.memref_slice %arg2[%add3A_62, %dma_wait3A_67] : memref<160000x128xf32, #tpu.memory_space<hbm>> -> memref<40x128xf32, #tpu.memory_space<hbm>>
      %dma_wait3A_69 = tpu.memref_slice %arg11[%dma_wait3A_66] : memref<2x!tpu.dma_semaphore, #tpu.memory_space<semaphore_mem>> -> memref<1x!tpu.dma_semaphore, #tpu.memory_space<semaphore_mem>>
      %dma_wait3A_70 = tpu.memref_squeeze %dma_wait3A_69 : memref<1x!tpu.dma_semaphore, #tpu.memory_space<semaphore_mem>> -> memref<!tpu.dma_semaphore, #tpu.memory_space<semaphore_mem>>
      %dma_wait3A_71 = arith.constant 0 : i32
      %dma_wait3A_72 = tpu.memref_slice %arg2[%add3A_62, %dma_wait3A_71] : memref<160000x128xf32, #tpu.memory_space<hbm>> -> memref<40x128xf32, #tpu.memory_space<hbm>>
      tpu.wait_dma2 semaphore(%dma_wait3A_70 : memref<!tpu.dma_semaphore, #tpu.memory_space<semaphore_mem>>) src(%dma_wait3A_72 : memref<40x128xf32, #tpu.memory_space<hbm>>) dst(%arg8 : memref<40x128xf32, #tpu.memory_space<vmem>>)
      %dma_wait3A_73 = arith.constant 0 : i32
      %dma_wait3A_74 = tpu.memref_slice %arg3[%add3A_65] : memref<160000xi32, #tpu.memory_space<hbm>> -> memref<40xi32, #tpu.memory_space<hbm>>
      %dma_wait3A_75 = tpu.memref_slice %arg11[%dma_wait3A_73] : memref<2x!tpu.dma_semaphore, #tpu.memory_space<semaphore_mem>> -> memref<1x!tpu.dma_semaphore, #tpu.memory_space<semaphore_mem>>
      %dma_wait3A_76 = tpu.memref_squeeze %dma_wait3A_75 : memref<1x!tpu.dma_semaphore, #tpu.memory_space<semaphore_mem>> -> memref<!tpu.dma_semaphore, #tpu.memory_space<semaphore_mem>>
      %dma_wait3A_77 = tpu.memref_slice %arg3[%add3A_65] : memref<160000xi32, #tpu.memory_space<hbm>> -> memref<40xi32, #tpu.memory_space<hbm>>
      tpu.wait_dma2 semaphore(%dma_wait3A_76 : memref<!tpu.dma_semaphore, #tpu.memory_space<semaphore_mem>>) src(%dma_wait3A_77 : memref<40xi32, #tpu.memory_space<hbm>>) dst(%arg6 : memref<40xi32, #tpu.memory_space<vmem>>)
      %add3A_78 = arith.constant 1 : i32
      %add3A_79 = arith.addi %mul3A_59, %add3A_78 : i32
      %mul3A_80 = arith.constant 40 : i32
      %mul3A_81 = arith.muli %add3A_79, %mul3A_80 : i32
      %add3A_82 = arith.addi %mul3A_4, %mul3A_81 : i32
      %mul3A_83 = arith.constant 40 : i32
      %mul3A_84 = arith.muli %add3A_79, %mul3A_83 : i32
      %add3A_85 = arith.addi %mul3A_4, %mul3A_84 : i32
      %dma_start3A_86 = arith.constant 1 : i32
      %dma_start3A_87 = arith.constant 0 : i32
      %dma_start3A_88 = tpu.memref_slice %arg2[%add3A_82, %dma_start3A_87] : memref<160000x128xf32, #tpu.memory_space<hbm>> -> memref<40x128xf32, #tpu.memory_space<hbm>>
      %dma_start3A_89 = tpu.memref_slice %arg11[%dma_start3A_86] : memref<2x!tpu.dma_semaphore, #tpu.memory_space<semaphore_mem>> -> memref<1x!tpu.dma_semaphore, #tpu.memory_space<semaphore_mem>>
      %dma_start3A_90 = tpu.memref_squeeze %dma_start3A_89 : memref<1x!tpu.dma_semaphore, #tpu.memory_space<semaphore_mem>> -> memref<!tpu.dma_semaphore, #tpu.memory_space<semaphore_mem>>
      %dma_start3A_91 = arith.constant 0 : i32
      %dma_start3A_92 = tpu.memref_slice %arg2[%add3A_82, %dma_start3A_91] : memref<160000x128xf32, #tpu.memory_space<hbm>> -> memref<40x128xf32, #tpu.memory_space<hbm>>
      tpu.enqueue_dma source(%dma_start3A_92 : memref<40x128xf32, #tpu.memory_space<hbm>>) target(%arg9 : memref<40x128xf32, #tpu.memory_space<vmem>>) target_semaphore(%dma_start3A_90 : memref<!tpu.dma_semaphore, #tpu.memory_space<semaphore_mem>>)
      %dma_start3A_93 = arith.constant 1 : i32
      %dma_start3A_94 = tpu.memref_slice %arg3[%add3A_85] : memref<160000xi32, #tpu.memory_space<hbm>> -> memref<40xi32, #tpu.memory_space<hbm>>
      %dma_start3A_95 = tpu.memref_slice %arg11[%dma_start3A_93] : memref<2x!tpu.dma_semaphore, #tpu.memory_space<semaphore_mem>> -> memref<1x!tpu.dma_semaphore, #tpu.memory_space<semaphore_mem>>
      %dma_start3A_96 = tpu.memref_squeeze %dma_start3A_95 : memref<1x!tpu.dma_semaphore, #tpu.memory_space<semaphore_mem>> -> memref<!tpu.dma_semaphore, #tpu.memory_space<semaphore_mem>>
      %dma_start3A_97 = tpu.memref_slice %arg3[%add3A_85] : memref<160000xi32, #tpu.memory_space<hbm>> -> memref<40xi32, #tpu.memory_space<hbm>>
      tpu.enqueue_dma source(%dma_start3A_97 : memref<40xi32, #tpu.memory_space<hbm>>) target(%arg7 : memref<40xi32, #tpu.memory_space<vmem>>) target_semaphore(%dma_start3A_96 : memref<!tpu.dma_semaphore, #tpu.memory_space<semaphore_mem>>)
      "tpu.region"() ({
        %run_scoped3A = tpu.sem_alloc : memref<!tpu.dma_semaphore, #tpu.memory_space<semaphore_mem>>
        %dma_start3A_138 = arith.constant 0 : i32
        %dma_start3A_139 = arith.constant 0 : i32
        %dma_start3A_140 = tpu.memref_slice %arg10[%dma_start3A_138, %dma_start3A_139] : memref<10008x128xf32, #tpu.memory_space<vmem_shared>> -> memref<10008x128xf32, #tpu.memory_space<vmem_shared>>
        tpu.enqueue_indirect_dma source(%arg8 : memref<40x128xf32, #tpu.memory_space<vmem>>) target(%dma_start3A_140 : memref<10008x128xf32, #tpu.memory_space<vmem_shared>>) offsets(%arg6 : memref<40xi32, #tpu.memory_space<vmem>>) semaphore(%run_scoped3A : memref<!tpu.dma_semaphore, #tpu.memory_space<semaphore_mem>>) {add = true}
        %dma_wait3A_141 = arith.constant 0 : i32
        %dma_wait3A_142 = arith.constant 0 : i32
        %dma_wait3A_143 = tpu.memref_slice %arg10[%dma_wait3A_141, %dma_wait3A_142] : memref<10008x128xf32, #tpu.memory_space<vmem_shared>> -> memref<10008x128xf32, #tpu.memory_space<vmem_shared>>
        tpu.wait_indirect_dma semaphore(%run_scoped3A : memref<!tpu.dma_semaphore, #tpu.memory_space<semaphore_mem>>) src(%arg8 : memref<40x128xf32, #tpu.memory_space<vmem>>) dst(%dma_wait3A_143 : memref<10008x128xf32, #tpu.memory_space<vmem_shared>>)
        tpu.yield
      }) : () -> ()
      %add3A_98 = arith.constant 1 : i32
      %add3A_99 = arith.addi %mul3A_59, %add3A_98 : i32
      %mul3A_100 = arith.constant 40 : i32
      %mul3A_101 = arith.muli %add3A_99, %mul3A_100 : i32
      %add3A_102 = arith.addi %mul3A_4, %mul3A_101 : i32
      %mul3A_103 = arith.constant 40 : i32
      %mul3A_104 = arith.muli %add3A_99, %mul3A_103 : i32
      %add3A_105 = arith.addi %mul3A_4, %mul3A_104 : i32
      %dma_wait3A_106 = arith.constant 1 : i32
      %dma_wait3A_107 = arith.constant 0 : i32
      %dma_wait3A_108 = tpu.memref_slice %arg2[%add3A_102, %dma_wait3A_107] : memref<160000x128xf32, #tpu.memory_space<hbm>> -> memref<40x128xf32, #tpu.memory_space<hbm>>
      %dma_wait3A_109 = tpu.memref_slice %arg11[%dma_wait3A_106] : memref<2x!tpu.dma_semaphore, #tpu.memory_space<semaphore_mem>> -> memref<1x!tpu.dma_semaphore, #tpu.memory_space<semaphore_mem>>
      %dma_wait3A_110 = tpu.memref_squeeze %dma_wait3A_109 : memref<1x!tpu.dma_semaphore, #tpu.memory_space<semaphore_mem>> -> memref<!tpu.dma_semaphore, #tpu.memory_space<semaphore_mem>>
      %dma_wait3A_111 = arith.constant 0 : i32
      %dma_wait3A_112 = tpu.memref_slice %arg2[%add3A_102, %dma_wait3A_111] : memref<160000x128xf32, #tpu.memory_space<hbm>> -> memref<40x128xf32, #tpu.memory_space<hbm>>
      tpu.wait_dma2 semaphore(%dma_wait3A_110 : memref<!tpu.dma_semaphore, #tpu.memory_space<semaphore_mem>>) src(%dma_wait3A_112 : memref<40x128xf32, #tpu.memory_space<hbm>>) dst(%arg9 : memref<40x128xf32, #tpu.memory_space<vmem>>)
      %dma_wait3A_113 = arith.constant 1 : i32
      %dma_wait3A_114 = tpu.memref_slice %arg3[%add3A_105] : memref<160000xi32, #tpu.memory_space<hbm>> -> memref<40xi32, #tpu.memory_space<hbm>>
      %dma_wait3A_115 = tpu.memref_slice %arg11[%dma_wait3A_113] : memref<2x!tpu.dma_semaphore, #tpu.memory_space<semaphore_mem>> -> memref<1x!tpu.dma_semaphore, #tpu.memory_space<semaphore_mem>>
      %dma_wait3A_116 = tpu.memref_squeeze %dma_wait3A_115 : memref<1x!tpu.dma_semaphore, #tpu.memory_space<semaphore_mem>> -> memref<!tpu.dma_semaphore, #tpu.memory_space<semaphore_mem>>
      %dma_wait3A_117 = tpu.memref_slice %arg3[%add3A_105] : memref<160000xi32, #tpu.memory_space<hbm>> -> memref<40xi32, #tpu.memory_space<hbm>>
      tpu.wait_dma2 semaphore(%dma_wait3A_116 : memref<!tpu.dma_semaphore, #tpu.memory_space<semaphore_mem>>) src(%dma_wait3A_117 : memref<40xi32, #tpu.memory_space<hbm>>) dst(%arg7 : memref<40xi32, #tpu.memory_space<vmem>>)
      %add3A_118 = arith.constant 2 : i32
      %add3A_119 = arith.addi %mul3A_59, %add3A_118 : i32
      %mul3A_120 = arith.constant 40 : i32
      %mul3A_121 = arith.muli %add3A_119, %mul3A_120 : i32
      %add3A_122 = arith.addi %mul3A_4, %mul3A_121 : i32
      %mul3A_123 = arith.constant 40 : i32
      %mul3A_124 = arith.muli %add3A_119, %mul3A_123 : i32
      %add3A_125 = arith.addi %mul3A_4, %mul3A_124 : i32
      %dma_start3A_126 = arith.constant 0 : i32
      %dma_start3A_127 = arith.constant 0 : i32
      %dma_start3A_128 = tpu.memref_slice %arg2[%add3A_122, %dma_start3A_127] : memref<160000x128xf32, #tpu.memory_space<hbm>> -> memref<40x128xf32, #tpu.memory_space<hbm>>
      %dma_start3A_129 = tpu.memref_slice %arg11[%dma_start3A_126] : memref<2x!tpu.dma_semaphore, #tpu.memory_space<semaphore_mem>> -> memref<1x!tpu.dma_semaphore, #tpu.memory_space<semaphore_mem>>
      %dma_start3A_130 = tpu.memref_squeeze %dma_start3A_129 : memref<1x!tpu.dma_semaphore, #tpu.memory_space<semaphore_mem>> -> memref<!tpu.dma_semaphore, #tpu.memory_space<semaphore_mem>>
      %dma_start3A_131 = arith.constant 0 : i32
      %dma_start3A_132 = tpu.memref_slice %arg2[%add3A_122, %dma_start3A_131] : memref<160000x128xf32, #tpu.memory_space<hbm>> -> memref<40x128xf32, #tpu.memory_space<hbm>>
      tpu.enqueue_dma source(%dma_start3A_132 : memref<40x128xf32, #tpu.memory_space<hbm>>) target(%arg8 : memref<40x128xf32, #tpu.memory_space<vmem>>) target_semaphore(%dma_start3A_130 : memref<!tpu.dma_semaphore, #tpu.memory_space<semaphore_mem>>)
      %dma_start3A_133 = arith.constant 0 : i32
      %dma_start3A_134 = tpu.memref_slice %arg3[%add3A_125] : memref<160000xi32, #tpu.memory_space<hbm>> -> memref<40xi32, #tpu.memory_space<hbm>>
      %dma_start3A_135 = tpu.memref_slice %arg11[%dma_start3A_133] : memref<2x!tpu.dma_semaphore, #tpu.memory_space<semaphore_mem>> -> memref<1x!tpu.dma_semaphore, #tpu.memory_space<semaphore_mem>>
      %dma_start3A_136 = tpu.memref_squeeze %dma_start3A_135 : memref<1x!tpu.dma_semaphore, #tpu.memory_space<semaphore_mem>> -> memref<!tpu.dma_semaphore, #tpu.memory_space<semaphore_mem>>
      %dma_start3A_137 = tpu.memref_slice %arg3[%add3A_125] : memref<160000xi32, #tpu.memory_space<hbm>> -> memref<40xi32, #tpu.memory_space<hbm>>
      tpu.enqueue_dma source(%dma_start3A_137 : memref<40xi32, #tpu.memory_space<hbm>>) target(%arg6 : memref<40xi32, #tpu.memory_space<vmem>>) target_semaphore(%dma_start3A_136 : memref<!tpu.dma_semaphore, #tpu.memory_space<semaphore_mem>>)
      "tpu.region"() ({
        %run_scoped3A = tpu.sem_alloc : memref<!tpu.dma_semaphore, #tpu.memory_space<semaphore_mem>>
        %dma_start3A_138 = arith.constant 0 : i32
        %dma_start3A_139 = arith.constant 0 : i32
        %dma_start3A_140 = tpu.memref_slice %arg10[%dma_start3A_138, %dma_start3A_139] : memref<10008x128xf32, #tpu.memory_space<vmem_shared>> -> memref<10008x128xf32, #tpu.memory_space<vmem_shared>>
        tpu.enqueue_indirect_dma source(%arg9 : memref<40x128xf32, #tpu.memory_space<vmem>>) target(%dma_start3A_140 : memref<10008x128xf32, #tpu.memory_space<vmem_shared>>) offsets(%arg7 : memref<40xi32, #tpu.memory_space<vmem>>) semaphore(%run_scoped3A : memref<!tpu.dma_semaphore, #tpu.memory_space<semaphore_mem>>) {add = true}
        %dma_wait3A_141 = arith.constant 0 : i32
        %dma_wait3A_142 = arith.constant 0 : i32
        %dma_wait3A_143 = tpu.memref_slice %arg10[%dma_wait3A_141, %dma_wait3A_142] : memref<10008x128xf32, #tpu.memory_space<vmem_shared>> -> memref<10008x128xf32, #tpu.memory_space<vmem_shared>>
        tpu.wait_indirect_dma semaphore(%run_scoped3A : memref<!tpu.dma_semaphore, #tpu.memory_space<semaphore_mem>>) src(%arg9 : memref<40x128xf32, #tpu.memory_space<vmem>>) dst(%dma_wait3A_143 : memref<10008x128xf32, #tpu.memory_space<vmem_shared>>)
        tpu.yield
      }) : () -> ()
    }
    %scan3A_30 = arith.constant 62 : i32
    %add3A_31 = arith.constant 4960 : i32
    %add3A_32 = arith.addi %mul3A_4, %add3A_31 : i32
    %add3A_33 = arith.constant 4960 : i32
    %add3A_34 = arith.addi %mul3A_4, %add3A_33 : i32
    %dma_wait3A = arith.constant 0 : i32
    %dma_wait3A_35 = arith.constant 0 : i32
    %dma_wait3A_36 = tpu.memref_slice %arg2[%add3A_32, %dma_wait3A_35] : memref<160000x128xf32, #tpu.memory_space<hbm>> -> memref<40x128xf32, #tpu.memory_space<hbm>>
    %dma_wait3A_37 = tpu.memref_slice %arg11[%dma_wait3A] : memref<2x!tpu.dma_semaphore, #tpu.memory_space<semaphore_mem>> -> memref<1x!tpu.dma_semaphore, #tpu.memory_space<semaphore_mem>>
    %dma_wait3A_38 = tpu.memref_squeeze %dma_wait3A_37 : memref<1x!tpu.dma_semaphore, #tpu.memory_space<semaphore_mem>> -> memref<!tpu.dma_semaphore, #tpu.memory_space<semaphore_mem>>
    %dma_wait3A_39 = arith.constant 0 : i32
    %dma_wait3A_40 = tpu.memref_slice %arg2[%add3A_32, %dma_wait3A_39] : memref<160000x128xf32, #tpu.memory_space<hbm>> -> memref<40x128xf32, #tpu.memory_space<hbm>>
    tpu.wait_dma2 semaphore(%dma_wait3A_38 : memref<!tpu.dma_semaphore, #tpu.memory_space<semaphore_mem>>) src(%dma_wait3A_40 : memref<40x128xf32, #tpu.memory_space<hbm>>) dst(%arg8 : memref<40x128xf32, #tpu.memory_space<vmem>>)
    %dma_wait3A_41 = arith.constant 0 : i32
    %dma_wait3A_42 = tpu.memref_slice %arg3[%add3A_34] : memref<160000xi32, #tpu.memory_space<hbm>> -> memref<40xi32, #tpu.memory_space<hbm>>
    %dma_wait3A_43 = tpu.memref_slice %arg11[%dma_wait3A_41] : memref<2x!tpu.dma_semaphore, #tpu.memory_space<semaphore_mem>> -> memref<1x!tpu.dma_semaphore, #tpu.memory_space<semaphore_mem>>
    %dma_wait3A_44 = tpu.memref_squeeze %dma_wait3A_43 : memref<1x!tpu.dma_semaphore, #tpu.memory_space<semaphore_mem>> -> memref<!tpu.dma_semaphore, #tpu.memory_space<semaphore_mem>>
    %dma_wait3A_45 = tpu.memref_slice %arg3[%add3A_34] : memref<160000xi32, #tpu.memory_space<hbm>> -> memref<40xi32, #tpu.memory_space<hbm>>
    tpu.wait_dma2 semaphore(%dma_wait3A_44 : memref<!tpu.dma_semaphore, #tpu.memory_space<semaphore_mem>>) src(%dma_wait3A_45 : memref<40xi32, #tpu.memory_space<hbm>>) dst(%arg6 : memref<40xi32, #tpu.memory_space<vmem>>)
    "tpu.region"() ({
      %run_scoped3A = tpu.sem_alloc : memref<!tpu.dma_semaphore, #tpu.memory_space<semaphore_mem>>
      %dma_start3A_57 = arith.constant 0 : i32
      %dma_start3A_58 = arith.constant 0 : i32
      %dma_start3A_59 = tpu.memref_slice %arg10[%dma_start3A_57, %dma_start3A_58] : memref<10008x128xf32, #tpu.memory_space<vmem_shared>> -> memref<10008x128xf32, #tpu.memory_space<vmem_shared>>
      tpu.enqueue_indirect_dma source(%arg8 : memref<40x128xf32, #tpu.memory_space<vmem>>) target(%dma_start3A_59 : memref<10008x128xf32, #tpu.memory_space<vmem_shared>>) offsets(%arg6 : memref<40xi32, #tpu.memory_space<vmem>>) semaphore(%run_scoped3A : memref<!tpu.dma_semaphore, #tpu.memory_space<semaphore_mem>>) {add = true}
      %dma_wait3A_60 = arith.constant 0 : i32
      %dma_wait3A_61 = arith.constant 0 : i32
      %dma_wait3A_62 = tpu.memref_slice %arg10[%dma_wait3A_60, %dma_wait3A_61] : memref<10008x128xf32, #tpu.memory_space<vmem_shared>> -> memref<10008x128xf32, #tpu.memory_space<vmem_shared>>
      tpu.wait_indirect_dma semaphore(%run_scoped3A : memref<!tpu.dma_semaphore, #tpu.memory_space<semaphore_mem>>) src(%arg8 : memref<40x128xf32, #tpu.memory_space<vmem>>) dst(%dma_wait3A_62 : memref<10008x128xf32, #tpu.memory_space<vmem_shared>>)
      tpu.yield
    }) : () -> ()
    %barrier3A_46 = arith.constant 0 : index
    tpu.barrier barrier_id(%barrier3A_46)
    %lt3A_47 = arith.constant 15 : i32
    %lt3A_48 = arith.cmpi slt, %arg1, %lt3A_47 : i32
    %convert_element_type3A_49 = arith.extui %lt3A_48 : i1 to i32
    %cond3A_50 = arith.constant 0 : i32
    %cond3A_51 = arith.cmpi ne, %convert_element_type3A_49, %cond3A_50 : i32
    scf.if %cond3A_51 {
      %mul3A_57 = arith.constant 624 : i32
      %mul3A_58 = arith.muli %arg1, %mul3A_57 : i32
      %mul3A_59 = arith.constant 624 : i32
      %mul3A_60 = arith.muli %arg1, %mul3A_59 : i32
      "tpu.region"() ({
        %run_scoped3A = tpu.sem_alloc : memref<!tpu.dma_semaphore, #tpu.memory_space<semaphore_mem>>
        %dma_start3A_61 = tpu.memref_slice %arg5[%mul3A_60, %mul3A_0] : memref<10000x256xf32, #tpu.memory_space<hbm>> -> memref<624x128xf32, #tpu.memory_space<hbm>>
        %dma_start3A_62 = arith.constant 0 : i32
        %dma_start3A_63 = tpu.memref_slice %arg10[%mul3A_58, %dma_start3A_62] : memref<10008x128xf32, #tpu.memory_space<vmem_shared>> -> memref<624x128xf32, #tpu.memory_space<vmem_shared>>
        tpu.enqueue_dma source(%dma_start3A_63 : memref<624x128xf32, #tpu.memory_space<vmem_shared>>) target(%dma_start3A_61 : memref<624x128xf32, #tpu.memory_space<hbm>>) target_semaphore(%run_scoped3A : memref<!tpu.dma_semaphore, #tpu.memory_space<semaphore_mem>>)
        %dma_wait3A_64 = tpu.memref_slice %arg5[%mul3A_60, %mul3A_0] : memref<10000x256xf32, #tpu.memory_space<hbm>> -> memref<624x128xf32, #tpu.memory_space<hbm>>
        %dma_wait3A_65 = arith.constant 0 : i32
        %dma_wait3A_66 = tpu.memref_slice %arg10[%mul3A_58, %dma_wait3A_65] : memref<10008x128xf32, #tpu.memory_space<vmem_shared>> -> memref<624x128xf32, #tpu.memory_space<vmem_shared>>
        tpu.wait_dma2 semaphore(%run_scoped3A : memref<!tpu.dma_semaphore, #tpu.memory_space<semaphore_mem>>) src(%dma_wait3A_66 : memref<624x128xf32, #tpu.memory_space<vmem_shared>>) dst(%dma_wait3A_64 : memref<624x128xf32, #tpu.memory_space<hbm>>)
        tpu.yield
      }) : () -> ()
    } else {
    }
    %eq3A_52 = arith.constant 15 : i32
    %eq3A_53 = arith.cmpi eq, %arg1, %eq3A_52 : i32
    %convert_element_type3A_54 = arith.extui %eq3A_53 : i1 to i32
    %cond3A_55 = arith.constant 0 : i32
    %cond3A_56 = arith.cmpi ne, %convert_element_type3A_54, %cond3A_55 : i32
    scf.if %cond3A_56 {
      "tpu.region"() ({
        %run_scoped3A = tpu.sem_alloc : memref<!tpu.dma_semaphore, #tpu.memory_space<semaphore_mem>>
        %dma_start3A_57 = arith.constant 9360 : i32
        %dma_start3A_58 = tpu.memref_slice %arg5[%dma_start3A_57, %mul3A_0] : memref<10000x256xf32, #tpu.memory_space<hbm>> -> memref<640x128xf32, #tpu.memory_space<hbm>>
        %dma_start3A_59 = arith.constant 9360 : i32
        %dma_start3A_60 = arith.constant 0 : i32
        %dma_start3A_61 = tpu.memref_slice %arg10[%dma_start3A_59, %dma_start3A_60] : memref<10008x128xf32, #tpu.memory_space<vmem_shared>> -> memref<640x128xf32, #tpu.memory_space<vmem_shared>>
        tpu.enqueue_dma source(%dma_start3A_61 : memref<640x128xf32, #tpu.memory_space<vmem_shared>>) target(%dma_start3A_58 : memref<640x128xf32, #tpu.memory_space<hbm>>) target_semaphore(%run_scoped3A : memref<!tpu.dma_semaphore, #tpu.memory_space<semaphore_mem>>)
        %dma_wait3A_62 = arith.constant 9360 : i32
        %dma_wait3A_63 = tpu.memref_slice %arg5[%dma_wait3A_62, %mul3A_0] : memref<10000x256xf32, #tpu.memory_space<hbm>> -> memref<640x128xf32, #tpu.memory_space<hbm>>
        %dma_wait3A_64 = arith.constant 9360 : i32
        %dma_wait3A_65 = arith.constant 0 : i32
        %dma_wait3A_66 = tpu.memref_slice %arg10[%dma_wait3A_64, %dma_wait3A_65] : memref<10008x128xf32, #tpu.memory_space<vmem_shared>> -> memref<640x128xf32, #tpu.memory_space<vmem_shared>>
        tpu.wait_dma2 semaphore(%run_scoped3A : memref<!tpu.dma_semaphore, #tpu.memory_space<semaphore_mem>>) src(%dma_wait3A_66 : memref<640x128xf32, #tpu.memory_space<vmem_shared>>) dst(%dma_wait3A_63 : memref<640x128xf32, #tpu.memory_space<hbm>>)
        tpu.yield
      }) : () -> ()
    } else {
    }
    return
  }
}

#map = affine_map<(d0, d1) -> (0, 0)>
#map1 = affine_map<(d0, d1) -> (0)>
module attributes {stable_mosaic.version = 14 : i64} {
  func.func @_sc_segsum_body(%arg0: i32, %arg1: i32, %arg2: memref<160000x256xf32, #tpu.memory_space<hbm>>, %arg3: memref<160000xi32, #tpu.memory_space<hbm>>, %arg4: memref<648x128xf32, #tpu.memory_space<hbm>>, %arg5: memref<10000x256xf32, #tpu.memory_space<hbm>>, %arg6: memref<80xi32, #tpu.memory_space<vmem>>, %arg7: memref<80xi32, #tpu.memory_space<vmem>>, %arg8: memref<80x128xf32, #tpu.memory_space<vmem>>, %arg9: memref<80x128xf32, #tpu.memory_space<vmem>>, %arg10: memref<10008x128xf32, #tpu.memory_space<vmem_shared>>, %arg11: memref<2x!tpu.dma_semaphore, #tpu.memory_space<semaphore_mem>>) attributes {dimension_semantics = [#tpu.dimension_semantics<core_parallel>, #tpu.dimension_semantics<subcore_parallel>], iteration_bounds = array<i64: 2, 16>, scalar_prefetch = 0 : i64, scratch_operands = 6 : i64, tpu.core_type = #tpu.core_type<sc_vector_subcore>, window_params = [{transform_indices = #map}, {transform_indices = #map1}, {transform_indices = #map}, {transform_indices = #map}]} {
    %mul3A = arith.constant 128 : i32
    %mul3A_0 = arith.muli %arg0, %mul3A : i32
    %mul3A_1 = arith.constant 10000 : i32
    %mul3A_2 = arith.muli %arg1, %mul3A_1 : i32
    %lt3A = arith.constant 15 : i32
    %lt3A_3 = arith.cmpi slt, %arg1, %lt3A : i32
    %convert_element_type3A = arith.extui %lt3A_3 : i1 to i32
    %cond3A = arith.constant 0 : i32
    %cond3A_4 = arith.cmpi ne, %convert_element_type3A, %cond3A : i32
    scf.if %cond3A_4 {
      %mul3A_50 = arith.constant 624 : i32
      %mul3A_51 = arith.muli %arg1, %mul3A_50 : i32
      "tpu.region"() ({
        %run_scoped3A = tpu.sem_alloc : memref<!tpu.dma_semaphore, #tpu.memory_space<semaphore_mem>>
        %dma_start3A_52 = arith.constant 0 : i32
        %dma_start3A_53 = tpu.memref_slice %arg10[%mul3A_51, %dma_start3A_52] : memref<10008x128xf32, #tpu.memory_space<vmem_shared>> -> memref<624x128xf32, #tpu.memory_space<vmem_shared>>
        %dma_start3A_54 = arith.constant 0 : i32
        %dma_start3A_55 = arith.constant 0 : i32
        %dma_start3A_56 = tpu.memref_slice %arg4[%dma_start3A_54, %dma_start3A_55] : memref<648x128xf32, #tpu.memory_space<hbm>> -> memref<624x128xf32, #tpu.memory_space<hbm>>
        tpu.enqueue_dma source(%dma_start3A_56 : memref<624x128xf32, #tpu.memory_space<hbm>>) target(%dma_start3A_53 : memref<624x128xf32, #tpu.memory_space<vmem_shared>>) target_semaphore(%run_scoped3A : memref<!tpu.dma_semaphore, #tpu.memory_space<semaphore_mem>>)
        %dma_wait3A_57 = arith.constant 0 : i32
        %dma_wait3A_58 = tpu.memref_slice %arg10[%mul3A_51, %dma_wait3A_57] : memref<10008x128xf32, #tpu.memory_space<vmem_shared>> -> memref<624x128xf32, #tpu.memory_space<vmem_shared>>
        %dma_wait3A_59 = arith.constant 0 : i32
        %dma_wait3A_60 = arith.constant 0 : i32
        %dma_wait3A_61 = tpu.memref_slice %arg4[%dma_wait3A_59, %dma_wait3A_60] : memref<648x128xf32, #tpu.memory_space<hbm>> -> memref<624x128xf32, #tpu.memory_space<hbm>>
        tpu.wait_dma2 semaphore(%run_scoped3A : memref<!tpu.dma_semaphore, #tpu.memory_space<semaphore_mem>>) src(%dma_wait3A_61 : memref<624x128xf32, #tpu.memory_space<hbm>>) dst(%dma_wait3A_58 : memref<624x128xf32, #tpu.memory_space<vmem_shared>>)
        tpu.yield
      }) : () -> ()
    } else {
    }
    %eq3A = arith.constant 15 : i32
    %eq3A_5 = arith.cmpi eq, %arg1, %eq3A : i32
    %convert_element_type3A_6 = arith.extui %eq3A_5 : i1 to i32
    %cond3A_7 = arith.constant 0 : i32
    %cond3A_8 = arith.cmpi ne, %convert_element_type3A_6, %cond3A_7 : i32
    scf.if %cond3A_8 {
      "tpu.region"() ({
        %run_scoped3A = tpu.sem_alloc : memref<!tpu.dma_semaphore, #tpu.memory_space<semaphore_mem>>
        %dma_start3A_50 = arith.constant 9360 : i32
        %dma_start3A_51 = arith.constant 0 : i32
        %dma_start3A_52 = tpu.memref_slice %arg10[%dma_start3A_50, %dma_start3A_51] : memref<10008x128xf32, #tpu.memory_space<vmem_shared>> -> memref<648x128xf32, #tpu.memory_space<vmem_shared>>
        tpu.enqueue_dma source(%arg4 : memref<648x128xf32, #tpu.memory_space<hbm>>) target(%dma_start3A_52 : memref<648x128xf32, #tpu.memory_space<vmem_shared>>) target_semaphore(%run_scoped3A : memref<!tpu.dma_semaphore, #tpu.memory_space<semaphore_mem>>)
        %dma_wait3A_53 = arith.constant 9360 : i32
        %dma_wait3A_54 = arith.constant 0 : i32
        %dma_wait3A_55 = tpu.memref_slice %arg10[%dma_wait3A_53, %dma_wait3A_54] : memref<10008x128xf32, #tpu.memory_space<vmem_shared>> -> memref<648x128xf32, #tpu.memory_space<vmem_shared>>
        tpu.wait_dma2 semaphore(%run_scoped3A : memref<!tpu.dma_semaphore, #tpu.memory_space<semaphore_mem>>) src(%arg4 : memref<648x128xf32, #tpu.memory_space<hbm>>) dst(%dma_wait3A_55 : memref<648x128xf32, #tpu.memory_space<vmem_shared>>)
        tpu.yield
      }) : () -> ()
    } else {
    }
    %barrier3A = arith.constant 0 : index
    tpu.barrier barrier_id(%barrier3A)
    %add3A = arith.constant 0 : i32
    %add3A_9 = arith.addi %mul3A_2, %add3A : i32
    %add3A_10 = arith.constant 0 : i32
    %add3A_11 = arith.addi %mul3A_2, %add3A_10 : i32
    %dma_start3A = arith.constant 0 : i32
    %dma_start3A_12 = tpu.memref_slice %arg2[%add3A_9, %mul3A_0] : memref<160000x256xf32, #tpu.memory_space<hbm>> -> memref<80x128xf32, #tpu.memory_space<hbm>>
    %dma_start3A_13 = tpu.memref_slice %arg11[%dma_start3A] : memref<2x!tpu.dma_semaphore, #tpu.memory_space<semaphore_mem>> -> memref<1x!tpu.dma_semaphore, #tpu.memory_space<semaphore_mem>>
    %dma_start3A_14 = tpu.memref_squeeze %dma_start3A_13 : memref<1x!tpu.dma_semaphore, #tpu.memory_space<semaphore_mem>> -> memref<!tpu.dma_semaphore, #tpu.memory_space<semaphore_mem>>
    %dma_start3A_15 = tpu.memref_slice %arg2[%add3A_9, %mul3A_0] : memref<160000x256xf32, #tpu.memory_space<hbm>> -> memref<80x128xf32, #tpu.memory_space<hbm>>
    tpu.enqueue_dma source(%dma_start3A_15 : memref<80x128xf32, #tpu.memory_space<hbm>>) target(%arg8 : memref<80x128xf32, #tpu.memory_space<vmem>>) target_semaphore(%dma_start3A_14 : memref<!tpu.dma_semaphore, #tpu.memory_space<semaphore_mem>>)
    %dma_start3A_16 = arith.constant 0 : i32
    %dma_start3A_17 = tpu.memref_slice %arg3[%add3A_11] : memref<160000xi32, #tpu.memory_space<hbm>> -> memref<80xi32, #tpu.memory_space<hbm>>
    %dma_start3A_18 = tpu.memref_slice %arg11[%dma_start3A_16] : memref<2x!tpu.dma_semaphore, #tpu.memory_space<semaphore_mem>> -> memref<1x!tpu.dma_semaphore, #tpu.memory_space<semaphore_mem>>
    %dma_start3A_19 = tpu.memref_squeeze %dma_start3A_18 : memref<1x!tpu.dma_semaphore, #tpu.memory_space<semaphore_mem>> -> memref<!tpu.dma_semaphore, #tpu.memory_space<semaphore_mem>>
    %dma_start3A_20 = tpu.memref_slice %arg3[%add3A_11] : memref<160000xi32, #tpu.memory_space<hbm>> -> memref<80xi32, #tpu.memory_space<hbm>>
    tpu.enqueue_dma source(%dma_start3A_20 : memref<80xi32, #tpu.memory_space<hbm>>) target(%arg6 : memref<80xi32, #tpu.memory_space<vmem>>) target_semaphore(%dma_start3A_19 : memref<!tpu.dma_semaphore, #tpu.memory_space<semaphore_mem>>)
    %scan3A = arith.constant 0 : i32
    %scan3A_21 = arith.constant 0 : i32
    %scan3A_22 = arith.constant 62 : i32
    %scan3A_23 = arith.addi %scan3A_21, %scan3A_22 : i32
    %scan3A_24 = arith.constant 1 : i32
    scf.for %scan3A_50 = %scan3A_21 to %scan3A_23 step %scan3A_24  : i32 {
      %mul3A_51 = arith.constant 2 : i32
      %mul3A_52 = arith.muli %mul3A_51, %scan3A_50 : i32
      %mul3A_53 = arith.constant 80 : i32
      %mul3A_54 = arith.muli %mul3A_52, %mul3A_53 : i32
      %add3A_55 = arith.addi %mul3A_2, %mul3A_54 : i32
      %mul3A_56 = arith.constant 80 : i32
      %mul3A_57 = arith.muli %mul3A_52, %mul3A_56 : i32
      %add3A_58 = arith.addi %mul3A_2, %mul3A_57 : i32
      %dma_wait3A_59 = arith.constant 0 : i32
      %dma_wait3A_60 = tpu.memref_slice %arg2[%add3A_55, %mul3A_0] : memref<160000x256xf32, #tpu.memory_space<hbm>> -> memref<80x128xf32, #tpu.memory_space<hbm>>
      %dma_wait3A_61 = tpu.memref_slice %arg11[%dma_wait3A_59] : memref<2x!tpu.dma_semaphore, #tpu.memory_space<semaphore_mem>> -> memref<1x!tpu.dma_semaphore, #tpu.memory_space<semaphore_mem>>
      %dma_wait3A_62 = tpu.memref_squeeze %dma_wait3A_61 : memref<1x!tpu.dma_semaphore, #tpu.memory_space<semaphore_mem>> -> memref<!tpu.dma_semaphore, #tpu.memory_space<semaphore_mem>>
      %dma_wait3A_63 = tpu.memref_slice %arg2[%add3A_55, %mul3A_0] : memref<160000x256xf32, #tpu.memory_space<hbm>> -> memref<80x128xf32, #tpu.memory_space<hbm>>
      tpu.wait_dma2 semaphore(%dma_wait3A_62 : memref<!tpu.dma_semaphore, #tpu.memory_space<semaphore_mem>>) src(%dma_wait3A_63 : memref<80x128xf32, #tpu.memory_space<hbm>>) dst(%arg8 : memref<80x128xf32, #tpu.memory_space<vmem>>)
      %dma_wait3A_64 = arith.constant 0 : i32
      %dma_wait3A_65 = tpu.memref_slice %arg3[%add3A_58] : memref<160000xi32, #tpu.memory_space<hbm>> -> memref<80xi32, #tpu.memory_space<hbm>>
      %dma_wait3A_66 = tpu.memref_slice %arg11[%dma_wait3A_64] : memref<2x!tpu.dma_semaphore, #tpu.memory_space<semaphore_mem>> -> memref<1x!tpu.dma_semaphore, #tpu.memory_space<semaphore_mem>>
      %dma_wait3A_67 = tpu.memref_squeeze %dma_wait3A_66 : memref<1x!tpu.dma_semaphore, #tpu.memory_space<semaphore_mem>> -> memref<!tpu.dma_semaphore, #tpu.memory_space<semaphore_mem>>
      %dma_wait3A_68 = tpu.memref_slice %arg3[%add3A_58] : memref<160000xi32, #tpu.memory_space<hbm>> -> memref<80xi32, #tpu.memory_space<hbm>>
      tpu.wait_dma2 semaphore(%dma_wait3A_67 : memref<!tpu.dma_semaphore, #tpu.memory_space<semaphore_mem>>) src(%dma_wait3A_68 : memref<80xi32, #tpu.memory_space<hbm>>) dst(%arg6 : memref<80xi32, #tpu.memory_space<vmem>>)
      %add3A_69 = arith.constant 1 : i32
      %add3A_70 = arith.addi %mul3A_52, %add3A_69 : i32
      %mul3A_71 = arith.constant 80 : i32
      %mul3A_72 = arith.muli %add3A_70, %mul3A_71 : i32
      %add3A_73 = arith.addi %mul3A_2, %mul3A_72 : i32
      %mul3A_74 = arith.constant 80 : i32
      %mul3A_75 = arith.muli %add3A_70, %mul3A_74 : i32
      %add3A_76 = arith.addi %mul3A_2, %mul3A_75 : i32
      %dma_start3A_77 = arith.constant 1 : i32
      %dma_start3A_78 = tpu.memref_slice %arg2[%add3A_73, %mul3A_0] : memref<160000x256xf32, #tpu.memory_space<hbm>> -> memref<80x128xf32, #tpu.memory_space<hbm>>
      %dma_start3A_79 = tpu.memref_slice %arg11[%dma_start3A_77] : memref<2x!tpu.dma_semaphore, #tpu.memory_space<semaphore_mem>> -> memref<1x!tpu.dma_semaphore, #tpu.memory_space<semaphore_mem>>
      %dma_start3A_80 = tpu.memref_squeeze %dma_start3A_79 : memref<1x!tpu.dma_semaphore, #tpu.memory_space<semaphore_mem>> -> memref<!tpu.dma_semaphore, #tpu.memory_space<semaphore_mem>>
      %dma_start3A_81 = tpu.memref_slice %arg2[%add3A_73, %mul3A_0] : memref<160000x256xf32, #tpu.memory_space<hbm>> -> memref<80x128xf32, #tpu.memory_space<hbm>>
      tpu.enqueue_dma source(%dma_start3A_81 : memref<80x128xf32, #tpu.memory_space<hbm>>) target(%arg9 : memref<80x128xf32, #tpu.memory_space<vmem>>) target_semaphore(%dma_start3A_80 : memref<!tpu.dma_semaphore, #tpu.memory_space<semaphore_mem>>)
      %dma_start3A_82 = arith.constant 1 : i32
      %dma_start3A_83 = tpu.memref_slice %arg3[%add3A_76] : memref<160000xi32, #tpu.memory_space<hbm>> -> memref<80xi32, #tpu.memory_space<hbm>>
      %dma_start3A_84 = tpu.memref_slice %arg11[%dma_start3A_82] : memref<2x!tpu.dma_semaphore, #tpu.memory_space<semaphore_mem>> -> memref<1x!tpu.dma_semaphore, #tpu.memory_space<semaphore_mem>>
      %dma_start3A_85 = tpu.memref_squeeze %dma_start3A_84 : memref<1x!tpu.dma_semaphore, #tpu.memory_space<semaphore_mem>> -> memref<!tpu.dma_semaphore, #tpu.memory_space<semaphore_mem>>
      %dma_start3A_86 = tpu.memref_slice %arg3[%add3A_76] : memref<160000xi32, #tpu.memory_space<hbm>> -> memref<80xi32, #tpu.memory_space<hbm>>
      tpu.enqueue_dma source(%dma_start3A_86 : memref<80xi32, #tpu.memory_space<hbm>>) target(%arg7 : memref<80xi32, #tpu.memory_space<vmem>>) target_semaphore(%dma_start3A_85 : memref<!tpu.dma_semaphore, #tpu.memory_space<semaphore_mem>>)
      "tpu.region"() ({
        %run_scoped3A = tpu.sem_alloc : memref<!tpu.dma_semaphore, #tpu.memory_space<semaphore_mem>>
        %dma_start3A_123 = arith.constant 0 : i32
        %dma_start3A_124 = arith.constant 0 : i32
        %dma_start3A_125 = tpu.memref_slice %arg10[%dma_start3A_123, %dma_start3A_124] : memref<10008x128xf32, #tpu.memory_space<vmem_shared>> -> memref<10008x128xf32, #tpu.memory_space<vmem_shared>>
        tpu.enqueue_indirect_dma source(%arg8 : memref<80x128xf32, #tpu.memory_space<vmem>>) target(%dma_start3A_125 : memref<10008x128xf32, #tpu.memory_space<vmem_shared>>) offsets(%arg6 : memref<80xi32, #tpu.memory_space<vmem>>) semaphore(%run_scoped3A : memref<!tpu.dma_semaphore, #tpu.memory_space<semaphore_mem>>) {add = true}
        %dma_wait3A_126 = arith.constant 0 : i32
        %dma_wait3A_127 = arith.constant 0 : i32
        %dma_wait3A_128 = tpu.memref_slice %arg10[%dma_wait3A_126, %dma_wait3A_127] : memref<10008x128xf32, #tpu.memory_space<vmem_shared>> -> memref<10008x128xf32, #tpu.memory_space<vmem_shared>>
        tpu.wait_indirect_dma semaphore(%run_scoped3A : memref<!tpu.dma_semaphore, #tpu.memory_space<semaphore_mem>>) src(%arg8 : memref<80x128xf32, #tpu.memory_space<vmem>>) dst(%dma_wait3A_128 : memref<10008x128xf32, #tpu.memory_space<vmem_shared>>)
        tpu.yield
      }) : () -> ()
      %add3A_87 = arith.constant 1 : i32
      %add3A_88 = arith.addi %mul3A_52, %add3A_87 : i32
      %mul3A_89 = arith.constant 80 : i32
      %mul3A_90 = arith.muli %add3A_88, %mul3A_89 : i32
      %add3A_91 = arith.addi %mul3A_2, %mul3A_90 : i32
      %mul3A_92 = arith.constant 80 : i32
      %mul3A_93 = arith.muli %add3A_88, %mul3A_92 : i32
      %add3A_94 = arith.addi %mul3A_2, %mul3A_93 : i32
      %dma_wait3A_95 = arith.constant 1 : i32
      %dma_wait3A_96 = tpu.memref_slice %arg2[%add3A_91, %mul3A_0] : memref<160000x256xf32, #tpu.memory_space<hbm>> -> memref<80x128xf32, #tpu.memory_space<hbm>>
      %dma_wait3A_97 = tpu.memref_slice %arg11[%dma_wait3A_95] : memref<2x!tpu.dma_semaphore, #tpu.memory_space<semaphore_mem>> -> memref<1x!tpu.dma_semaphore, #tpu.memory_space<semaphore_mem>>
      %dma_wait3A_98 = tpu.memref_squeeze %dma_wait3A_97 : memref<1x!tpu.dma_semaphore, #tpu.memory_space<semaphore_mem>> -> memref<!tpu.dma_semaphore, #tpu.memory_space<semaphore_mem>>
      %dma_wait3A_99 = tpu.memref_slice %arg2[%add3A_91, %mul3A_0] : memref<160000x256xf32, #tpu.memory_space<hbm>> -> memref<80x128xf32, #tpu.memory_space<hbm>>
      tpu.wait_dma2 semaphore(%dma_wait3A_98 : memref<!tpu.dma_semaphore, #tpu.memory_space<semaphore_mem>>) src(%dma_wait3A_99 : memref<80x128xf32, #tpu.memory_space<hbm>>) dst(%arg9 : memref<80x128xf32, #tpu.memory_space<vmem>>)
      %dma_wait3A_100 = arith.constant 1 : i32
      %dma_wait3A_101 = tpu.memref_slice %arg3[%add3A_94] : memref<160000xi32, #tpu.memory_space<hbm>> -> memref<80xi32, #tpu.memory_space<hbm>>
      %dma_wait3A_102 = tpu.memref_slice %arg11[%dma_wait3A_100] : memref<2x!tpu.dma_semaphore, #tpu.memory_space<semaphore_mem>> -> memref<1x!tpu.dma_semaphore, #tpu.memory_space<semaphore_mem>>
      %dma_wait3A_103 = tpu.memref_squeeze %dma_wait3A_102 : memref<1x!tpu.dma_semaphore, #tpu.memory_space<semaphore_mem>> -> memref<!tpu.dma_semaphore, #tpu.memory_space<semaphore_mem>>
      %dma_wait3A_104 = tpu.memref_slice %arg3[%add3A_94] : memref<160000xi32, #tpu.memory_space<hbm>> -> memref<80xi32, #tpu.memory_space<hbm>>
      tpu.wait_dma2 semaphore(%dma_wait3A_103 : memref<!tpu.dma_semaphore, #tpu.memory_space<semaphore_mem>>) src(%dma_wait3A_104 : memref<80xi32, #tpu.memory_space<hbm>>) dst(%arg7 : memref<80xi32, #tpu.memory_space<vmem>>)
      %add3A_105 = arith.constant 2 : i32
      %add3A_106 = arith.addi %mul3A_52, %add3A_105 : i32
      %mul3A_107 = arith.constant 80 : i32
      %mul3A_108 = arith.muli %add3A_106, %mul3A_107 : i32
      %add3A_109 = arith.addi %mul3A_2, %mul3A_108 : i32
      %mul3A_110 = arith.constant 80 : i32
      %mul3A_111 = arith.muli %add3A_106, %mul3A_110 : i32
      %add3A_112 = arith.addi %mul3A_2, %mul3A_111 : i32
      %dma_start3A_113 = arith.constant 0 : i32
      %dma_start3A_114 = tpu.memref_slice %arg2[%add3A_109, %mul3A_0] : memref<160000x256xf32, #tpu.memory_space<hbm>> -> memref<80x128xf32, #tpu.memory_space<hbm>>
      %dma_start3A_115 = tpu.memref_slice %arg11[%dma_start3A_113] : memref<2x!tpu.dma_semaphore, #tpu.memory_space<semaphore_mem>> -> memref<1x!tpu.dma_semaphore, #tpu.memory_space<semaphore_mem>>
      %dma_start3A_116 = tpu.memref_squeeze %dma_start3A_115 : memref<1x!tpu.dma_semaphore, #tpu.memory_space<semaphore_mem>> -> memref<!tpu.dma_semaphore, #tpu.memory_space<semaphore_mem>>
      %dma_start3A_117 = tpu.memref_slice %arg2[%add3A_109, %mul3A_0] : memref<160000x256xf32, #tpu.memory_space<hbm>> -> memref<80x128xf32, #tpu.memory_space<hbm>>
      tpu.enqueue_dma source(%dma_start3A_117 : memref<80x128xf32, #tpu.memory_space<hbm>>) target(%arg8 : memref<80x128xf32, #tpu.memory_space<vmem>>) target_semaphore(%dma_start3A_116 : memref<!tpu.dma_semaphore, #tpu.memory_space<semaphore_mem>>)
      %dma_start3A_118 = arith.constant 0 : i32
      %dma_start3A_119 = tpu.memref_slice %arg3[%add3A_112] : memref<160000xi32, #tpu.memory_space<hbm>> -> memref<80xi32, #tpu.memory_space<hbm>>
      %dma_start3A_120 = tpu.memref_slice %arg11[%dma_start3A_118] : memref<2x!tpu.dma_semaphore, #tpu.memory_space<semaphore_mem>> -> memref<1x!tpu.dma_semaphore, #tpu.memory_space<semaphore_mem>>
      %dma_start3A_121 = tpu.memref_squeeze %dma_start3A_120 : memref<1x!tpu.dma_semaphore, #tpu.memory_space<semaphore_mem>> -> memref<!tpu.dma_semaphore, #tpu.memory_space<semaphore_mem>>
      %dma_start3A_122 = tpu.memref_slice %arg3[%add3A_112] : memref<160000xi32, #tpu.memory_space<hbm>> -> memref<80xi32, #tpu.memory_space<hbm>>
      tpu.enqueue_dma source(%dma_start3A_122 : memref<80xi32, #tpu.memory_space<hbm>>) target(%arg6 : memref<80xi32, #tpu.memory_space<vmem>>) target_semaphore(%dma_start3A_121 : memref<!tpu.dma_semaphore, #tpu.memory_space<semaphore_mem>>)
      "tpu.region"() ({
        %run_scoped3A = tpu.sem_alloc : memref<!tpu.dma_semaphore, #tpu.memory_space<semaphore_mem>>
        %dma_start3A_123 = arith.constant 0 : i32
        %dma_start3A_124 = arith.constant 0 : i32
        %dma_start3A_125 = tpu.memref_slice %arg10[%dma_start3A_123, %dma_start3A_124] : memref<10008x128xf32, #tpu.memory_space<vmem_shared>> -> memref<10008x128xf32, #tpu.memory_space<vmem_shared>>
        tpu.enqueue_indirect_dma source(%arg9 : memref<80x128xf32, #tpu.memory_space<vmem>>) target(%dma_start3A_125 : memref<10008x128xf32, #tpu.memory_space<vmem_shared>>) offsets(%arg7 : memref<80xi32, #tpu.memory_space<vmem>>) semaphore(%run_scoped3A : memref<!tpu.dma_semaphore, #tpu.memory_space<semaphore_mem>>) {add = true}
        %dma_wait3A_126 = arith.constant 0 : i32
        %dma_wait3A_127 = arith.constant 0 : i32
        %dma_wait3A_128 = tpu.memref_slice %arg10[%dma_wait3A_126, %dma_wait3A_127] : memref<10008x128xf32, #tpu.memory_space<vmem_shared>> -> memref<10008x128xf32, #tpu.memory_space<vmem_shared>>
        tpu.wait_indirect_dma semaphore(%run_scoped3A : memref<!tpu.dma_semaphore, #tpu.memory_space<semaphore_mem>>) src(%arg9 : memref<80x128xf32, #tpu.memory_space<vmem>>) dst(%dma_wait3A_128 : memref<10008x128xf32, #tpu.memory_space<vmem_shared>>)
        tpu.yield
      }) : () -> ()
    }
    %scan3A_25 = arith.constant 62 : i32
    %add3A_26 = arith.constant 9920 : i32
    %add3A_27 = arith.addi %mul3A_2, %add3A_26 : i32
    %add3A_28 = arith.constant 9920 : i32
    %add3A_29 = arith.addi %mul3A_2, %add3A_28 : i32
    %dma_wait3A = arith.constant 0 : i32
    %dma_wait3A_30 = tpu.memref_slice %arg2[%add3A_27, %mul3A_0] : memref<160000x256xf32, #tpu.memory_space<hbm>> -> memref<80x128xf32, #tpu.memory_space<hbm>>
    %dma_wait3A_31 = tpu.memref_slice %arg11[%dma_wait3A] : memref<2x!tpu.dma_semaphore, #tpu.memory_space<semaphore_mem>> -> memref<1x!tpu.dma_semaphore, #tpu.memory_space<semaphore_mem>>
    %dma_wait3A_32 = tpu.memref_squeeze %dma_wait3A_31 : memref<1x!tpu.dma_semaphore, #tpu.memory_space<semaphore_mem>> -> memref<!tpu.dma_semaphore, #tpu.memory_space<semaphore_mem>>
    %dma_wait3A_33 = tpu.memref_slice %arg2[%add3A_27, %mul3A_0] : memref<160000x256xf32, #tpu.memory_space<hbm>> -> memref<80x128xf32, #tpu.memory_space<hbm>>
    tpu.wait_dma2 semaphore(%dma_wait3A_32 : memref<!tpu.dma_semaphore, #tpu.memory_space<semaphore_mem>>) src(%dma_wait3A_33 : memref<80x128xf32, #tpu.memory_space<hbm>>) dst(%arg8 : memref<80x128xf32, #tpu.memory_space<vmem>>)
    %dma_wait3A_34 = arith.constant 0 : i32
    %dma_wait3A_35 = tpu.memref_slice %arg3[%add3A_29] : memref<160000xi32, #tpu.memory_space<hbm>> -> memref<80xi32, #tpu.memory_space<hbm>>
    %dma_wait3A_36 = tpu.memref_slice %arg11[%dma_wait3A_34] : memref<2x!tpu.dma_semaphore, #tpu.memory_space<semaphore_mem>> -> memref<1x!tpu.dma_semaphore, #tpu.memory_space<semaphore_mem>>
    %dma_wait3A_37 = tpu.memref_squeeze %dma_wait3A_36 : memref<1x!tpu.dma_semaphore, #tpu.memory_space<semaphore_mem>> -> memref<!tpu.dma_semaphore, #tpu.memory_space<semaphore_mem>>
    %dma_wait3A_38 = tpu.memref_slice %arg3[%add3A_29] : memref<160000xi32, #tpu.memory_space<hbm>> -> memref<80xi32, #tpu.memory_space<hbm>>
    tpu.wait_dma2 semaphore(%dma_wait3A_37 : memref<!tpu.dma_semaphore, #tpu.memory_space<semaphore_mem>>) src(%dma_wait3A_38 : memref<80xi32, #tpu.memory_space<hbm>>) dst(%arg6 : memref<80xi32, #tpu.memory_space<vmem>>)
    "tpu.region"() ({
      %run_scoped3A = tpu.sem_alloc : memref<!tpu.dma_semaphore, #tpu.memory_space<semaphore_mem>>
      %dma_start3A_50 = arith.constant 0 : i32
      %dma_start3A_51 = arith.constant 0 : i32
      %dma_start3A_52 = tpu.memref_slice %arg10[%dma_start3A_50, %dma_start3A_51] : memref<10008x128xf32, #tpu.memory_space<vmem_shared>> -> memref<10008x128xf32, #tpu.memory_space<vmem_shared>>
      tpu.enqueue_indirect_dma source(%arg8 : memref<80x128xf32, #tpu.memory_space<vmem>>) target(%dma_start3A_52 : memref<10008x128xf32, #tpu.memory_space<vmem_shared>>) offsets(%arg6 : memref<80xi32, #tpu.memory_space<vmem>>) semaphore(%run_scoped3A : memref<!tpu.dma_semaphore, #tpu.memory_space<semaphore_mem>>) {add = true}
      %dma_wait3A_53 = arith.constant 0 : i32
      %dma_wait3A_54 = arith.constant 0 : i32
      %dma_wait3A_55 = tpu.memref_slice %arg10[%dma_wait3A_53, %dma_wait3A_54] : memref<10008x128xf32, #tpu.memory_space<vmem_shared>> -> memref<10008x128xf32, #tpu.memory_space<vmem_shared>>
      tpu.wait_indirect_dma semaphore(%run_scoped3A : memref<!tpu.dma_semaphore, #tpu.memory_space<semaphore_mem>>) src(%arg8 : memref<80x128xf32, #tpu.memory_space<vmem>>) dst(%dma_wait3A_55 : memref<10008x128xf32, #tpu.memory_space<vmem_shared>>)
      tpu.yield
    }) : () -> ()
    %barrier3A_39 = arith.constant 0 : index
    tpu.barrier barrier_id(%barrier3A_39)
    %lt3A_40 = arith.constant 15 : i32
    %lt3A_41 = arith.cmpi slt, %arg1, %lt3A_40 : i32
    %convert_element_type3A_42 = arith.extui %lt3A_41 : i1 to i32
    %cond3A_43 = arith.constant 0 : i32
    %cond3A_44 = arith.cmpi ne, %convert_element_type3A_42, %cond3A_43 : i32
    scf.if %cond3A_44 {
      %mul3A_50 = arith.constant 624 : i32
      %mul3A_51 = arith.muli %arg1, %mul3A_50 : i32
      %mul3A_52 = arith.constant 624 : i32
      %mul3A_53 = arith.muli %arg1, %mul3A_52 : i32
      "tpu.region"() ({
        %run_scoped3A = tpu.sem_alloc : memref<!tpu.dma_semaphore, #tpu.memory_space<semaphore_mem>>
        %dma_start3A_54 = tpu.memref_slice %arg5[%mul3A_53, %mul3A_0] : memref<10000x256xf32, #tpu.memory_space<hbm>> -> memref<624x128xf32, #tpu.memory_space<hbm>>
        %dma_start3A_55 = arith.constant 0 : i32
        %dma_start3A_56 = tpu.memref_slice %arg10[%mul3A_51, %dma_start3A_55] : memref<10008x128xf32, #tpu.memory_space<vmem_shared>> -> memref<624x128xf32, #tpu.memory_space<vmem_shared>>
        tpu.enqueue_dma source(%dma_start3A_56 : memref<624x128xf32, #tpu.memory_space<vmem_shared>>) target(%dma_start3A_54 : memref<624x128xf32, #tpu.memory_space<hbm>>) target_semaphore(%run_scoped3A : memref<!tpu.dma_semaphore, #tpu.memory_space<semaphore_mem>>)
        %dma_wait3A_57 = tpu.memref_slice %arg5[%mul3A_53, %mul3A_0] : memref<10000x256xf32, #tpu.memory_space<hbm>> -> memref<624x128xf32, #tpu.memory_space<hbm>>
        %dma_wait3A_58 = arith.constant 0 : i32
        %dma_wait3A_59 = tpu.memref_slice %arg10[%mul3A_51, %dma_wait3A_58] : memref<10008x128xf32, #tpu.memory_space<vmem_shared>> -> memref<624x128xf32, #tpu.memory_space<vmem_shared>>
        tpu.wait_dma2 semaphore(%run_scoped3A : memref<!tpu.dma_semaphore, #tpu.memory_space<semaphore_mem>>) src(%dma_wait3A_59 : memref<624x128xf32, #tpu.memory_space<vmem_shared>>) dst(%dma_wait3A_57 : memref<624x128xf32, #tpu.memory_space<hbm>>)
        tpu.yield
      }) : () -> ()
    } else {
    }
    %eq3A_45 = arith.constant 15 : i32
    %eq3A_46 = arith.cmpi eq, %arg1, %eq3A_45 : i32
    %convert_element_type3A_47 = arith.extui %eq3A_46 : i1 to i32
    %cond3A_48 = arith.constant 0 : i32
    %cond3A_49 = arith.cmpi ne, %convert_element_type3A_47, %cond3A_48 : i32
    scf.if %cond3A_49 {
      "tpu.region"() ({
        %run_scoped3A = tpu.sem_alloc : memref<!tpu.dma_semaphore, #tpu.memory_space<semaphore_mem>>
        %dma_start3A_50 = arith.constant 9360 : i32
        %dma_start3A_51 = tpu.memref_slice %arg5[%dma_start3A_50, %mul3A_0] : memref<10000x256xf32, #tpu.memory_space<hbm>> -> memref<640x128xf32, #tpu.memory_space<hbm>>
        %dma_start3A_52 = arith.constant 9360 : i32
        %dma_start3A_53 = arith.constant 0 : i32
        %dma_start3A_54 = tpu.memref_slice %arg10[%dma_start3A_52, %dma_start3A_53] : memref<10008x128xf32, #tpu.memory_space<vmem_shared>> -> memref<640x128xf32, #tpu.memory_space<vmem_shared>>
        tpu.enqueue_dma source(%dma_start3A_54 : memref<640x128xf32, #tpu.memory_space<vmem_shared>>) target(%dma_start3A_51 : memref<640x128xf32, #tpu.memory_space<hbm>>) target_semaphore(%run_scoped3A : memref<!tpu.dma_semaphore, #tpu.memory_space<semaphore_mem>>)
        %dma_wait3A_55 = arith.constant 9360 : i32
        %dma_wait3A_56 = tpu.memref_slice %arg5[%dma_wait3A_55, %mul3A_0] : memref<10000x256xf32, #tpu.memory_space<hbm>> -> memref<640x128xf32, #tpu.memory_space<hbm>>
        %dma_wait3A_57 = arith.constant 9360 : i32
        %dma_wait3A_58 = arith.constant 0 : i32
        %dma_wait3A_59 = tpu.memref_slice %arg10[%dma_wait3A_57, %dma_wait3A_58] : memref<10008x128xf32, #tpu.memory_space<vmem_shared>> -> memref<640x128xf32, #tpu.memory_space<vmem_shared>>
        tpu.wait_dma2 semaphore(%run_scoped3A : memref<!tpu.dma_semaphore, #tpu.memory_space<semaphore_mem>>) src(%dma_wait3A_59 : memref<640x128xf32, #tpu.memory_space<vmem_shared>>) dst(%dma_wait3A_56 : memref<640x128xf32, #tpu.memory_space<hbm>>)
        tpu.yield
      }) : () -> ()
    } else {
    }
    return
  }
}

#map = affine_map<(d0, d1) -> (0, 0)>
#map1 = affine_map<(d0, d1) -> (0)>
module attributes {stable_mosaic.version = 14 : i64} {
  func.func @_sc_segsum_body(%arg0: i32, %arg1: i32, %arg2: memref<160000x256xf32, #tpu.memory_space<hbm>>, %arg3: memref<160000xi32, #tpu.memory_space<hbm>>, %arg4: memref<648x128xf32, #tpu.memory_space<hbm>>, %arg5: memref<10000x256xf32, #tpu.memory_space<hbm>>, %arg6: memref<80xi32, #tpu.memory_space<vmem>>, %arg7: memref<80xi32, #tpu.memory_space<vmem>>, %arg8: memref<80x128xf32, #tpu.memory_space<vmem>>, %arg9: memref<80x128xf32, #tpu.memory_space<vmem>>, %arg10: memref<10008x128xf32, #tpu.memory_space<vmem_shared>>, %arg11: memref<2x!tpu.dma_semaphore, #tpu.memory_space<semaphore_mem>>) attributes {dimension_semantics = [#tpu.dimension_semantics<core_parallel>, #tpu.dimension_semantics<subcore_parallel>], iteration_bounds = array<i64: 2, 16>, scalar_prefetch = 0 : i64, scratch_operands = 6 : i64, tpu.core_type = #tpu.core_type<sc_vector_subcore>, window_params = [{transform_indices = #map}, {transform_indices = #map1}, {transform_indices = #map}, {transform_indices = #map}]} {
    %mul3A = arith.constant 128 : i32
    %mul3A_0 = arith.muli %arg0, %mul3A : i32
    %mul3A_1 = arith.constant 10000 : i32
    %mul3A_2 = arith.muli %arg1, %mul3A_1 : i32
    %lt3A = arith.constant 15 : i32
    %lt3A_3 = arith.cmpi slt, %arg1, %lt3A : i32
    %convert_element_type3A = arith.extui %lt3A_3 : i1 to i32
    %cond3A = arith.constant 0 : i32
    %cond3A_4 = arith.cmpi ne, %convert_element_type3A, %cond3A : i32
    scf.if %cond3A_4 {
      %mul3A_50 = arith.constant 624 : i32
      %mul3A_51 = arith.muli %arg1, %mul3A_50 : i32
      "tpu.region"() ({
        %run_scoped3A = tpu.sem_alloc : memref<!tpu.dma_semaphore, #tpu.memory_space<semaphore_mem>>
        %dma_start3A_52 = arith.constant 0 : i32
        %dma_start3A_53 = tpu.memref_slice %arg10[%mul3A_51, %dma_start3A_52] : memref<10008x128xf32, #tpu.memory_space<vmem_shared>> -> memref<624x128xf32, #tpu.memory_space<vmem_shared>>
        %dma_start3A_54 = arith.constant 0 : i32
        %dma_start3A_55 = arith.constant 0 : i32
        %dma_start3A_56 = tpu.memref_slice %arg4[%dma_start3A_54, %dma_start3A_55] : memref<648x128xf32, #tpu.memory_space<hbm>> -> memref<624x128xf32, #tpu.memory_space<hbm>>
        tpu.enqueue_dma source(%dma_start3A_56 : memref<624x128xf32, #tpu.memory_space<hbm>>) target(%dma_start3A_53 : memref<624x128xf32, #tpu.memory_space<vmem_shared>>) target_semaphore(%run_scoped3A : memref<!tpu.dma_semaphore, #tpu.memory_space<semaphore_mem>>)
        %dma_wait3A_57 = arith.constant 0 : i32
        %dma_wait3A_58 = tpu.memref_slice %arg10[%mul3A_51, %dma_wait3A_57] : memref<10008x128xf32, #tpu.memory_space<vmem_shared>> -> memref<624x128xf32, #tpu.memory_space<vmem_shared>>
        %dma_wait3A_59 = arith.constant 0 : i32
        %dma_wait3A_60 = arith.constant 0 : i32
        %dma_wait3A_61 = tpu.memref_slice %arg4[%dma_wait3A_59, %dma_wait3A_60] : memref<648x128xf32, #tpu.memory_space<hbm>> -> memref<624x128xf32, #tpu.memory_space<hbm>>
        tpu.wait_dma2 semaphore(%run_scoped3A : memref<!tpu.dma_semaphore, #tpu.memory_space<semaphore_mem>>) src(%dma_wait3A_61 : memref<624x128xf32, #tpu.memory_space<hbm>>) dst(%dma_wait3A_58 : memref<624x128xf32, #tpu.memory_space<vmem_shared>>)
        tpu.yield
      }) : () -> ()
    } else {
    }
    %eq3A = arith.constant 15 : i32
    %eq3A_5 = arith.cmpi eq, %arg1, %eq3A : i32
    %convert_element_type3A_6 = arith.extui %eq3A_5 : i1 to i32
    %cond3A_7 = arith.constant 0 : i32
    %cond3A_8 = arith.cmpi ne, %convert_element_type3A_6, %cond3A_7 : i32
    scf.if %cond3A_8 {
      "tpu.region"() ({
        %run_scoped3A = tpu.sem_alloc : memref<!tpu.dma_semaphore, #tpu.memory_space<semaphore_mem>>
        %dma_start3A_50 = arith.constant 9360 : i32
        %dma_start3A_51 = arith.constant 0 : i32
        %dma_start3A_52 = tpu.memref_slice %arg10[%dma_start3A_50, %dma_start3A_51] : memref<10008x128xf32, #tpu.memory_space<vmem_shared>> -> memref<648x128xf32, #tpu.memory_space<vmem_shared>>
        tpu.enqueue_dma source(%arg4 : memref<648x128xf32, #tpu.memory_space<hbm>>) target(%dma_start3A_52 : memref<648x128xf32, #tpu.memory_space<vmem_shared>>) target_semaphore(%run_scoped3A : memref<!tpu.dma_semaphore, #tpu.memory_space<semaphore_mem>>)
        %dma_wait3A_53 = arith.constant 9360 : i32
        %dma_wait3A_54 = arith.constant 0 : i32
        %dma_wait3A_55 = tpu.memref_slice %arg10[%dma_wait3A_53, %dma_wait3A_54] : memref<10008x128xf32, #tpu.memory_space<vmem_shared>> -> memref<648x128xf32, #tpu.memory_space<vmem_shared>>
        tpu.wait_dma2 semaphore(%run_scoped3A : memref<!tpu.dma_semaphore, #tpu.memory_space<semaphore_mem>>) src(%arg4 : memref<648x128xf32, #tpu.memory_space<hbm>>) dst(%dma_wait3A_55 : memref<648x128xf32, #tpu.memory_space<vmem_shared>>)
        tpu.yield
      }) : () -> ()
    } else {
    }
    %barrier3A = arith.constant 0 : index
    tpu.barrier barrier_id(%barrier3A)
    %add3A = arith.constant 0 : i32
    %add3A_9 = arith.addi %mul3A_2, %add3A : i32
    %add3A_10 = arith.constant 0 : i32
    %add3A_11 = arith.addi %mul3A_2, %add3A_10 : i32
    %dma_start3A = arith.constant 0 : i32
    %dma_start3A_12 = tpu.memref_slice %arg2[%add3A_9, %mul3A_0] : memref<160000x256xf32, #tpu.memory_space<hbm>> -> memref<80x128xf32, #tpu.memory_space<hbm>>
    %dma_start3A_13 = tpu.memref_slice %arg11[%dma_start3A] : memref<2x!tpu.dma_semaphore, #tpu.memory_space<semaphore_mem>> -> memref<1x!tpu.dma_semaphore, #tpu.memory_space<semaphore_mem>>
    %dma_start3A_14 = tpu.memref_squeeze %dma_start3A_13 : memref<1x!tpu.dma_semaphore, #tpu.memory_space<semaphore_mem>> -> memref<!tpu.dma_semaphore, #tpu.memory_space<semaphore_mem>>
    %dma_start3A_15 = tpu.memref_slice %arg2[%add3A_9, %mul3A_0] : memref<160000x256xf32, #tpu.memory_space<hbm>> -> memref<80x128xf32, #tpu.memory_space<hbm>>
    tpu.enqueue_dma source(%dma_start3A_15 : memref<80x128xf32, #tpu.memory_space<hbm>>) target(%arg8 : memref<80x128xf32, #tpu.memory_space<vmem>>) target_semaphore(%dma_start3A_14 : memref<!tpu.dma_semaphore, #tpu.memory_space<semaphore_mem>>)
    %dma_start3A_16 = arith.constant 0 : i32
    %dma_start3A_17 = tpu.memref_slice %arg3[%add3A_11] : memref<160000xi32, #tpu.memory_space<hbm>> -> memref<80xi32, #tpu.memory_space<hbm>>
    %dma_start3A_18 = tpu.memref_slice %arg11[%dma_start3A_16] : memref<2x!tpu.dma_semaphore, #tpu.memory_space<semaphore_mem>> -> memref<1x!tpu.dma_semaphore, #tpu.memory_space<semaphore_mem>>
    %dma_start3A_19 = tpu.memref_squeeze %dma_start3A_18 : memref<1x!tpu.dma_semaphore, #tpu.memory_space<semaphore_mem>> -> memref<!tpu.dma_semaphore, #tpu.memory_space<semaphore_mem>>
    %dma_start3A_20 = tpu.memref_slice %arg3[%add3A_11] : memref<160000xi32, #tpu.memory_space<hbm>> -> memref<80xi32, #tpu.memory_space<hbm>>
    tpu.enqueue_dma source(%dma_start3A_20 : memref<80xi32, #tpu.memory_space<hbm>>) target(%arg6 : memref<80xi32, #tpu.memory_space<vmem>>) target_semaphore(%dma_start3A_19 : memref<!tpu.dma_semaphore, #tpu.memory_space<semaphore_mem>>)
    %scan3A = arith.constant 0 : i32
    %scan3A_21 = arith.constant 0 : i32
    %scan3A_22 = arith.constant 62 : i32
    %scan3A_23 = arith.addi %scan3A_21, %scan3A_22 : i32
    %scan3A_24 = arith.constant 1 : i32
    scf.for %scan3A_50 = %scan3A_21 to %scan3A_23 step %scan3A_24  : i32 {
      %mul3A_51 = arith.constant 2 : i32
      %mul3A_52 = arith.muli %mul3A_51, %scan3A_50 : i32
      %mul3A_53 = arith.constant 80 : i32
      %mul3A_54 = arith.muli %mul3A_52, %mul3A_53 : i32
      %add3A_55 = arith.addi %mul3A_2, %mul3A_54 : i32
      %mul3A_56 = arith.constant 80 : i32
      %mul3A_57 = arith.muli %mul3A_52, %mul3A_56 : i32
      %add3A_58 = arith.addi %mul3A_2, %mul3A_57 : i32
      %dma_wait3A_59 = arith.constant 0 : i32
      %dma_wait3A_60 = tpu.memref_slice %arg2[%add3A_55, %mul3A_0] : memref<160000x256xf32, #tpu.memory_space<hbm>> -> memref<80x128xf32, #tpu.memory_space<hbm>>
      %dma_wait3A_61 = tpu.memref_slice %arg11[%dma_wait3A_59] : memref<2x!tpu.dma_semaphore, #tpu.memory_space<semaphore_mem>> -> memref<1x!tpu.dma_semaphore, #tpu.memory_space<semaphore_mem>>
      %dma_wait3A_62 = tpu.memref_squeeze %dma_wait3A_61 : memref<1x!tpu.dma_semaphore, #tpu.memory_space<semaphore_mem>> -> memref<!tpu.dma_semaphore, #tpu.memory_space<semaphore_mem>>
      %dma_wait3A_63 = tpu.memref_slice %arg2[%add3A_55, %mul3A_0] : memref<160000x256xf32, #tpu.memory_space<hbm>> -> memref<80x128xf32, #tpu.memory_space<hbm>>
      tpu.wait_dma2 semaphore(%dma_wait3A_62 : memref<!tpu.dma_semaphore, #tpu.memory_space<semaphore_mem>>) src(%dma_wait3A_63 : memref<80x128xf32, #tpu.memory_space<hbm>>) dst(%arg8 : memref<80x128xf32, #tpu.memory_space<vmem>>)
      %dma_wait3A_64 = arith.constant 0 : i32
      %dma_wait3A_65 = tpu.memref_slice %arg3[%add3A_58] : memref<160000xi32, #tpu.memory_space<hbm>> -> memref<80xi32, #tpu.memory_space<hbm>>
      %dma_wait3A_66 = tpu.memref_slice %arg11[%dma_wait3A_64] : memref<2x!tpu.dma_semaphore, #tpu.memory_space<semaphore_mem>> -> memref<1x!tpu.dma_semaphore, #tpu.memory_space<semaphore_mem>>
      %dma_wait3A_67 = tpu.memref_squeeze %dma_wait3A_66 : memref<1x!tpu.dma_semaphore, #tpu.memory_space<semaphore_mem>> -> memref<!tpu.dma_semaphore, #tpu.memory_space<semaphore_mem>>
      %dma_wait3A_68 = tpu.memref_slice %arg3[%add3A_58] : memref<160000xi32, #tpu.memory_space<hbm>> -> memref<80xi32, #tpu.memory_space<hbm>>
      tpu.wait_dma2 semaphore(%dma_wait3A_67 : memref<!tpu.dma_semaphore, #tpu.memory_space<semaphore_mem>>) src(%dma_wait3A_68 : memref<80xi32, #tpu.memory_space<hbm>>) dst(%arg6 : memref<80xi32, #tpu.memory_space<vmem>>)
      %add3A_69 = arith.constant 1 : i32
      %add3A_70 = arith.addi %mul3A_52, %add3A_69 : i32
      %mul3A_71 = arith.constant 80 : i32
      %mul3A_72 = arith.muli %add3A_70, %mul3A_71 : i32
      %add3A_73 = arith.addi %mul3A_2, %mul3A_72 : i32
      %mul3A_74 = arith.constant 80 : i32
      %mul3A_75 = arith.muli %add3A_70, %mul3A_74 : i32
      %add3A_76 = arith.addi %mul3A_2, %mul3A_75 : i32
      %dma_start3A_77 = arith.constant 1 : i32
      %dma_start3A_78 = tpu.memref_slice %arg2[%add3A_73, %mul3A_0] : memref<160000x256xf32, #tpu.memory_space<hbm>> -> memref<80x128xf32, #tpu.memory_space<hbm>>
      %dma_start3A_79 = tpu.memref_slice %arg11[%dma_start3A_77] : memref<2x!tpu.dma_semaphore, #tpu.memory_space<semaphore_mem>> -> memref<1x!tpu.dma_semaphore, #tpu.memory_space<semaphore_mem>>
      %dma_start3A_80 = tpu.memref_squeeze %dma_start3A_79 : memref<1x!tpu.dma_semaphore, #tpu.memory_space<semaphore_mem>> -> memref<!tpu.dma_semaphore, #tpu.memory_space<semaphore_mem>>
      %dma_start3A_81 = tpu.memref_slice %arg2[%add3A_73, %mul3A_0] : memref<160000x256xf32, #tpu.memory_space<hbm>> -> memref<80x128xf32, #tpu.memory_space<hbm>>
      tpu.enqueue_dma source(%dma_start3A_81 : memref<80x128xf32, #tpu.memory_space<hbm>>) target(%arg9 : memref<80x128xf32, #tpu.memory_space<vmem>>) target_semaphore(%dma_start3A_80 : memref<!tpu.dma_semaphore, #tpu.memory_space<semaphore_mem>>)
      %dma_start3A_82 = arith.constant 1 : i32
      %dma_start3A_83 = tpu.memref_slice %arg3[%add3A_76] : memref<160000xi32, #tpu.memory_space<hbm>> -> memref<80xi32, #tpu.memory_space<hbm>>
      %dma_start3A_84 = tpu.memref_slice %arg11[%dma_start3A_82] : memref<2x!tpu.dma_semaphore, #tpu.memory_space<semaphore_mem>> -> memref<1x!tpu.dma_semaphore, #tpu.memory_space<semaphore_mem>>
      %dma_start3A_85 = tpu.memref_squeeze %dma_start3A_84 : memref<1x!tpu.dma_semaphore, #tpu.memory_space<semaphore_mem>> -> memref<!tpu.dma_semaphore, #tpu.memory_space<semaphore_mem>>
      %dma_start3A_86 = tpu.memref_slice %arg3[%add3A_76] : memref<160000xi32, #tpu.memory_space<hbm>> -> memref<80xi32, #tpu.memory_space<hbm>>
      tpu.enqueue_dma source(%dma_start3A_86 : memref<80xi32, #tpu.memory_space<hbm>>) target(%arg7 : memref<80xi32, #tpu.memory_space<vmem>>) target_semaphore(%dma_start3A_85 : memref<!tpu.dma_semaphore, #tpu.memory_space<semaphore_mem>>)
      "tpu.region"() ({
        %run_scoped3A = tpu.sem_alloc : memref<!tpu.dma_semaphore, #tpu.memory_space<semaphore_mem>>
        %dma_start3A_123 = arith.constant 0 : i32
        %dma_start3A_124 = arith.constant 0 : i32
        %dma_start3A_125 = tpu.memref_slice %arg10[%dma_start3A_123, %dma_start3A_124] : memref<10008x128xf32, #tpu.memory_space<vmem_shared>> -> memref<10008x128xf32, #tpu.memory_space<vmem_shared>>
        tpu.enqueue_indirect_dma source(%arg8 : memref<80x128xf32, #tpu.memory_space<vmem>>) target(%dma_start3A_125 : memref<10008x128xf32, #tpu.memory_space<vmem_shared>>) offsets(%arg6 : memref<80xi32, #tpu.memory_space<vmem>>) semaphore(%run_scoped3A : memref<!tpu.dma_semaphore, #tpu.memory_space<semaphore_mem>>) {add = true}
        %dma_wait3A_126 = arith.constant 0 : i32
        %dma_wait3A_127 = arith.constant 0 : i32
        %dma_wait3A_128 = tpu.memref_slice %arg10[%dma_wait3A_126, %dma_wait3A_127] : memref<10008x128xf32, #tpu.memory_space<vmem_shared>> -> memref<10008x128xf32, #tpu.memory_space<vmem_shared>>
        tpu.wait_indirect_dma semaphore(%run_scoped3A : memref<!tpu.dma_semaphore, #tpu.memory_space<semaphore_mem>>) src(%arg8 : memref<80x128xf32, #tpu.memory_space<vmem>>) dst(%dma_wait3A_128 : memref<10008x128xf32, #tpu.memory_space<vmem_shared>>)
        tpu.yield
      }) : () -> ()
      %add3A_87 = arith.constant 1 : i32
      %add3A_88 = arith.addi %mul3A_52, %add3A_87 : i32
      %mul3A_89 = arith.constant 80 : i32
      %mul3A_90 = arith.muli %add3A_88, %mul3A_89 : i32
      %add3A_91 = arith.addi %mul3A_2, %mul3A_90 : i32
      %mul3A_92 = arith.constant 80 : i32
      %mul3A_93 = arith.muli %add3A_88, %mul3A_92 : i32
      %add3A_94 = arith.addi %mul3A_2, %mul3A_93 : i32
      %dma_wait3A_95 = arith.constant 1 : i32
      %dma_wait3A_96 = tpu.memref_slice %arg2[%add3A_91, %mul3A_0] : memref<160000x256xf32, #tpu.memory_space<hbm>> -> memref<80x128xf32, #tpu.memory_space<hbm>>
      %dma_wait3A_97 = tpu.memref_slice %arg11[%dma_wait3A_95] : memref<2x!tpu.dma_semaphore, #tpu.memory_space<semaphore_mem>> -> memref<1x!tpu.dma_semaphore, #tpu.memory_space<semaphore_mem>>
      %dma_wait3A_98 = tpu.memref_squeeze %dma_wait3A_97 : memref<1x!tpu.dma_semaphore, #tpu.memory_space<semaphore_mem>> -> memref<!tpu.dma_semaphore, #tpu.memory_space<semaphore_mem>>
      %dma_wait3A_99 = tpu.memref_slice %arg2[%add3A_91, %mul3A_0] : memref<160000x256xf32, #tpu.memory_space<hbm>> -> memref<80x128xf32, #tpu.memory_space<hbm>>
      tpu.wait_dma2 semaphore(%dma_wait3A_98 : memref<!tpu.dma_semaphore, #tpu.memory_space<semaphore_mem>>) src(%dma_wait3A_99 : memref<80x128xf32, #tpu.memory_space<hbm>>) dst(%arg9 : memref<80x128xf32, #tpu.memory_space<vmem>>)
      %dma_wait3A_100 = arith.constant 1 : i32
      %dma_wait3A_101 = tpu.memref_slice %arg3[%add3A_94] : memref<160000xi32, #tpu.memory_space<hbm>> -> memref<80xi32, #tpu.memory_space<hbm>>
      %dma_wait3A_102 = tpu.memref_slice %arg11[%dma_wait3A_100] : memref<2x!tpu.dma_semaphore, #tpu.memory_space<semaphore_mem>> -> memref<1x!tpu.dma_semaphore, #tpu.memory_space<semaphore_mem>>
      %dma_wait3A_103 = tpu.memref_squeeze %dma_wait3A_102 : memref<1x!tpu.dma_semaphore, #tpu.memory_space<semaphore_mem>> -> memref<!tpu.dma_semaphore, #tpu.memory_space<semaphore_mem>>
      %dma_wait3A_104 = tpu.memref_slice %arg3[%add3A_94] : memref<160000xi32, #tpu.memory_space<hbm>> -> memref<80xi32, #tpu.memory_space<hbm>>
      tpu.wait_dma2 semaphore(%dma_wait3A_103 : memref<!tpu.dma_semaphore, #tpu.memory_space<semaphore_mem>>) src(%dma_wait3A_104 : memref<80xi32, #tpu.memory_space<hbm>>) dst(%arg7 : memref<80xi32, #tpu.memory_space<vmem>>)
      %add3A_105 = arith.constant 2 : i32
      %add3A_106 = arith.addi %mul3A_52, %add3A_105 : i32
      %mul3A_107 = arith.constant 80 : i32
      %mul3A_108 = arith.muli %add3A_106, %mul3A_107 : i32
      %add3A_109 = arith.addi %mul3A_2, %mul3A_108 : i32
      %mul3A_110 = arith.constant 80 : i32
      %mul3A_111 = arith.muli %add3A_106, %mul3A_110 : i32
      %add3A_112 = arith.addi %mul3A_2, %mul3A_111 : i32
      %dma_start3A_113 = arith.constant 0 : i32
      %dma_start3A_114 = tpu.memref_slice %arg2[%add3A_109, %mul3A_0] : memref<160000x256xf32, #tpu.memory_space<hbm>> -> memref<80x128xf32, #tpu.memory_space<hbm>>
      %dma_start3A_115 = tpu.memref_slice %arg11[%dma_start3A_113] : memref<2x!tpu.dma_semaphore, #tpu.memory_space<semaphore_mem>> -> memref<1x!tpu.dma_semaphore, #tpu.memory_space<semaphore_mem>>
      %dma_start3A_116 = tpu.memref_squeeze %dma_start3A_115 : memref<1x!tpu.dma_semaphore, #tpu.memory_space<semaphore_mem>> -> memref<!tpu.dma_semaphore, #tpu.memory_space<semaphore_mem>>
      %dma_start3A_117 = tpu.memref_slice %arg2[%add3A_109, %mul3A_0] : memref<160000x256xf32, #tpu.memory_space<hbm>> -> memref<80x128xf32, #tpu.memory_space<hbm>>
      tpu.enqueue_dma source(%dma_start3A_117 : memref<80x128xf32, #tpu.memory_space<hbm>>) target(%arg8 : memref<80x128xf32, #tpu.memory_space<vmem>>) target_semaphore(%dma_start3A_116 : memref<!tpu.dma_semaphore, #tpu.memory_space<semaphore_mem>>)
      %dma_start3A_118 = arith.constant 0 : i32
      %dma_start3A_119 = tpu.memref_slice %arg3[%add3A_112] : memref<160000xi32, #tpu.memory_space<hbm>> -> memref<80xi32, #tpu.memory_space<hbm>>
      %dma_start3A_120 = tpu.memref_slice %arg11[%dma_start3A_118] : memref<2x!tpu.dma_semaphore, #tpu.memory_space<semaphore_mem>> -> memref<1x!tpu.dma_semaphore, #tpu.memory_space<semaphore_mem>>
      %dma_start3A_121 = tpu.memref_squeeze %dma_start3A_120 : memref<1x!tpu.dma_semaphore, #tpu.memory_space<semaphore_mem>> -> memref<!tpu.dma_semaphore, #tpu.memory_space<semaphore_mem>>
      %dma_start3A_122 = tpu.memref_slice %arg3[%add3A_112] : memref<160000xi32, #tpu.memory_space<hbm>> -> memref<80xi32, #tpu.memory_space<hbm>>
      tpu.enqueue_dma source(%dma_start3A_122 : memref<80xi32, #tpu.memory_space<hbm>>) target(%arg6 : memref<80xi32, #tpu.memory_space<vmem>>) target_semaphore(%dma_start3A_121 : memref<!tpu.dma_semaphore, #tpu.memory_space<semaphore_mem>>)
      "tpu.region"() ({
        %run_scoped3A = tpu.sem_alloc : memref<!tpu.dma_semaphore, #tpu.memory_space<semaphore_mem>>
        %dma_start3A_123 = arith.constant 0 : i32
        %dma_start3A_124 = arith.constant 0 : i32
        %dma_start3A_125 = tpu.memref_slice %arg10[%dma_start3A_123, %dma_start3A_124] : memref<10008x128xf32, #tpu.memory_space<vmem_shared>> -> memref<10008x128xf32, #tpu.memory_space<vmem_shared>>
        tpu.enqueue_indirect_dma source(%arg9 : memref<80x128xf32, #tpu.memory_space<vmem>>) target(%dma_start3A_125 : memref<10008x128xf32, #tpu.memory_space<vmem_shared>>) offsets(%arg7 : memref<80xi32, #tpu.memory_space<vmem>>) semaphore(%run_scoped3A : memref<!tpu.dma_semaphore, #tpu.memory_space<semaphore_mem>>) {add = true}
        %dma_wait3A_126 = arith.constant 0 : i32
        %dma_wait3A_127 = arith.constant 0 : i32
        %dma_wait3A_128 = tpu.memref_slice %arg10[%dma_wait3A_126, %dma_wait3A_127] : memref<10008x128xf32, #tpu.memory_space<vmem_shared>> -> memref<10008x128xf32, #tpu.memory_space<vmem_shared>>
        tpu.wait_indirect_dma semaphore(%run_scoped3A : memref<!tpu.dma_semaphore, #tpu.memory_space<semaphore_mem>>) src(%arg9 : memref<80x128xf32, #tpu.memory_space<vmem>>) dst(%dma_wait3A_128 : memref<10008x128xf32, #tpu.memory_space<vmem_shared>>)
        tpu.yield
      }) : () -> ()
    }
    %scan3A_25 = arith.constant 62 : i32
    %add3A_26 = arith.constant 9920 : i32
    %add3A_27 = arith.addi %mul3A_2, %add3A_26 : i32
    %add3A_28 = arith.constant 9920 : i32
    %add3A_29 = arith.addi %mul3A_2, %add3A_28 : i32
    %dma_wait3A = arith.constant 0 : i32
    %dma_wait3A_30 = tpu.memref_slice %arg2[%add3A_27, %mul3A_0] : memref<160000x256xf32, #tpu.memory_space<hbm>> -> memref<80x128xf32, #tpu.memory_space<hbm>>
    %dma_wait3A_31 = tpu.memref_slice %arg11[%dma_wait3A] : memref<2x!tpu.dma_semaphore, #tpu.memory_space<semaphore_mem>> -> memref<1x!tpu.dma_semaphore, #tpu.memory_space<semaphore_mem>>
    %dma_wait3A_32 = tpu.memref_squeeze %dma_wait3A_31 : memref<1x!tpu.dma_semaphore, #tpu.memory_space<semaphore_mem>> -> memref<!tpu.dma_semaphore, #tpu.memory_space<semaphore_mem>>
    %dma_wait3A_33 = tpu.memref_slice %arg2[%add3A_27, %mul3A_0] : memref<160000x256xf32, #tpu.memory_space<hbm>> -> memref<80x128xf32, #tpu.memory_space<hbm>>
    tpu.wait_dma2 semaphore(%dma_wait3A_32 : memref<!tpu.dma_semaphore, #tpu.memory_space<semaphore_mem>>) src(%dma_wait3A_33 : memref<80x128xf32, #tpu.memory_space<hbm>>) dst(%arg8 : memref<80x128xf32, #tpu.memory_space<vmem>>)
    %dma_wait3A_34 = arith.constant 0 : i32
    %dma_wait3A_35 = tpu.memref_slice %arg3[%add3A_29] : memref<160000xi32, #tpu.memory_space<hbm>> -> memref<80xi32, #tpu.memory_space<hbm>>
    %dma_wait3A_36 = tpu.memref_slice %arg11[%dma_wait3A_34] : memref<2x!tpu.dma_semaphore, #tpu.memory_space<semaphore_mem>> -> memref<1x!tpu.dma_semaphore, #tpu.memory_space<semaphore_mem>>
    %dma_wait3A_37 = tpu.memref_squeeze %dma_wait3A_36 : memref<1x!tpu.dma_semaphore, #tpu.memory_space<semaphore_mem>> -> memref<!tpu.dma_semaphore, #tpu.memory_space<semaphore_mem>>
    %dma_wait3A_38 = tpu.memref_slice %arg3[%add3A_29] : memref<160000xi32, #tpu.memory_space<hbm>> -> memref<80xi32, #tpu.memory_space<hbm>>
    tpu.wait_dma2 semaphore(%dma_wait3A_37 : memref<!tpu.dma_semaphore, #tpu.memory_space<semaphore_mem>>) src(%dma_wait3A_38 : memref<80xi32, #tpu.memory_space<hbm>>) dst(%arg6 : memref<80xi32, #tpu.memory_space<vmem>>)
    "tpu.region"() ({
      %run_scoped3A = tpu.sem_alloc : memref<!tpu.dma_semaphore, #tpu.memory_space<semaphore_mem>>
      %dma_start3A_50 = arith.constant 0 : i32
      %dma_start3A_51 = arith.constant 0 : i32
      %dma_start3A_52 = tpu.memref_slice %arg10[%dma_start3A_50, %dma_start3A_51] : memref<10008x128xf32, #tpu.memory_space<vmem_shared>> -> memref<10008x128xf32, #tpu.memory_space<vmem_shared>>
      tpu.enqueue_indirect_dma source(%arg8 : memref<80x128xf32, #tpu.memory_space<vmem>>) target(%dma_start3A_52 : memref<10008x128xf32, #tpu.memory_space<vmem_shared>>) offsets(%arg6 : memref<80xi32, #tpu.memory_space<vmem>>) semaphore(%run_scoped3A : memref<!tpu.dma_semaphore, #tpu.memory_space<semaphore_mem>>) {add = true}
      %dma_wait3A_53 = arith.constant 0 : i32
      %dma_wait3A_54 = arith.constant 0 : i32
      %dma_wait3A_55 = tpu.memref_slice %arg10[%dma_wait3A_53, %dma_wait3A_54] : memref<10008x128xf32, #tpu.memory_space<vmem_shared>> -> memref<10008x128xf32, #tpu.memory_space<vmem_shared>>
      tpu.wait_indirect_dma semaphore(%run_scoped3A : memref<!tpu.dma_semaphore, #tpu.memory_space<semaphore_mem>>) src(%arg8 : memref<80x128xf32, #tpu.memory_space<vmem>>) dst(%dma_wait3A_55 : memref<10008x128xf32, #tpu.memory_space<vmem_shared>>)
      tpu.yield
    }) : () -> ()
    %barrier3A_39 = arith.constant 0 : index
    tpu.barrier barrier_id(%barrier3A_39)
    %lt3A_40 = arith.constant 15 : i32
    %lt3A_41 = arith.cmpi slt, %arg1, %lt3A_40 : i32
    %convert_element_type3A_42 = arith.extui %lt3A_41 : i1 to i32
    %cond3A_43 = arith.constant 0 : i32
    %cond3A_44 = arith.cmpi ne, %convert_element_type3A_42, %cond3A_43 : i32
    scf.if %cond3A_44 {
      %mul3A_50 = arith.constant 624 : i32
      %mul3A_51 = arith.muli %arg1, %mul3A_50 : i32
      %mul3A_52 = arith.constant 624 : i32
      %mul3A_53 = arith.muli %arg1, %mul3A_52 : i32
      "tpu.region"() ({
        %run_scoped3A = tpu.sem_alloc : memref<!tpu.dma_semaphore, #tpu.memory_space<semaphore_mem>>
        %dma_start3A_54 = tpu.memref_slice %arg5[%mul3A_53, %mul3A_0] : memref<10000x256xf32, #tpu.memory_space<hbm>> -> memref<624x128xf32, #tpu.memory_space<hbm>>
        %dma_start3A_55 = arith.constant 0 : i32
        %dma_start3A_56 = tpu.memref_slice %arg10[%mul3A_51, %dma_start3A_55] : memref<10008x128xf32, #tpu.memory_space<vmem_shared>> -> memref<624x128xf32, #tpu.memory_space<vmem_shared>>
        tpu.enqueue_dma source(%dma_start3A_56 : memref<624x128xf32, #tpu.memory_space<vmem_shared>>) target(%dma_start3A_54 : memref<624x128xf32, #tpu.memory_space<hbm>>) target_semaphore(%run_scoped3A : memref<!tpu.dma_semaphore, #tpu.memory_space<semaphore_mem>>)
        %dma_wait3A_57 = tpu.memref_slice %arg5[%mul3A_53, %mul3A_0] : memref<10000x256xf32, #tpu.memory_space<hbm>> -> memref<624x128xf32, #tpu.memory_space<hbm>>
        %dma_wait3A_58 = arith.constant 0 : i32
        %dma_wait3A_59 = tpu.memref_slice %arg10[%mul3A_51, %dma_wait3A_58] : memref<10008x128xf32, #tpu.memory_space<vmem_shared>> -> memref<624x128xf32, #tpu.memory_space<vmem_shared>>
        tpu.wait_dma2 semaphore(%run_scoped3A : memref<!tpu.dma_semaphore, #tpu.memory_space<semaphore_mem>>) src(%dma_wait3A_59 : memref<624x128xf32, #tpu.memory_space<vmem_shared>>) dst(%dma_wait3A_57 : memref<624x128xf32, #tpu.memory_space<hbm>>)
        tpu.yield
      }) : () -> ()
    } else {
    }
    %eq3A_45 = arith.constant 15 : i32
    %eq3A_46 = arith.cmpi eq, %arg1, %eq3A_45 : i32
    %convert_element_type3A_47 = arith.extui %eq3A_46 : i1 to i32
    %cond3A_48 = arith.constant 0 : i32
    %cond3A_49 = arith.cmpi ne, %convert_element_type3A_47, %cond3A_48 : i32
    scf.if %cond3A_49 {
      "tpu.region"() ({
        %run_scoped3A = tpu.sem_alloc : memref<!tpu.dma_semaphore, #tpu.memory_space<semaphore_mem>>
        %dma_start3A_50 = arith.constant 9360 : i32
        %dma_start3A_51 = tpu.memref_slice %arg5[%dma_start3A_50, %mul3A_0] : memref<10000x256xf32, #tpu.memory_space<hbm>> -> memref<640x128xf32, #tpu.memory_space<hbm>>
        %dma_start3A_52 = arith.constant 9360 : i32
        %dma_start3A_53 = arith.constant 0 : i32
        %dma_start3A_54 = tpu.memref_slice %arg10[%dma_start3A_52, %dma_start3A_53] : memref<10008x128xf32, #tpu.memory_space<vmem_shared>> -> memref<640x128xf32, #tpu.memory_space<vmem_shared>>
        tpu.enqueue_dma source(%dma_start3A_54 : memref<640x128xf32, #tpu.memory_space<vmem_shared>>) target(%dma_start3A_51 : memref<640x128xf32, #tpu.memory_space<hbm>>) target_semaphore(%run_scoped3A : memref<!tpu.dma_semaphore, #tpu.memory_space<semaphore_mem>>)
        %dma_wait3A_55 = arith.constant 9360 : i32
        %dma_wait3A_56 = tpu.memref_slice %arg5[%dma_wait3A_55, %mul3A_0] : memref<10000x256xf32, #tpu.memory_space<hbm>> -> memref<640x128xf32, #tpu.memory_space<hbm>>
        %dma_wait3A_57 = arith.constant 9360 : i32
        %dma_wait3A_58 = arith.constant 0 : i32
        %dma_wait3A_59 = tpu.memref_slice %arg10[%dma_wait3A_57, %dma_wait3A_58] : memref<10008x128xf32, #tpu.memory_space<vmem_shared>> -> memref<640x128xf32, #tpu.memory_space<vmem_shared>>
        tpu.wait_dma2 semaphore(%run_scoped3A : memref<!tpu.dma_semaphore, #tpu.memory_space<semaphore_mem>>) src(%dma_wait3A_59 : memref<640x128xf32, #tpu.memory_space<vmem_shared>>) dst(%dma_wait3A_56 : memref<640x128xf32, #tpu.memory_space<hbm>>)
        tpu.yield
      }) : () -> ()
    } else {
    }
    return
  }
}

module attributes {stable_mosaic.version = 14 : i64} {
  func.func @_node_kernel(%arg0: i32, %arg1: memref<1000x256xf32, #tpu.memory_space<vmem>>, %arg2: memref<1000x16xf32, #tpu.memory_space<vmem>>, %arg3: memref<256x256xf32, #tpu.memory_space<vmem>>, %arg4: memref<256x256xf32, #tpu.memory_space<vmem>>, %arg5: memref<256x256xf32, #tpu.memory_space<vmem>>, %arg6: memref<16x256xf32, #tpu.memory_space<vmem>>, %arg7: memref<1x256xf32, #tpu.memory_space<vmem>>, %arg8: memref<1x256xf32, #tpu.memory_space<vmem>>, %arg9: memref<256x256xf32, #tpu.memory_space<vmem>>, %arg10: memref<16x256xf32, #tpu.memory_space<vmem>>, %arg11: memref<1x256xf32, #tpu.memory_space<vmem>>, %arg12: memref<256x256xf32, #tpu.memory_space<vmem>>, %arg13: memref<1x256xf32, #tpu.memory_space<vmem>>, %arg14: memref<256x256xf32, #tpu.memory_space<vmem>>, %arg15: memref<256x256xf32, #tpu.memory_space<vmem>>, %arg16: memref<16x256xf32, #tpu.memory_space<vmem>>, %arg17: memref<16x256xf32, #tpu.memory_space<vmem>>, %arg18: memref<1x256xf32, #tpu.memory_space<vmem>>, %arg19: memref<1x256xf32, #tpu.memory_space<vmem>>, %arg20: memref<1x256xf32, #tpu.memory_space<vmem>>, %arg21: memref<1000x768xf32, #tpu.memory_space<vmem>>, %arg22: memref<1000x768xf32, #tpu.memory_space<vmem>>, %arg23: memref<1000x256xf32, #tpu.memory_space<vmem>>) attributes {dimension_semantics = [#tpu.dimension_semantics<arbitrary>], iteration_bounds = array<i64: 10>, scalar_prefetch = 0 : i64, scratch_operands = 0 : i64, tpu.core_type = #tpu.core_type<tc>, window_params = [{transform_indices = @transform_0, window_bounds = array<i64: 1000, 256>}, {transform_indices = @transform_1, window_bounds = array<i64: 1000, 16>}, {pipeline_mode = #tpu.pipeline_mode<synchronous>, transform_indices = @transform_2, window_bounds = array<i64: 256, 256>}, {pipeline_mode = #tpu.pipeline_mode<synchronous>, transform_indices = @transform_3, window_bounds = array<i64: 256, 256>}, {pipeline_mode = #tpu.pipeline_mode<synchronous>, transform_indices = @transform_4, window_bounds = array<i64: 256, 256>}, {pipeline_mode = #tpu.pipeline_mode<synchronous>, transform_indices = @transform_5, window_bounds = array<i64: 16, 256>}, {pipeline_mode = #tpu.pipeline_mode<synchronous>, transform_indices = @transform_6, window_bounds = array<i64: 1, 256>}, {pipeline_mode = #tpu.pipeline_mode<synchronous>, transform_indices = @transform_7, window_bounds = array<i64: 1, 256>}, {pipeline_mode = #tpu.pipeline_mode<synchronous>, transform_indices = @transform_8, window_bounds = array<i64: 256, 256>}, {pipeline_mode = #tpu.pipeline_mode<synchronous>, transform_indices = @transform_9, window_bounds = array<i64: 16, 256>}, {pipeline_mode = #tpu.pipeline_mode<synchronous>, transform_indices = @transform_10, window_bounds = array<i64: 1, 256>}, {pipeline_mode = #tpu.pipeline_mode<synchronous>, transform_indices = @transform_11, window_bounds = array<i64: 256, 256>}, {pipeline_mode = #tpu.pipeline_mode<synchronous>, transform_indices = @transform_12, window_bounds = array<i64: 1, 256>}, {pipeline_mode = #tpu.pipeline_mode<synchronous>, transform_indices = @transform_13, window_bounds = array<i64: 256, 256>}, {pipeline_mode = #tpu.pipeline_mode<synchronous>, transform_indices = @transform_14, window_bounds = array<i64: 256, 256>}, {pipeline_mode = #tpu.pipeline_mode<synchronous>, transform_indices = @transform_15, window_bounds = array<i64: 16, 256>}, {pipeline_mode = #tpu.pipeline_mode<synchronous>, transform_indices = @transform_16, window_bounds = array<i64: 16, 256>}, {pipeline_mode = #tpu.pipeline_mode<synchronous>, transform_indices = @transform_17, window_bounds = array<i64: 1, 256>}, {pipeline_mode = #tpu.pipeline_mode<synchronous>, transform_indices = @transform_18, window_bounds = array<i64: 1, 256>}, {pipeline_mode = #tpu.pipeline_mode<synchronous>, transform_indices = @transform_19, window_bounds = array<i64: 1, 256>}, {transform_indices = @transform_20, window_bounds = array<i64: 1000, 768>}, {transform_indices = @transform_21, window_bounds = array<i64: 1000, 768>}, {transform_indices = @transform_22, window_bounds = array<i64: 1000, 256>}]} {
    %get3A = arith.constant 0 : index
    %get3A_0 = arith.constant 0 : index
    %get3A_1 = vector.load %arg1[%get3A, %get3A_0] : memref<1000x256xf32, #tpu.memory_space<vmem>>, vector<1000x256xf32>
    %get3A_2 = arith.constant 0 : index
    %get3A_3 = arith.constant 0 : index
    %get3A_4 = vector.load %arg2[%get3A_2, %get3A_3] : memref<1000x16xf32, #tpu.memory_space<vmem>>, vector<1000x16xf32>
    %get3A_5 = arith.constant 0 : index
    %get3A_6 = arith.constant 0 : index
    %get3A_7 = vector.load %arg19[%get3A_5, %get3A_6] : memref<1x256xf32, #tpu.memory_space<vmem>>, vector<1x256xf32>
    %get3A_8 = arith.constant 0 : index
    %get3A_9 = arith.constant 0 : index
    %get3A_10 = vector.load %arg20[%get3A_8, %get3A_9] : memref<1x256xf32, #tpu.memory_space<vmem>>, vector<1x256xf32>
    %reduce_sum3A = arith.constant dense<0.000000e+00> : vector<1000xf32>
    %reduce_sum3A_11 = vector.multi_reduction <add>, %get3A_1, %reduce_sum3A [1] : vector<1000x256xf32> to vector<1000xf32>
    %broadcast_in_dim3A = vector.shape_cast %reduce_sum3A_11 : vector<1000xf32> to vector<1000x1xf32>
    %div3A = arith.constant 2.560000e+02 : f32
    %div3A_12 = vector.broadcast %div3A : f32 to vector<1000x1xf32>
    %div3A_13 = arith.divf %broadcast_in_dim3A, %div3A_12 : vector<1000x1xf32>
    %sub3A = vector.broadcast %div3A_13 : vector<1000x1xf32> to vector<1000x256xf32>
    %sub3A_14 = arith.subf %get3A_1, %sub3A : vector<1000x256xf32>
    %integer_pow3A = arith.mulf %sub3A_14, %sub3A_14 : vector<1000x256xf32>
    %reduce_sum3A_15 = arith.constant dense<0.000000e+00> : vector<1000xf32>
    %reduce_sum3A_16 = vector.multi_reduction <add>, %integer_pow3A, %reduce_sum3A_15 [1] : vector<1000x256xf32> to vector<1000xf32>
    %broadcast_in_dim3A_17 = vector.shape_cast %reduce_sum3A_16 : vector<1000xf32> to vector<1000x1xf32>
    %div3A_18 = arith.constant 2.560000e+02 : f32
    %div3A_19 = vector.broadcast %div3A_18 : f32 to vector<1000x1xf32>
    %div3A_20 = arith.divf %broadcast_in_dim3A_17, %div3A_19 : vector<1000x1xf32>
    %sub3A_21 = vector.broadcast %div3A_13 : vector<1000x1xf32> to vector<1000x256xf32>
    %sub3A_22 = arith.subf %get3A_1, %sub3A_21 : vector<1000x256xf32>
    %add3A = arith.constant 9.99999974E-6 : f32
    %add3A_23 = vector.broadcast %add3A : f32 to vector<1000x1xf32>
    %add3A_24 = arith.addf %div3A_20, %add3A_23 : vector<1000x1xf32>
    %sqrt3A = math.sqrt %add3A_24 : vector<1000x1xf32>
    %div3A_25 = vector.broadcast %sqrt3A : vector<1000x1xf32> to vector<1000x256xf32>
    %div3A_26 = arith.divf %sub3A_22, %div3A_25 : vector<1000x256xf32>
    %mul3A = vector.broadcast %get3A_7 : vector<1x256xf32> to vector<1000x256xf32>
    %mul3A_27 = arith.mulf %div3A_26, %mul3A : vector<1000x256xf32>
    %add3A_28 = vector.broadcast %get3A_10 : vector<1x256xf32> to vector<1000x256xf32>
    %add3A_29 = arith.addf %mul3A_27, %add3A_28 : vector<1000x256xf32>
    %get3A_30 = arith.constant 0 : index
    %get3A_31 = arith.constant 0 : index
    %get3A_32 = vector.load %arg6[%get3A_30, %get3A_31] : memref<16x256xf32, #tpu.memory_space<vmem>>, vector<16x256xf32>
    %dot_general3A = arith.constant dense<0.000000e+00> : vector<1000x256xf32>
    %dot_general3A_33 = tpu.matmul %get3A_4, %get3A_32, %dot_general3A {dimension_numbers = #tpu.dot_dimension_numbers<[1], [0], [0], [1], [0, 0, 1, 1], [], []>, transpose_lhs_hint = false} : vector<1000x16xf32>, vector<16x256xf32>, vector<1000x256xf32> -> vector<1000x256xf32>
    %add3A_34 = arith.addf %add3A_29, %dot_general3A_33 : vector<1000x256xf32>
    %get3A_35 = arith.constant 0 : index
    %get3A_36 = arith.constant 0 : index
    %get3A_37 = vector.load %arg7[%get3A_35, %get3A_36] : memref<1x256xf32, #tpu.memory_space<vmem>>, vector<1x256xf32>
    %get3A_38 = arith.constant 0 : index
    %get3A_39 = arith.constant 0 : index
    %get3A_40 = vector.load %arg8[%get3A_38, %get3A_39] : memref<1x256xf32, #tpu.memory_space<vmem>>, vector<1x256xf32>
    %reduce_sum3A_41 = arith.constant dense<0.000000e+00> : vector<1000xf32>
    %reduce_sum3A_42 = vector.multi_reduction <add>, %add3A_34, %reduce_sum3A_41 [1] : vector<1000x256xf32> to vector<1000xf32>
    %broadcast_in_dim3A_43 = vector.shape_cast %reduce_sum3A_42 : vector<1000xf32> to vector<1000x1xf32>
    %div3A_44 = arith.constant 2.560000e+02 : f32
    %div3A_45 = vector.broadcast %div3A_44 : f32 to vector<1000x1xf32>
    %div3A_46 = arith.divf %broadcast_in_dim3A_43, %div3A_45 : vector<1000x1xf32>
    %sub3A_47 = vector.broadcast %div3A_46 : vector<1000x1xf32> to vector<1000x256xf32>
    %sub3A_48 = arith.subf %add3A_34, %sub3A_47 : vector<1000x256xf32>
    %integer_pow3A_49 = arith.mulf %sub3A_48, %sub3A_48 : vector<1000x256xf32>
    %reduce_sum3A_50 = arith.constant dense<0.000000e+00> : vector<1000xf32>
    %reduce_sum3A_51 = vector.multi_reduction <add>, %integer_pow3A_49, %reduce_sum3A_50 [1] : vector<1000x256xf32> to vector<1000xf32>
    %broadcast_in_dim3A_52 = vector.shape_cast %reduce_sum3A_51 : vector<1000xf32> to vector<1000x1xf32>
    %div3A_53 = arith.constant 2.560000e+02 : f32
    %div3A_54 = vector.broadcast %div3A_53 : f32 to vector<1000x1xf32>
    %div3A_55 = arith.divf %broadcast_in_dim3A_52, %div3A_54 : vector<1000x1xf32>
    %sub3A_56 = vector.broadcast %div3A_46 : vector<1000x1xf32> to vector<1000x256xf32>
    %sub3A_57 = arith.subf %add3A_34, %sub3A_56 : vector<1000x256xf32>
    %add3A_58 = arith.constant 9.99999974E-6 : f32
    %add3A_59 = vector.broadcast %add3A_58 : f32 to vector<1000x1xf32>
    %add3A_60 = arith.addf %div3A_55, %add3A_59 : vector<1000x1xf32>
    %sqrt3A_61 = math.sqrt %add3A_60 : vector<1000x1xf32>
    %div3A_62 = vector.broadcast %sqrt3A_61 : vector<1000x1xf32> to vector<1000x256xf32>
    %div3A_63 = arith.divf %sub3A_57, %div3A_62 : vector<1000x256xf32>
    %mul3A_64 = vector.broadcast %get3A_37 : vector<1x256xf32> to vector<1000x256xf32>
    %mul3A_65 = arith.mulf %div3A_63, %mul3A_64 : vector<1000x256xf32>
    %add3A_66 = vector.broadcast %get3A_40 : vector<1x256xf32> to vector<1000x256xf32>
    %add3A_67 = arith.addf %mul3A_65, %add3A_66 : vector<1000x256xf32>
    %get3A_68 = arith.constant 0 : index
    %get3A_69 = arith.constant 0 : index
    %get3A_70 = vector.load %arg14[%get3A_68, %get3A_69] : memref<256x256xf32, #tpu.memory_space<vmem>>, vector<256x256xf32>
    %dot_general3A_71 = arith.constant dense<0.000000e+00> : vector<1000x256xf32>
    %dot_general3A_72 = tpu.matmul %add3A_29, %get3A_70, %dot_general3A_71 {dimension_numbers = #tpu.dot_dimension_numbers<[1], [0], [0], [1], [0, 0, 1, 1], [], []>, transpose_lhs_hint = false} : vector<1000x256xf32>, vector<256x256xf32>, vector<1000x256xf32> -> vector<1000x256xf32>
    %get3A_73 = arith.constant 0 : index
    %get3A_74 = arith.constant 0 : index
    %get3A_75 = vector.load %arg16[%get3A_73, %get3A_74] : memref<16x256xf32, #tpu.memory_space<vmem>>, vector<16x256xf32>
    %dot_general3A_76 = arith.constant dense<0.000000e+00> : vector<1000x256xf32>
    %dot_general3A_77 = tpu.matmul %get3A_4, %get3A_75, %dot_general3A_76 {dimension_numbers = #tpu.dot_dimension_numbers<[1], [0], [0], [1], [0, 0, 1, 1], [], []>, transpose_lhs_hint = false} : vector<1000x16xf32>, vector<16x256xf32>, vector<1000x256xf32> -> vector<1000x256xf32>
    %add3A_78 = arith.addf %dot_general3A_72, %dot_general3A_77 : vector<1000x256xf32>
    %get3A_79 = arith.constant 0 : index
    %get3A_80 = arith.constant 0 : index
    %get3A_81 = vector.load %arg18[%get3A_79, %get3A_80] : memref<1x256xf32, #tpu.memory_space<vmem>>, vector<1x256xf32>
    %add3A_82 = vector.broadcast %get3A_81 : vector<1x256xf32> to vector<1000x256xf32>
    %add3A_83 = arith.addf %add3A_78, %add3A_82 : vector<1000x256xf32>
    %swap3A = arith.constant 0 : index
    %swap3A_84 = arith.constant 0 : index
    %swap3A_85 = vector.load %arg21[%swap3A, %swap3A_84] : memref<1000x768xf32, #tpu.memory_space<vmem>>, vector<1000x256xf32>
    tpu.vector_store %arg21[%swap3A, %swap3A_84], %add3A_83 {strides = array<i32>} : memref<1000x768xf32, #tpu.memory_space<vmem>>, vector<1000x256xf32>,
    %swap3A_86 = arith.constant 0 : index
    %swap3A_87 = arith.constant 0 : index
    %swap3A_88 = vector.load %arg23[%swap3A_86, %swap3A_87] : memref<1000x256xf32, #tpu.memory_space<vmem>>, vector<1000x256xf32>
    tpu.vector_store %arg23[%swap3A_86, %swap3A_87], %add3A_83 {strides = array<i32>} : memref<1000x256xf32, #tpu.memory_space<vmem>>, vector<1000x256xf32>,
    %get3A_89 = arith.constant 0 : index
    %get3A_90 = arith.constant 0 : index
    %get3A_91 = vector.load %arg9[%get3A_89, %get3A_90] : memref<256x256xf32, #tpu.memory_space<vmem>>, vector<256x256xf32>
    %dot_general3A_92 = arith.constant dense<0.000000e+00> : vector<1000x256xf32>
    %dot_general3A_93 = tpu.matmul %add3A_29, %get3A_91, %dot_general3A_92 {dimension_numbers = #tpu.dot_dimension_numbers<[1], [0], [0], [1], [0, 0, 1, 1], [], []>, transpose_lhs_hint = false} : vector<1000x256xf32>, vector<256x256xf32>, vector<1000x256xf32> -> vector<1000x256xf32>
    %get3A_94 = arith.constant 0 : index
    %get3A_95 = arith.constant 0 : index
    %get3A_96 = vector.load %arg10[%get3A_94, %get3A_95] : memref<16x256xf32, #tpu.memory_space<vmem>>, vector<16x256xf32>
    %dot_general3A_97 = arith.constant dense<0.000000e+00> : vector<1000x256xf32>
    %dot_general3A_98 = tpu.matmul %get3A_4, %get3A_96, %dot_general3A_97 {dimension_numbers = #tpu.dot_dimension_numbers<[1], [0], [0], [1], [0, 0, 1, 1], [], []>, transpose_lhs_hint = false} : vector<1000x16xf32>, vector<16x256xf32>, vector<1000x256xf32> -> vector<1000x256xf32>
    %add3A_99 = arith.addf %dot_general3A_93, %dot_general3A_98 : vector<1000x256xf32>
    %get3A_100 = arith.constant 0 : index
    %get3A_101 = arith.constant 0 : index
    %get3A_102 = vector.load %arg11[%get3A_100, %get3A_101] : memref<1x256xf32, #tpu.memory_space<vmem>>, vector<1x256xf32>
    %add3A_103 = vector.broadcast %get3A_102 : vector<1x256xf32> to vector<1000x256xf32>
    %add3A_104 = arith.addf %add3A_99, %add3A_103 : vector<1000x256xf32>
    %max3A = arith.constant 0.000000e+00 : f32
    %max3A_105 = vector.broadcast %max3A : f32 to vector<1000x256xf32>
    %max3A_106 = arith.maximumf %add3A_104, %max3A_105 : vector<1000x256xf32>
    %get3A_107 = arith.constant 0 : index
    %get3A_108 = arith.constant 0 : index
    %get3A_109 = vector.load %arg12[%get3A_107, %get3A_108] : memref<256x256xf32, #tpu.memory_space<vmem>>, vector<256x256xf32>
    %dot_general3A_110 = arith.constant dense<0.000000e+00> : vector<1000x256xf32>
    %dot_general3A_111 = tpu.matmul %max3A_106, %get3A_109, %dot_general3A_110 {dimension_numbers = #tpu.dot_dimension_numbers<[1], [0], [0], [1], [0, 0, 1, 1], [], []>, transpose_lhs_hint = false} : vector<1000x256xf32>, vector<256x256xf32>, vector<1000x256xf32> -> vector<1000x256xf32>
    %get3A_112 = arith.constant 0 : index
    %get3A_113 = arith.constant 0 : index
    %get3A_114 = vector.load %arg13[%get3A_112, %get3A_113] : memref<1x256xf32, #tpu.memory_space<vmem>>, vector<1x256xf32>
    %add3A_115 = vector.broadcast %get3A_114 : vector<1x256xf32> to vector<1000x256xf32>
    %add3A_116 = arith.addf %dot_general3A_111, %add3A_115 : vector<1000x256xf32>
    %swap3A_117 = arith.constant 0 : index
    %swap3A_118 = arith.constant 256 : index
    %swap3A_119 = vector.load %arg21[%swap3A_117, %swap3A_118] : memref<1000x768xf32, #tpu.memory_space<vmem>>, vector<1000x256xf32>
    tpu.vector_store %arg21[%swap3A_117, %swap3A_118], %add3A_116 {strides = array<i32>} : memref<1000x768xf32, #tpu.memory_space<vmem>>, vector<1000x256xf32>,
    %get3A_120 = arith.constant 0 : index
    %get3A_121 = arith.constant 0 : index
    %get3A_122 = vector.load %arg3[%get3A_120, %get3A_121] : memref<256x256xf32, #tpu.memory_space<vmem>>, vector<256x256xf32>
    %dot_general3A_123 = arith.constant dense<0.000000e+00> : vector<1000x256xf32>
    %dot_general3A_124 = tpu.matmul %add3A_67, %get3A_122, %dot_general3A_123 {dimension_numbers = #tpu.dot_dimension_numbers<[1], [0], [0], [1], [0, 0, 1, 1], [], []>, transpose_lhs_hint = false} : vector<1000x256xf32>, vector<256x256xf32>, vector<1000x256xf32> -> vector<1000x256xf32>
    %swap3A_125 = arith.constant 0 : index
    %swap3A_126 = arith.constant 512 : index
    %swap3A_127 = vector.load %arg21[%swap3A_125, %swap3A_126] : memref<1000x768xf32, #tpu.memory_space<vmem>>, vector<1000x256xf32>
    tpu.vector_store %arg21[%swap3A_125, %swap3A_126], %dot_general3A_124 {strides = array<i32>} : memref<1000x768xf32, #tpu.memory_space<vmem>>, vector<1000x256xf32>,
    %get3A_128 = arith.constant 0 : index
    %get3A_129 = arith.constant 0 : index
    %get3A_130 = vector.load %arg15[%get3A_128, %get3A_129] : memref<256x256xf32, #tpu.memory_space<vmem>>, vector<256x256xf32>
    %dot_general3A_131 = arith.constant dense<0.000000e+00> : vector<1000x256xf32>
    %dot_general3A_132 = tpu.matmul %add3A_29, %get3A_130, %dot_general3A_131 {dimension_numbers = #tpu.dot_dimension_numbers<[1], [0], [0], [1], [0, 0, 1, 1], [], []>, transpose_lhs_hint = false} : vector<1000x256xf32>, vector<256x256xf32>, vector<1000x256xf32> -> vector<1000x256xf32>
    %get3A_133 = arith.constant 0 : index
    %get3A_134 = arith.constant 0 : index
    %get3A_135 = vector.load %arg17[%get3A_133, %get3A_134] : memref<16x256xf32, #tpu.memory_space<vmem>>, vector<16x256xf32>
    %dot_general3A_136 = arith.constant dense<0.000000e+00> : vector<1000x256xf32>
    %dot_general3A_137 = tpu.matmul %get3A_4, %get3A_135, %dot_general3A_136 {dimension_numbers = #tpu.dot_dimension_numbers<[1], [0], [0], [1], [0, 0, 1, 1], [], []>, transpose_lhs_hint = false} : vector<1000x16xf32>, vector<16x256xf32>, vector<1000x256xf32> -> vector<1000x256xf32>
    %add3A_138 = arith.addf %dot_general3A_132, %dot_general3A_137 : vector<1000x256xf32>
    %swap3A_139 = arith.constant 0 : index
    %swap3A_140 = arith.constant 0 : index
    %swap3A_141 = vector.load %arg22[%swap3A_139, %swap3A_140] : memref<1000x768xf32, #tpu.memory_space<vmem>>, vector<1000x256xf32>
    tpu.vector_store %arg22[%swap3A_139, %swap3A_140], %add3A_138 {strides = array<i32>} : memref<1000x768xf32, #tpu.memory_space<vmem>>, vector<1000x256xf32>,
    %get3A_142 = arith.constant 0 : index
    %get3A_143 = arith.constant 0 : index
    %get3A_144 = vector.load %arg4[%get3A_142, %get3A_143] : memref<256x256xf32, #tpu.memory_space<vmem>>, vector<256x256xf32>
    %dot_general3A_145 = arith.constant dense<0.000000e+00> : vector<1000x256xf32>
    %dot_general3A_146 = tpu.matmul %add3A_67, %get3A_144, %dot_general3A_145 {dimension_numbers = #tpu.dot_dimension_numbers<[1], [0], [0], [1], [0, 0, 1, 1], [], []>, transpose_lhs_hint = false} : vector<1000x256xf32>, vector<256x256xf32>, vector<1000x256xf32> -> vector<1000x256xf32>
    %swap3A_147 = arith.constant 0 : index
    %swap3A_148 = arith.constant 256 : index
    %swap3A_149 = vector.load %arg22[%swap3A_147, %swap3A_148] : memref<1000x768xf32, #tpu.memory_space<vmem>>, vector<1000x256xf32>
    tpu.vector_store %arg22[%swap3A_147, %swap3A_148], %dot_general3A_146 {strides = array<i32>} : memref<1000x768xf32, #tpu.memory_space<vmem>>, vector<1000x256xf32>,
    %get3A_150 = arith.constant 0 : index
    %get3A_151 = arith.constant 0 : index
    %get3A_152 = vector.load %arg5[%get3A_150, %get3A_151] : memref<256x256xf32, #tpu.memory_space<vmem>>, vector<256x256xf32>
    %dot_general3A_153 = arith.constant dense<0.000000e+00> : vector<1000x256xf32>
    %dot_general3A_154 = tpu.matmul %add3A_67, %get3A_152, %dot_general3A_153 {dimension_numbers = #tpu.dot_dimension_numbers<[1], [0], [0], [1], [0, 0, 1, 1], [], []>, transpose_lhs_hint = false} : vector<1000x256xf32>, vector<256x256xf32>, vector<1000x256xf32> -> vector<1000x256xf32>
    %swap3A_155 = arith.constant 0 : index
    %swap3A_156 = arith.constant 512 : index
    %swap3A_157 = vector.load %arg22[%swap3A_155, %swap3A_156] : memref<1000x768xf32, #tpu.memory_space<vmem>>, vector<1000x256xf32>
    tpu.vector_store %arg22[%swap3A_155, %swap3A_156], %dot_general3A_154 {strides = array<i32>} : memref<1000x768xf32, #tpu.memory_space<vmem>>, vector<1000x256xf32>,
    return
  }
  func.func @transform_0(%arg0: i32) -> (i32, i32) {
    %c0_i32 = arith.constant 0 : i32
    %c0_i32_0 = arith.constant 0 : i32
    return %arg0, %c0_i32 : i32, i32
  }
  func.func @transform_1(%arg0: i32) -> (i32, i32) {
    %c0_i32 = arith.constant 0 : i32
    %c0_i32_0 = arith.constant 0 : i32
    return %arg0, %c0_i32 : i32, i32
  }
  func.func @transform_2(%arg0: i32) -> (i32, i32) {
    %c0_i32 = arith.constant 0 : i32
    %c0_i32_0 = arith.constant 0 : i32
    %c0_i32_1 = arith.constant 0 : i32
    return %c0_i32, %c0_i32_0 : i32, i32
  }
  func.func @transform_3(%arg0: i32) -> (i32, i32) {
    %c0_i32 = arith.constant 0 : i32
    %c0_i32_0 = arith.constant 0 : i32
    %c0_i32_1 = arith.constant 0 : i32
    return %c0_i32, %c0_i32_0 : i32, i32
  }
  func.func @transform_4(%arg0: i32) -> (i32, i32) {
    %c0_i32 = arith.constant 0 : i32
    %c0_i32_0 = arith.constant 0 : i32
    %c0_i32_1 = arith.constant 0 : i32
    return %c0_i32, %c0_i32_0 : i32, i32
  }
  func.func @transform_5(%arg0: i32) -> (i32, i32) {
    %c0_i32 = arith.constant 0 : i32
    %c0_i32_0 = arith.constant 0 : i32
    %c0_i32_1 = arith.constant 0 : i32
    return %c0_i32, %c0_i32_0 : i32, i32
  }
  func.func @transform_6(%arg0: i32) -> (i32, i32) {
    %c0_i32 = arith.constant 0 : i32
    %c0_i32_0 = arith.constant 0 : i32
    %c0_i32_1 = arith.constant 0 : i32
    return %c0_i32, %c0_i32_0 : i32, i32
  }
  func.func @transform_7(%arg0: i32) -> (i32, i32) {
    %c0_i32 = arith.constant 0 : i32
    %c0_i32_0 = arith.constant 0 : i32
    %c0_i32_1 = arith.constant 0 : i32
    return %c0_i32, %c0_i32_0 : i32, i32
  }
  func.func @transform_8(%arg0: i32) -> (i32, i32) {
    %c0_i32 = arith.constant 0 : i32
    %c0_i32_0 = arith.constant 0 : i32
    %c0_i32_1 = arith.constant 0 : i32
    return %c0_i32, %c0_i32_0 : i32, i32
  }
  func.func @transform_9(%arg0: i32) -> (i32, i32) {
    %c0_i32 = arith.constant 0 : i32
    %c0_i32_0 = arith.constant 0 : i32
    %c0_i32_1 = arith.constant 0 : i32
    return %c0_i32, %c0_i32_0 : i32, i32
  }
  func.func @transform_10(%arg0: i32) -> (i32, i32) {
    %c0_i32 = arith.constant 0 : i32
    %c0_i32_0 = arith.constant 0 : i32
    %c0_i32_1 = arith.constant 0 : i32
    return %c0_i32, %c0_i32_0 : i32, i32
  }
  func.func @transform_11(%arg0: i32) -> (i32, i32) {
    %c0_i32 = arith.constant 0 : i32
    %c0_i32_0 = arith.constant 0 : i32
    %c0_i32_1 = arith.constant 0 : i32
    return %c0_i32, %c0_i32_0 : i32, i32
  }
  func.func @transform_12(%arg0: i32) -> (i32, i32) {
    %c0_i32 = arith.constant 0 : i32
    %c0_i32_0 = arith.constant 0 : i32
    %c0_i32_1 = arith.constant 0 : i32
    return %c0_i32, %c0_i32_0 : i32, i32
  }
  func.func @transform_13(%arg0: i32) -> (i32, i32) {
    %c0_i32 = arith.constant 0 : i32
    %c0_i32_0 = arith.constant 0 : i32
    %c0_i32_1 = arith.constant 0 : i32
    return %c0_i32, %c0_i32_0 : i32, i32
  }
  func.func @transform_14(%arg0: i32) -> (i32, i32) {
    %c0_i32 = arith.constant 0 : i32
    %c0_i32_0 = arith.constant 0 : i32
    %c0_i32_1 = arith.constant 0 : i32
    return %c0_i32, %c0_i32_0 : i32, i32
  }
  func.func @transform_15(%arg0: i32) -> (i32, i32) {
    %c0_i32 = arith.constant 0 : i32
    %c0_i32_0 = arith.constant 0 : i32
    %c0_i32_1 = arith.constant 0 : i32
    return %c0_i32, %c0_i32_0 : i32, i32
  }
  func.func @transform_16(%arg0: i32) -> (i32, i32) {
    %c0_i32 = arith.constant 0 : i32
    %c0_i32_0 = arith.constant 0 : i32
    %c0_i32_1 = arith.constant 0 : i32
    return %c0_i32, %c0_i32_0 : i32, i32
  }
  func.func @transform_17(%arg0: i32) -> (i32, i32) {
    %c0_i32 = arith.constant 0 : i32
    %c0_i32_0 = arith.constant 0 : i32
    %c0_i32_1 = arith.constant 0 : i32
    return %c0_i32, %c0_i32_0 : i32, i32
  }
  func.func @transform_18(%arg0: i32) -> (i32, i32) {
    %c0_i32 = arith.constant 0 : i32
    %c0_i32_0 = arith.constant 0 : i32
    %c0_i32_1 = arith.constant 0 : i32
    return %c0_i32, %c0_i32_0 : i32, i32
  }
  func.func @transform_19(%arg0: i32) -> (i32, i32) {
    %c0_i32 = arith.constant 0 : i32
    %c0_i32_0 = arith.constant 0 : i32
    %c0_i32_1 = arith.constant 0 : i32
    return %c0_i32, %c0_i32_0 : i32, i32
  }
  func.func @transform_20(%arg0: i32) -> (i32, i32) {
    %c0_i32 = arith.constant 0 : i32
    %c0_i32_0 = arith.constant 0 : i32
    return %arg0, %c0_i32 : i32, i32
  }
  func.func @transform_21(%arg0: i32) -> (i32, i32) {
    %c0_i32 = arith.constant 0 : i32
    %c0_i32_0 = arith.constant 0 : i32
    return %arg0, %c0_i32 : i32, i32
  }
  func.func @transform_22(%arg0: i32) -> (i32, i32) {
    %c0_i32 = arith.constant 0 : i32
    %c0_i32_0 = arith.constant 0 : i32
    return %arg0, %c0_i32 : i32, i32
  }
}

module attributes {stable_mosaic.version = 14 : i64} {
  func.func @_escore_kernel(%arg0: i32, %arg1: memref<4000x256xf32, #tpu.memory_space<vmem>>, %arg2: memref<4000x256xf32, #tpu.memory_space<vmem>>, %arg3: memref<256x128xf32, #tpu.memory_space<vmem>>, %arg4: memref<4000x16xf32, #tpu.memory_space<vmem>>, %arg5: memref<4000x128xf32, #tpu.memory_space<vmem>>) attributes {dimension_semantics = [#tpu.dimension_semantics<arbitrary>], iteration_bounds = array<i64: 40>, scalar_prefetch = 0 : i64, scratch_operands = 0 : i64, tpu.core_type = #tpu.core_type<tc>, window_params = [{transform_indices = @transform_0, window_bounds = array<i64: 4000, 256>}, {transform_indices = @transform_1, window_bounds = array<i64: 4000, 256>}, {pipeline_mode = #tpu.pipeline_mode<synchronous>, transform_indices = @transform_2, window_bounds = array<i64: 256, 128>}, {transform_indices = @transform_3, window_bounds = array<i64: 4000, 16>}, {transform_indices = @transform_4, window_bounds = array<i64: 4000, 128>}]} {
    %get3A = arith.constant 0 : index
    %get3A_0 = arith.constant 0 : index
    %get3A_1 = vector.load %arg1[%get3A, %get3A_0] : memref<4000x256xf32, #tpu.memory_space<vmem>>, vector<4000x256xf32>
    %get3A_2 = arith.constant 0 : index
    %get3A_3 = arith.constant 0 : index
    %get3A_4 = vector.load %arg2[%get3A_2, %get3A_3] : memref<4000x256xf32, #tpu.memory_space<vmem>>, vector<4000x256xf32>
    %mul3A = arith.mulf %get3A_1, %get3A_4 : vector<4000x256xf32>
    %get3A_5 = arith.constant 0 : index
    %get3A_6 = arith.constant 0 : index
    %get3A_7 = vector.load %arg3[%get3A_5, %get3A_6] : memref<256x128xf32, #tpu.memory_space<vmem>>, vector<256x128xf32>
    %dot_general3A = arith.constant dense<0.000000e+00> : vector<4000x128xf32>
    %dot_general3A_8 = tpu.matmul %mul3A, %get3A_7, %dot_general3A {dimension_numbers = #tpu.dot_dimension_numbers<[1], [0], [0], [1], [0, 0, 1, 1], [], []>, transpose_lhs_hint = false} : vector<4000x256xf32>, vector<256x128xf32>, vector<4000x128xf32> -> vector<4000x128xf32>
    %mul3A_9 = arith.constant 0.176776692 : f32
    %mul3A_10 = vector.broadcast %mul3A_9 : f32 to vector<4000x128xf32>
    %mul3A_11 = arith.mulf %dot_general3A_8, %mul3A_10 : vector<4000x128xf32>
    %exp3A = math.exp %mul3A_11 : vector<4000x128xf32>
    %slice3A = vector.extract_strided_slice %exp3A {offsets = [0, 0], sizes = [4000, 16], strides = [1, 1]} : vector<4000x128xf32> to vector<4000x16xf32>
    %swap3A = arith.constant 0 : index
    %swap3A_12 = arith.constant 0 : index
    %swap3A_13 = vector.load %arg4[%swap3A, %swap3A_12] : memref<4000x16xf32, #tpu.memory_space<vmem>>, vector<4000x16xf32>
    tpu.vector_store %arg4[%swap3A, %swap3A_12], %slice3A {strides = array<i32>} : memref<4000x16xf32, #tpu.memory_space<vmem>>, vector<4000x16xf32>,
    %swap3A_14 = arith.constant 0 : index
    %swap3A_15 = arith.constant 0 : index
    %swap3A_16 = vector.load %arg5[%swap3A_14, %swap3A_15] : memref<4000x128xf32, #tpu.memory_space<vmem>>, vector<4000x128xf32>
    tpu.vector_store %arg5[%swap3A_14, %swap3A_15], %exp3A {strides = array<i32>} : memref<4000x128xf32, #tpu.memory_space<vmem>>, vector<4000x128xf32>,
    return
  }
  func.func @transform_0(%arg0: i32) -> (i32, i32) {
    %c2_i32 = arith.constant 2 : i32
    %c0_i32 = arith.constant 0 : i32
    return %arg0, %c2_i32 : i32, i32
  }
  func.func @transform_1(%arg0: i32) -> (i32, i32) {
    %c1_i32 = arith.constant 1 : i32
    %c0_i32 = arith.constant 0 : i32
    return %arg0, %c1_i32 : i32, i32
  }
  func.func @transform_2(%arg0: i32) -> (i32, i32) {
    %c0_i32 = arith.constant 0 : i32
    %c0_i32_0 = arith.constant 0 : i32
    %c0_i32_1 = arith.constant 0 : i32
    return %c0_i32, %c0_i32_0 : i32, i32
  }
  func.func @transform_3(%arg0: i32) -> (i32, i32) {
    %c0_i32 = arith.constant 0 : i32
    %c0_i32_0 = arith.constant 0 : i32
    return %arg0, %c0_i32 : i32, i32
  }
  func.func @transform_4(%arg0: i32) -> (i32, i32) {
    %c0_i32 = arith.constant 0 : i32
    %c0_i32_0 = arith.constant 0 : i32
    return %arg0, %c0_i32 : i32, i32
  }
}

module attributes {stable_mosaic.version = 14 : i64} {
  func.func @_wvun_kernel(%arg0: i32, %arg1: memref<4000x16xf32, #tpu.memory_space<vmem>>, %arg2: memref<4000x256xf32, #tpu.memory_space<vmem>>, %arg3: memref<8x256xf32, #tpu.memory_space<vmem>>, %arg4: memref<4000x256xf32, #tpu.memory_space<vmem>>) attributes {dimension_semantics = [#tpu.dimension_semantics<arbitrary>], iteration_bounds = array<i64: 40>, scalar_prefetch = 0 : i64, scratch_operands = 0 : i64, tpu.core_type = #tpu.core_type<tc>, window_params = [{transform_indices = @transform_0, window_bounds = array<i64: 4000, 16>}, {transform_indices = @transform_1, window_bounds = array<i64: 4000, 256>}, {pipeline_mode = #tpu.pipeline_mode<synchronous>, transform_indices = @transform_2, window_bounds = array<i64: 8, 256>}, {transform_indices = @transform_3, window_bounds = array<i64: 4000, 256>}]} {
    %get3A = arith.constant 0 : index
    %get3A_0 = arith.constant 0 : index
    %get3A_1 = vector.load %arg2[%get3A, %get3A_0] : memref<4000x256xf32, #tpu.memory_space<vmem>>, vector<4000x256xf32>
    %get3A_2 = arith.constant 0 : index
    %get3A_3 = arith.constant 0 : index
    %get3A_4 = vector.load %arg1[%get3A_2, %get3A_3] : memref<4000x16xf32, #tpu.memory_space<vmem>>, vector<4000x8xf32>
    %get3A_5 = arith.constant 0 : index
    %get3A_6 = arith.constant 0 : index
    %get3A_7 = vector.load %arg3[%get3A_5, %get3A_6] : memref<8x256xf32, #tpu.memory_space<vmem>>, vector<8x256xf32>
    %dot_general3A = arith.constant dense<0.000000e+00> : vector<4000x256xf32>
    %dot_general3A_8 = tpu.matmul %get3A_4, %get3A_7, %dot_general3A {dimension_numbers = #tpu.dot_dimension_numbers<[1], [0], [0], [1], [0, 0, 1, 1], [], []>, transpose_lhs_hint = false} : vector<4000x8xf32>, vector<8x256xf32>, vector<4000x256xf32> -> vector<4000x256xf32>
    %mul3A = arith.mulf %get3A_1, %dot_general3A_8 : vector<4000x256xf32>
    %swap3A = arith.constant 0 : index
    %swap3A_9 = arith.constant 0 : index
    %swap3A_10 = vector.load %arg4[%swap3A, %swap3A_9] : memref<4000x256xf32, #tpu.memory_space<vmem>>, vector<4000x256xf32>
    tpu.vector_store %arg4[%swap3A, %swap3A_9], %mul3A {strides = array<i32>} : memref<4000x256xf32, #tpu.memory_space<vmem>>, vector<4000x256xf32>,
    return
  }
  func.func @transform_0(%arg0: i32) -> (i32, i32) {
    %c0_i32 = arith.constant 0 : i32
    %c0_i32_0 = arith.constant 0 : i32
    return %arg0, %c0_i32 : i32, i32
  }
  func.func @transform_1(%arg0: i32) -> (i32, i32) {
    %c2_i32 = arith.constant 2 : i32
    %c0_i32 = arith.constant 0 : i32
    return %arg0, %c2_i32 : i32, i32
  }
  func.func @transform_2(%arg0: i32) -> (i32, i32) {
    %c0_i32 = arith.constant 0 : i32
    %c0_i32_0 = arith.constant 0 : i32
    %c0_i32_1 = arith.constant 0 : i32
    return %c0_i32, %c0_i32_0 : i32, i32
  }
  func.func @transform_3(%arg0: i32) -> (i32, i32) {
    %c0_i32 = arith.constant 0 : i32
    %c0_i32_0 = arith.constant 0 : i32
    return %arg0, %c0_i32 : i32, i32
  }
}

module attributes {stable_mosaic.version = 14 : i64} {
  func.func @_gate_kernel(%arg0: i32, %arg1: memref<4000x256xf32, #tpu.memory_space<vmem>>, %arg2: memref<4000x256xf32, #tpu.memory_space<vmem>>, %arg3: memref<4000x256xf32, #tpu.memory_space<vmem>>, %arg4: memref<256x256xf32, #tpu.memory_space<vmem>>, %arg5: memref<1x256xf32, #tpu.memory_space<vmem>>, %arg6: memref<4000x256xf32, #tpu.memory_space<vmem>>) attributes {dimension_semantics = [#tpu.dimension_semantics<arbitrary>], iteration_bounds = array<i64: 40>, scalar_prefetch = 0 : i64, scratch_operands = 0 : i64, tpu.core_type = #tpu.core_type<tc>, window_params = [{transform_indices = @transform_0, window_bounds = array<i64: 4000, 256>}, {transform_indices = @transform_1, window_bounds = array<i64: 4000, 256>}, {transform_indices = @transform_2, window_bounds = array<i64: 4000, 256>}, {pipeline_mode = #tpu.pipeline_mode<synchronous>, transform_indices = @transform_3, window_bounds = array<i64: 256, 256>}, {pipeline_mode = #tpu.pipeline_mode<synchronous>, transform_indices = @transform_4, window_bounds = array<i64: 1, 256>}, {transform_indices = @transform_5, window_bounds = array<i64: 4000, 256>}]} {
    %get3A = arith.constant 0 : index
    %get3A_0 = arith.constant 0 : index
    %get3A_1 = vector.load %arg1[%get3A, %get3A_0] : memref<4000x256xf32, #tpu.memory_space<vmem>>, vector<4000x256xf32>
    %get3A_2 = arith.constant 0 : index
    %get3A_3 = arith.constant 0 : index
    %get3A_4 = vector.load %arg2[%get3A_2, %get3A_3] : memref<4000x256xf32, #tpu.memory_space<vmem>>, vector<4000x256xf32>
    %add3A = arith.addf %get3A_1, %get3A_4 : vector<4000x256xf32>
    %max3A = arith.constant 0.000000e+00 : f32
    %max3A_5 = vector.broadcast %max3A : f32 to vector<4000x256xf32>
    %max3A_6 = arith.maximumf %add3A, %max3A_5 : vector<4000x256xf32>
    %get3A_7 = arith.constant 0 : index
    %get3A_8 = arith.constant 0 : index
    %get3A_9 = vector.load %arg4[%get3A_7, %get3A_8] : memref<256x256xf32, #tpu.memory_space<vmem>>, vector<256x256xf32>
    %dot_general3A = arith.constant dense<0.000000e+00> : vector<4000x256xf32>
    %dot_general3A_10 = tpu.matmul %max3A_6, %get3A_9, %dot_general3A {dimension_numbers = #tpu.dot_dimension_numbers<[1], [0], [0], [1], [0, 0, 1, 1], [], []>, transpose_lhs_hint = false} : vector<4000x256xf32>, vector<256x256xf32>, vector<4000x256xf32> -> vector<4000x256xf32>
    %get3A_11 = arith.constant 0 : index
    %get3A_12 = arith.constant 0 : index
    %get3A_13 = vector.load %arg5[%get3A_11, %get3A_12] : memref<1x256xf32, #tpu.memory_space<vmem>>, vector<1x256xf32>
    %add3A_14 = vector.broadcast %get3A_13 : vector<1x256xf32> to vector<4000x256xf32>
    %add3A_15 = arith.addf %dot_general3A_10, %add3A_14 : vector<4000x256xf32>
    %logistic3A = arith.negf %add3A_15 : vector<4000x256xf32>
    %logistic3A_16 = math.exp %logistic3A : vector<4000x256xf32>
    %logistic3A_17 = arith.constant 1.000000e+00 : f32
    %logistic3A_18 = vector.broadcast %logistic3A_17 : f32 to vector<4000x256xf32>
    %logistic3A_19 = arith.addf %logistic3A_18, %logistic3A_16 : vector<4000x256xf32>
    %logistic3A_20 = arith.divf %logistic3A_18, %logistic3A_19 : vector<4000x256xf32>
    %get3A_21 = arith.constant 0 : index
    %get3A_22 = arith.constant 0 : index
    %get3A_23 = vector.load %arg3[%get3A_21, %get3A_22] : memref<4000x256xf32, #tpu.memory_space<vmem>>, vector<4000x256xf32>
    %mul3A = arith.mulf %logistic3A_20, %get3A_23 : vector<4000x256xf32>
    %swap3A = arith.constant 0 : index
    %swap3A_24 = arith.constant 0 : index
    %swap3A_25 = vector.load %arg6[%swap3A, %swap3A_24] : memref<4000x256xf32, #tpu.memory_space<vmem>>, vector<4000x256xf32>
    tpu.vector_store %arg6[%swap3A, %swap3A_24], %mul3A {strides = array<i32>} : memref<4000x256xf32, #tpu.memory_space<vmem>>, vector<4000x256xf32>,
    return
  }
  func.func @transform_0(%arg0: i32) -> (i32, i32) {
    %c0_i32 = arith.constant 0 : i32
    %c0_i32_0 = arith.constant 0 : i32
    return %arg0, %c0_i32 : i32, i32
  }
  func.func @transform_1(%arg0: i32) -> (i32, i32) {
    %c0_i32 = arith.constant 0 : i32
    %c0_i32_0 = arith.constant 0 : i32
    return %arg0, %c0_i32 : i32, i32
  }
  func.func @transform_2(%arg0: i32) -> (i32, i32) {
    %c1_i32 = arith.constant 1 : i32
    %c0_i32 = arith.constant 0 : i32
    return %arg0, %c1_i32 : i32, i32
  }
  func.func @transform_3(%arg0: i32) -> (i32, i32) {
    %c0_i32 = arith.constant 0 : i32
    %c0_i32_0 = arith.constant 0 : i32
    %c0_i32_1 = arith.constant 0 : i32
    return %c0_i32, %c0_i32_0 : i32, i32
  }
  func.func @transform_4(%arg0: i32) -> (i32, i32) {
    %c0_i32 = arith.constant 0 : i32
    %c0_i32_0 = arith.constant 0 : i32
    %c0_i32_1 = arith.constant 0 : i32
    return %c0_i32, %c0_i32_0 : i32, i32
  }
  func.func @transform_5(%arg0: i32) -> (i32, i32) {
    %c0_i32 = arith.constant 0 : i32
    %c0_i32_0 = arith.constant 0 : i32
    return %arg0, %c0_i32 : i32, i32
  }
}

module attributes {stable_mosaic.version = 14 : i64} {
  func.func @_gate_kernel(%arg0: i32, %arg1: memref<1000x256xf32, #tpu.memory_space<vmem>>, %arg2: memref<1000x256xf32, #tpu.memory_space<vmem>>, %arg3: memref<1000x256xf32, #tpu.memory_space<vmem>>, %arg4: memref<256x256xf32, #tpu.memory_space<vmem>>, %arg5: memref<1x256xf32, #tpu.memory_space<vmem>>, %arg6: memref<1000x256xf32, #tpu.memory_space<vmem>>) attributes {dimension_semantics = [#tpu.dimension_semantics<arbitrary>], iteration_bounds = array<i64: 10>, scalar_prefetch = 0 : i64, scratch_operands = 0 : i64, tpu.core_type = #tpu.core_type<tc>, window_params = [{transform_indices = @transform_0, window_bounds = array<i64: 1000, 256>}, {transform_indices = @transform_1, window_bounds = array<i64: 1000, 256>}, {transform_indices = @transform_2, window_bounds = array<i64: 1000, 256>}, {pipeline_mode = #tpu.pipeline_mode<synchronous>, transform_indices = @transform_3, window_bounds = array<i64: 256, 256>}, {pipeline_mode = #tpu.pipeline_mode<synchronous>, transform_indices = @transform_4, window_bounds = array<i64: 1, 256>}, {transform_indices = @transform_5, window_bounds = array<i64: 1000, 256>}]} {
    %get3A = arith.constant 0 : index
    %get3A_0 = arith.constant 0 : index
    %get3A_1 = vector.load %arg1[%get3A, %get3A_0] : memref<1000x256xf32, #tpu.memory_space<vmem>>, vector<1000x256xf32>
    %get3A_2 = arith.constant 0 : index
    %get3A_3 = arith.constant 0 : index
    %get3A_4 = vector.load %arg2[%get3A_2, %get3A_3] : memref<1000x256xf32, #tpu.memory_space<vmem>>, vector<1000x256xf32>
    %add3A = arith.addf %get3A_1, %get3A_4 : vector<1000x256xf32>
    %max3A = arith.constant 0.000000e+00 : f32
    %max3A_5 = vector.broadcast %max3A : f32 to vector<1000x256xf32>
    %max3A_6 = arith.maximumf %add3A, %max3A_5 : vector<1000x256xf32>
    %get3A_7 = arith.constant 0 : index
    %get3A_8 = arith.constant 0 : index
    %get3A_9 = vector.load %arg4[%get3A_7, %get3A_8] : memref<256x256xf32, #tpu.memory_space<vmem>>, vector<256x256xf32>
    %dot_general3A = arith.constant dense<0.000000e+00> : vector<1000x256xf32>
    %dot_general3A_10 = tpu.matmul %max3A_6, %get3A_9, %dot_general3A {dimension_numbers = #tpu.dot_dimension_numbers<[1], [0], [0], [1], [0, 0, 1, 1], [], []>, transpose_lhs_hint = false} : vector<1000x256xf32>, vector<256x256xf32>, vector<1000x256xf32> -> vector<1000x256xf32>
    %get3A_11 = arith.constant 0 : index
    %get3A_12 = arith.constant 0 : index
    %get3A_13 = vector.load %arg5[%get3A_11, %get3A_12] : memref<1x256xf32, #tpu.memory_space<vmem>>, vector<1x256xf32>
    %add3A_14 = vector.broadcast %get3A_13 : vector<1x256xf32> to vector<1000x256xf32>
    %add3A_15 = arith.addf %dot_general3A_10, %add3A_14 : vector<1000x256xf32>
    %logistic3A = arith.negf %add3A_15 : vector<1000x256xf32>
    %logistic3A_16 = math.exp %logistic3A : vector<1000x256xf32>
    %logistic3A_17 = arith.constant 1.000000e+00 : f32
    %logistic3A_18 = vector.broadcast %logistic3A_17 : f32 to vector<1000x256xf32>
    %logistic3A_19 = arith.addf %logistic3A_18, %logistic3A_16 : vector<1000x256xf32>
    %logistic3A_20 = arith.divf %logistic3A_18, %logistic3A_19 : vector<1000x256xf32>
    %get3A_21 = arith.constant 0 : index
    %get3A_22 = arith.constant 0 : index
    %get3A_23 = vector.load %arg3[%get3A_21, %get3A_22] : memref<1000x256xf32, #tpu.memory_space<vmem>>, vector<1000x256xf32>
    %mul3A = arith.mulf %logistic3A_20, %get3A_23 : vector<1000x256xf32>
    %swap3A = arith.constant 0 : index
    %swap3A_24 = arith.constant 0 : index
    %swap3A_25 = vector.load %arg6[%swap3A, %swap3A_24] : memref<1000x256xf32, #tpu.memory_space<vmem>>, vector<1000x256xf32>
    tpu.vector_store %arg6[%swap3A, %swap3A_24], %mul3A {strides = array<i32>} : memref<1000x256xf32, #tpu.memory_space<vmem>>, vector<1000x256xf32>,
    return
  }
  func.func @transform_0(%arg0: i32) -> (i32, i32) {
    %c0_i32 = arith.constant 0 : i32
    %c0_i32_0 = arith.constant 0 : i32
    return %arg0, %c0_i32 : i32, i32
  }
  func.func @transform_1(%arg0: i32) -> (i32, i32) {
    %c0_i32 = arith.constant 0 : i32
    %c0_i32_0 = arith.constant 0 : i32
    return %arg0, %c0_i32 : i32, i32
  }
  func.func @transform_2(%arg0: i32) -> (i32, i32) {
    %c0_i32 = arith.constant 0 : i32
    %c0_i32_0 = arith.constant 0 : i32
    return %arg0, %c0_i32 : i32, i32
  }
  func.func @transform_3(%arg0: i32) -> (i32, i32) {
    %c0_i32 = arith.constant 0 : i32
    %c0_i32_0 = arith.constant 0 : i32
    %c0_i32_1 = arith.constant 0 : i32
    return %c0_i32, %c0_i32_0 : i32, i32
  }
  func.func @transform_4(%arg0: i32) -> (i32, i32) {
    %c0_i32 = arith.constant 0 : i32
    %c0_i32_0 = arith.constant 0 : i32
    %c0_i32_1 = arith.constant 0 : i32
    return %c0_i32, %c0_i32_0 : i32, i32
  }
  func.func @transform_5(%arg0: i32) -> (i32, i32) {
    %c0_i32 = arith.constant 0 : i32
    %c0_i32_0 = arith.constant 0 : i32
    return %arg0, %c0_i32 : i32, i32
  }
}

module attributes {stable_mosaic.version = 14 : i64} {
  func.func @_attn_kernel(%arg0: i32, %arg1: memref<4000x16xf32, #tpu.memory_space<vmem>>, %arg2: memref<4000x16xf32, #tpu.memory_space<vmem>>, %arg3: memref<4000x8xf32, #tpu.memory_space<vmem>>) attributes {dimension_semantics = [#tpu.dimension_semantics<arbitrary>], iteration_bounds = array<i64: 40>, scalar_prefetch = 0 : i64, scratch_operands = 0 : i64, tpu.core_type = #tpu.core_type<tc>, window_params = [{transform_indices = @transform_0, window_bounds = array<i64: 4000, 16>}, {transform_indices = @transform_1, window_bounds = array<i64: 4000, 16>}, {transform_indices = @transform_2, window_bounds = array<i64: 4000, 8>}]} {
    %get3A = arith.constant 0 : index
    %get3A_0 = arith.constant 0 : index
    %get3A_1 = vector.load %arg1[%get3A, %get3A_0] : memref<4000x16xf32, #tpu.memory_space<vmem>>, vector<4000x8xf32>
    %get3A_2 = arith.constant 0 : index
    %get3A_3 = arith.constant 0 : index
    %get3A_4 = vector.load %arg2[%get3A_2, %get3A_3] : memref<4000x16xf32, #tpu.memory_space<vmem>>, vector<4000x8xf32>
    %add3A = arith.constant 9.99999971E-10 : f32
    %add3A_5 = vector.broadcast %add3A : f32 to vector<4000x8xf32>
    %add3A_6 = arith.addf %get3A_4, %add3A_5 : vector<4000x8xf32>
    %div3A = arith.divf %get3A_1, %add3A_6 : vector<4000x8xf32>
    %swap3A = arith.constant 0 : index
    %swap3A_7 = arith.constant 0 : index
    %swap3A_8 = vector.load %arg3[%swap3A, %swap3A_7] : memref<4000x8xf32, #tpu.memory_space<vmem>>, vector<4000x8xf32>
    tpu.vector_store %arg3[%swap3A, %swap3A_7], %div3A {strides = array<i32>} : memref<4000x8xf32, #tpu.memory_space<vmem>>, vector<4000x8xf32>,
    return
  }
  func.func @transform_0(%arg0: i32) -> (i32, i32) {
    %c0_i32 = arith.constant 0 : i32
    %c0_i32_0 = arith.constant 0 : i32
    return %arg0, %c0_i32 : i32, i32
  }
  func.func @transform_1(%arg0: i32) -> (i32, i32) {
    %c0_i32 = arith.constant 0 : i32
    %c0_i32_0 = arith.constant 0 : i32
    return %arg0, %c0_i32 : i32, i32
  }
  func.func @transform_2(%arg0: i32) -> (i32, i32) {
    %c0_i32 = arith.constant 0 : i32
    %c0_i32_0 = arith.constant 0 : i32
    return %arg0, %c0_i32 : i32, i32
  }
}

module attributes {stable_mosaic.version = 14 : i64} {
  func.func @_combine_kernel(%arg0: i32, %arg1: memref<1000x256xf32, #tpu.memory_space<vmem>>, %arg2: memref<1000x256xf32, #tpu.memory_space<vmem>>, %arg3: memref<1000x16xf32, #tpu.memory_space<vmem>>, %arg4: memref<1000x256xf32, #tpu.memory_space<vmem>>, %arg5: memref<8x256xf32, #tpu.memory_space<vmem>>, %arg6: memref<256x256xf32, #tpu.memory_space<vmem>>, %arg7: memref<256x256xf32, #tpu.memory_space<vmem>>, %arg8: memref<256x256xf32, #tpu.memory_space<vmem>>, %arg9: memref<1x256xf32, #tpu.memory_space<vmem>>, %arg10: memref<1000x256xf32, #tpu.memory_space<vmem>>) attributes {dimension_semantics = [#tpu.dimension_semantics<arbitrary>], iteration_bounds = array<i64: 10>, scalar_prefetch = 0 : i64, scratch_operands = 0 : i64, tpu.core_type = #tpu.core_type<tc>, window_params = [{transform_indices = @transform_0, window_bounds = array<i64: 1000, 256>}, {transform_indices = @transform_1, window_bounds = array<i64: 1000, 256>}, {transform_indices = @transform_2, window_bounds = array<i64: 1000, 16>}, {transform_indices = @transform_3, window_bounds = array<i64: 1000, 256>}, {pipeline_mode = #tpu.pipeline_mode<synchronous>, transform_indices = @transform_4, window_bounds = array<i64: 8, 256>}, {pipeline_mode = #tpu.pipeline_mode<synchronous>, transform_indices = @transform_5, window_bounds = array<i64: 256, 256>}, {pipeline_mode = #tpu.pipeline_mode<synchronous>, transform_indices = @transform_6, window_bounds = array<i64: 256, 256>}, {pipeline_mode = #tpu.pipeline_mode<synchronous>, transform_indices = @transform_7, window_bounds = array<i64: 256, 256>}, {pipeline_mode = #tpu.pipeline_mode<synchronous>, transform_indices = @transform_8, window_bounds = array<i64: 1, 256>}, {transform_indices = @transform_9, window_bounds = array<i64: 1000, 256>}]} {
    %get3A = arith.constant 0 : index
    %get3A_0 = arith.constant 0 : index
    %get3A_1 = vector.load %arg3[%get3A, %get3A_0] : memref<1000x16xf32, #tpu.memory_space<vmem>>, vector<1000x8xf32>
    %add3A = arith.constant 9.99999971E-10 : f32
    %add3A_2 = vector.broadcast %add3A : f32 to vector<1000x8xf32>
    %add3A_3 = arith.addf %get3A_1, %add3A_2 : vector<1000x8xf32>
    %div3A = arith.constant 1.000000e+00 : f32
    %div3A_4 = vector.broadcast %div3A : f32 to vector<1000x8xf32>
    %div3A_5 = arith.divf %div3A_4, %add3A_3 : vector<1000x8xf32>
    %get3A_6 = arith.constant 0 : index
    %get3A_7 = arith.constant 0 : index
    %get3A_8 = vector.load %arg2[%get3A_6, %get3A_7] : memref<1000x256xf32, #tpu.memory_space<vmem>>, vector<1000x256xf32>
    %get3A_9 = arith.constant 0 : index
    %get3A_10 = arith.constant 0 : index
    %get3A_11 = vector.load %arg5[%get3A_9, %get3A_10] : memref<8x256xf32, #tpu.memory_space<vmem>>, vector<8x256xf32>
    %dot_general3A = arith.constant dense<0.000000e+00> : vector<1000x256xf32>
    %dot_general3A_12 = tpu.matmul %div3A_5, %get3A_11, %dot_general3A {dimension_numbers = #tpu.dot_dimension_numbers<[1], [0], [0], [1], [0, 0, 1, 1], [], []>, transpose_lhs_hint = false} : vector<1000x8xf32>, vector<8x256xf32>, vector<1000x256xf32> -> vector<1000x256xf32>
    %mul3A = arith.mulf %get3A_8, %dot_general3A_12 : vector<1000x256xf32>
    %get3A_13 = arith.constant 0 : index
    %get3A_14 = arith.constant 0 : index
    %get3A_15 = vector.load %arg6[%get3A_13, %get3A_14] : memref<256x256xf32, #tpu.memory_space<vmem>>, vector<256x256xf32>
    %dot_general3A_16 = arith.constant dense<0.000000e+00> : vector<1000x256xf32>
    %dot_general3A_17 = tpu.matmul %mul3A, %get3A_15, %dot_general3A_16 {dimension_numbers = #tpu.dot_dimension_numbers<[1], [0], [0], [1], [0, 0, 1, 1], [], []>, transpose_lhs_hint = false} : vector<1000x256xf32>, vector<256x256xf32>, vector<1000x256xf32> -> vector<1000x256xf32>
    %get3A_18 = arith.constant 0 : index
    %get3A_19 = arith.constant 0 : index
    %get3A_20 = vector.load %arg1[%get3A_18, %get3A_19] : memref<1000x256xf32, #tpu.memory_space<vmem>>, vector<1000x256xf32>
    %get3A_21 = arith.constant 0 : index
    %get3A_22 = arith.constant 0 : index
    %get3A_23 = vector.load %arg7[%get3A_21, %get3A_22] : memref<256x256xf32, #tpu.memory_space<vmem>>, vector<256x256xf32>
    %dot_general3A_24 = arith.constant dense<0.000000e+00> : vector<1000x256xf32>
    %dot_general3A_25 = tpu.matmul %dot_general3A_17, %get3A_23, %dot_general3A_24 {dimension_numbers = #tpu.dot_dimension_numbers<[1], [0], [0], [1], [0, 0, 1, 1], [], []>, transpose_lhs_hint = false} : vector<1000x256xf32>, vector<256x256xf32>, vector<1000x256xf32> -> vector<1000x256xf32>
    %add3A_26 = arith.addf %get3A_20, %dot_general3A_25 : vector<1000x256xf32>
    %get3A_27 = arith.constant 0 : index
    %get3A_28 = arith.constant 0 : index
    %get3A_29 = vector.load %arg4[%get3A_27, %get3A_28] : memref<1000x256xf32, #tpu.memory_space<vmem>>, vector<1000x256xf32>
    %get3A_30 = arith.constant 0 : index
    %get3A_31 = arith.constant 0 : index
    %get3A_32 = vector.load %arg8[%get3A_30, %get3A_31] : memref<256x256xf32, #tpu.memory_space<vmem>>, vector<256x256xf32>
    %dot_general3A_33 = arith.constant dense<0.000000e+00> : vector<1000x256xf32>
    %dot_general3A_34 = tpu.matmul %get3A_29, %get3A_32, %dot_general3A_33 {dimension_numbers = #tpu.dot_dimension_numbers<[1], [0], [0], [1], [0, 0, 1, 1], [], []>, transpose_lhs_hint = false} : vector<1000x256xf32>, vector<256x256xf32>, vector<1000x256xf32> -> vector<1000x256xf32>
    %add3A_35 = arith.addf %add3A_26, %dot_general3A_34 : vector<1000x256xf32>
    %get3A_36 = arith.constant 0 : index
    %get3A_37 = arith.constant 0 : index
    %get3A_38 = vector.load %arg9[%get3A_36, %get3A_37] : memref<1x256xf32, #tpu.memory_space<vmem>>, vector<1x256xf32>
    %add3A_39 = vector.broadcast %get3A_38 : vector<1x256xf32> to vector<1000x256xf32>
    %add3A_40 = arith.addf %add3A_35, %add3A_39 : vector<1000x256xf32>
    %swap3A = arith.constant 0 : index
    %swap3A_41 = arith.constant 0 : index
    %swap3A_42 = vector.load %arg10[%swap3A, %swap3A_41] : memref<1000x256xf32, #tpu.memory_space<vmem>>, vector<1000x256xf32>
    tpu.vector_store %arg10[%swap3A, %swap3A_41], %add3A_40 {strides = array<i32>} : memref<1000x256xf32, #tpu.memory_space<vmem>>, vector<1000x256xf32>,
    return
  }
  func.func @transform_0(%arg0: i32) -> (i32, i32) {
    %c0_i32 = arith.constant 0 : i32
    %c0_i32_0 = arith.constant 0 : i32
    return %arg0, %c0_i32 : i32, i32
  }
  func.func @transform_1(%arg0: i32) -> (i32, i32) {
    %c0_i32 = arith.constant 0 : i32
    %c0_i32_0 = arith.constant 0 : i32
    return %arg0, %c0_i32 : i32, i32
  }
  func.func @transform_2(%arg0: i32) -> (i32, i32) {
    %c0_i32 = arith.constant 0 : i32
    %c0_i32_0 = arith.constant 0 : i32
    return %arg0, %c0_i32 : i32, i32
  }
  func.func @transform_3(%arg0: i32) -> (i32, i32) {
    %c0_i32 = arith.constant 0 : i32
    %c0_i32_0 = arith.constant 0 : i32
    return %arg0, %c0_i32 : i32, i32
  }
  func.func @transform_4(%arg0: i32) -> (i32, i32) {
    %c0_i32 = arith.constant 0 : i32
    %c0_i32_0 = arith.constant 0 : i32
    %c0_i32_1 = arith.constant 0 : i32
    return %c0_i32, %c0_i32_0 : i32, i32
  }
  func.func @transform_5(%arg0: i32) -> (i32, i32) {
    %c0_i32 = arith.constant 0 : i32
    %c0_i32_0 = arith.constant 0 : i32
    %c0_i32_1 = arith.constant 0 : i32
    return %c0_i32, %c0_i32_0 : i32, i32
  }
  func.func @transform_6(%arg0: i32) -> (i32, i32) {
    %c0_i32 = arith.constant 0 : i32
    %c0_i32_0 = arith.constant 0 : i32
    %c0_i32_1 = arith.constant 0 : i32
    return %c0_i32, %c0_i32_0 : i32, i32
  }
  func.func @transform_7(%arg0: i32) -> (i32, i32) {
    %c0_i32 = arith.constant 0 : i32
    %c0_i32_0 = arith.constant 0 : i32
    %c0_i32_1 = arith.constant 0 : i32
    return %c0_i32, %c0_i32_0 : i32, i32
  }
  func.func @transform_8(%arg0: i32) -> (i32, i32) {
    %c0_i32 = arith.constant 0 : i32
    %c0_i32_0 = arith.constant 0 : i32
    %c0_i32_1 = arith.constant 0 : i32
    return %c0_i32, %c0_i32_0 : i32, i32
  }
  func.func @transform_9(%arg0: i32) -> (i32, i32) {
    %c0_i32 = arith.constant 0 : i32
    %c0_i32_0 = arith.constant 0 : i32
    return %arg0, %c0_i32 : i32, i32
  }
}

</mosaic_0001>

<sc_bundles>
// kernel: gather_offload_async_start.1
scs
__scs_entry_jumppad:
0x0: {  	(pc) =	sbr.rel $0x88, $3  }
0x1: {  	(tag) =	ssettag $0x0;
	lr =	simm.s32 $0x1  }
0x2: {  	[smem:$0x3F8B] =	sst lr;
	_ =	strace $0xD0000000  }
0x3: {  	_ = 	snop  }
0x4: {  	_ = 	snop  }
0x5: {  	_ = 	snop  }
0x6: {  	_ = 	snop  }
0x7: {  	_ = 	snop  }
__scs_overlays_trampoline_lowered:
0x8: {  	[smem:$0x3F9A] =	sst s0  }
0x9: {  	[smem:$0x3F9B] =	sst s1  }
0xa: {  	[smem:$0x3F9C] =	sst s2  }
0xb: {  	[smem:$0x3F9D] =	sst s3  }
0xc: {  	[smem:$0x3F9E] =	sst s4  }
0xd: {  	[smem:$0x3F9F] =	sst s5  }
0xe: {  	[smem:$0x3FA0] =	sst s6  }
0xf: {  	[smem:$0x3FA1] =	sst s7  }
0x10: {  	[smem:$0x3FA2] =	sst s8  }
0x11: {  	[smem:$0x3FA3] =	sst s9;
	s0 =	simm.s32 @!p0 $0x0  }
0x12: {  	s1 =	sld [smem:$0x3F89];
	s0 =	simm.s32 @p0 $0x1  }
0x13: {  	[smem:$0x3FA4] =	sst s0;
	s0 =	simm.s32 @!p1 $0x0  }
0x14: {  	s2 =	sld [smem:$0x3F88];
	s0 =	simm.s32 @p1 $0x1  }
0x15: {  	[smem:$0x3FA5] =	sst s0;
	s0 =	simm.s32 @!p2 $0x0  }
0x16: {  	s3 =	sld [smem:$0x3FDB];
	s0 =	simm.s32 @p2 $0x1  }
0x17: {  	s4 =	simm.s32 $0x1BF5;
	[smem:$0x3FA7] =	sst s0  }
0x18: {  	s0 =	sld [smem:$0x3F8A];
	_ =	swait.ge [sflag:s4], $0x0  }
0x19: {  	s7 =	sld [smem:$0x3F8B]  }
0x1a: {  	s8 =	sadd.s32 $0xFFFFE003, lr  }
0x1b: {  	s9 =	sadd.s32 $0xFFFFFEF7, lr;
	s5 =	simm.s32 $0xFFFFFFFF;
	p2 =	slt.u32 s8, $0xFFFFF086  }
0x1c: {  	p1 =	slt.u32 s9, $0xF7A;
	s5 =	simm.s32 @!p2 $0x0  }
0x1d: {  	s5 =	simm.s32 @p1 $0x1;
	p0 =	seq.s32 s7, s2  }
0x1e: {  	s7 =	smul.u32 @!p0 $0xF7A, s2;
	p2 =	seq.s32 @!p0 s5, $0x0  }
0x1f: {  	s9 =	smul.u32 $0xF7A, s1;
	s8 =	simm.s32 @!p0 $0x1BF5;
	p2 =	por !p2, p0  }
0x20: {  	[sflag:s8] =	ssyncset.s32 @!p0 $0xFFFFF086;
	s6 =	sadd.s32 @!p0 s3, s7;
	s7 =	simm.s32 @!p0 $0x108  }
0x21: {  	s3 =	sadd.s32 s3, s9;
	s6 =	sadd.s32 @!p0 $0x88, s6;
	s7 =	simm.s32 @p2 $0x1082  }
0x22: {  	[simem:s7], [sflag:s8] =	dma.local @!p0 [hbm:s6], $0xF7A  }
0x23: {  	s9 =	sor.u32 $0xD0000000, s2;
	s6 =	simm.s32 $0x108;
	_ =	swait.ge @!p0 [sflag:s8], $0x0  }
0x24: {  	s3 =	sadd.s32 $0x88, s3;
	s6 =	simm.s32 @!p1 $0x1082;
	[sflag:s4] =	ssyncset.s32 $0xFFFFF086  }
0x25: {  	[simem:s6], [sflag:s4] =	dma.local [hbm:s3], $0xF7A  }
0x26: {  	[smem:$0x3F8B] =	sst s1;
	(tag) =	ssettag s2;
	_ =	strace s9  }
0x27: {  	s1 =	sld [smem:$0x3F9B]  }
0x28: {  	s2 =	sld [smem:$0x3F9C]  }
0x29: {  	s4 =	sld [smem:$0x3F9E]  }
0x2a: {  	p0 =	seq.s32 s5, $0x0;
	s5 =	sld [smem:$0x3F9F]  }
0x2b: {  	s6 =	sld [smem:$0x3FA0]  }
0x2c: {  	s7 =	sld [smem:$0x3FA1]  }
0x2d: {  	s3 =	simm.s32 $0x108;
	s8 =	sld [smem:$0x3FA2]  }
0x2e: {  	s3 =	simm.s32 @!p0 $0x1082;
	s9 =	sld [smem:$0x3FA3]  }
0x2f: {  	lr =	sadd.s32 s0, s3;
	s0 =	sld [smem:$0x3F9A]  }
0x30: {  	s3 =	sld [smem:$0x3F9D]  }
0x31: {  	[smem:$0x3FA6] =	sst s10  }
0x32: {  	s10 =	sld [smem:$0x3FA4];
	_ =	sdelay $0x3  }
0x33: {  	p0 =	seq.s32 s10, $0x1;
	s10 =	sld [smem:$0x3FA6];
	_ =	sdelay $0x3  }
0x34: {  	[smem:$0x3FA6] =	sst s10  }
0x35: {  	s10 =	sld [smem:$0x3FA5];
	_ =	sdelay $0x3  }
0x36: {  	p1 =	seq.s32 s10, $0x1;
	s10 =	sld [smem:$0x3FA6];
	_ =	sdelay $0x3  }
0x37: {  	[smem:$0x3FA6] =	sst s10  }
0x38: {  	s10 =	sld [smem:$0x3FA7]  }
0x39: {  	_ = 	snop;
	(pc) =	sbr.ind lr, $3  }
0x3a: {  	_ = 	snop  }
0x3b: {  	_ = 	snop  }
0x3c: {  	p2 =	seq.s32 s10, $0x1;
	s10 =	sld [smem:$0x3FA6]  }
0x3d: {  	_ =	shalt  }
0x3e: {  	_ =	shalt  }
0x3f: {  	_ =	shalt  }
0x40: {  	_ =	shalt  }
0x41: {  	_ =	shalt  }
0x42: {  	_ =	shalt  }
0x43: {  	_ =	shalt  }
0x44: {  	_ =	shalt  }
0x45: {  	_ =	shalt  }
0x46: {  	_ =	shalt  }
0x47: {  	_ =	shalt  }
0x48: {  	_ =	shalt  }
0x49: {  	_ =	shalt  }
0x4a: {  	_ =	shalt  }
0x4b: {  	_ =	shalt  }
0x4c: {  	_ =	shalt  }
0x4d: {  	_ =	shalt  }
0x4e: {  	_ =	shalt  }
0x4f: {  	_ =	shalt  }
0x50: {  	_ =	shalt  }
0x51: {  	_ =	shalt  }
0x52: {  	_ =	shalt  }
0x53: {  	_ =	shalt  }
0x54: {  	_ =	shalt  }
0x55: {  	_ =	shalt  }
0x56: {  	_ =	shalt  }
0x57: {  	_ =	shalt  }
0x58: {  	_ =	shalt  }
0x59: {  	_ =	shalt  }
0x5a: {  	_ =	shalt  }
0x5b: {  	_ =	shalt  }
0x5c: {  	_ =	shalt  }
0x5d: {  	_ =	shalt  }
0x5e: {  	_ =	shalt  }
0x5f: {  	_ =	shalt  }
0x60: {  	_ =	shalt  }
0x61: {  	_ =	shalt  }
0x62: {  	_ =	shalt  }
0x63: {  	_ =	shalt  }
0x64: {  	_ =	shalt  }
0x65: {  	_ =	shalt  }
0x66: {  	_ =	shalt  }
0x67: {  	_ =	shalt  }
0x68: {  	_ =	shalt  }
0x69: {  	_ =	shalt  }
0x6a: {  	_ =	shalt  }
0x6b: {  	_ =	shalt  }
0x6c: {  	_ =	shalt  }
0x6d: {  	_ =	shalt  }
0x6e: {  	_ =	shalt  }
0x6f: {  	_ =	shalt  }
0x70: {  	_ =	shalt  }
0x71: {  	_ =	shalt  }
0x72: {  	_ =	shalt  }
0x73: {  	_ =	shalt  }
0x74: {  	_ =	shalt  }
0x75: {  	_ =	shalt  }
0x76: {  	_ =	shalt  }
0x77: {  	_ =	shalt  }
0x78: {  	_ =	shalt  }
0x79: {  	_ =	shalt  }
0x7a: {  	_ =	shalt  }
0x7b: {  	_ =	shalt  }
0x7c: {  	_ =	shalt  }
0x7d: {  	_ =	shalt  }
0x7e: {  	_ =	shalt  }
0x7f: {  	_ =	shalt  }
0x80: {  	_ =	shalt  }
0x81: {  	_ =	shalt  }
0x82: {  	_ =	shalt  }
0x83: {  	_ =	shalt  }
0x84: {  	_ =	shalt  }
0x85: {  	_ =	shalt  }
0x86: {  	_ =	shalt  }
0x87: {  	_ =	shalt  }
.Lfunc_end0:
.L_simem_size_0:
called_computation.2_lowered:
.L_overlay_start_0:
0x88: {  	s0 =	sld [smem:$0x3FD9]  }
0x89: {  	s1 =	sld [smem:$0x3FFE];
	_ =	sdelay $0x3  }
0x8a: {  	s0 =	sadd.s32 s1, s0  }
0x8b: {  	[smem:$0x3FB2] =	sst s0  }
0x8c: {  	_ = 	snop  }
0x8d: {  	s0 =	sld [smem:$0x3FD0];
	_ =	sdelay $0x2  }
0x8e: {  	s13 =	simm.s32 $0xD;
	s2 =	simm.s32 $0x10  }
0x8f: {  	[smem:s2], [sflag:s13] =	dma.local [hbm:s0], $0x1  }
0x90: {  	_ =	swait.eq [sflag:s13], $0x1  }
0x91: {  	[sflag:s13] =	ssyncset.done $0x0  }
0x92: {  	[sflag:s13] =	ssyncadd.s32 $0xFFFFFFFF  }
0x93: {  	s14 =	sld [smem:$0x12];
	(tm) =	ssettm $0x1  }
0x94: {  	s15 =	sld [smem:$0x3FFB];
	_ =	sdelay $0x3  }
0x95: {  	_ =	strace s15  }
0x96: {  	s1 =	sld [smem:$0x3FFC];
	_ =	sdelay $0x3  }
0x97: {  	_ =	strace s1  }
0x98: {  	s1 =	sld [smem:$0x3FFD];
	_ =	sdelay $0x3  }
0x99: {  	_ =	strace s1  }
0x9a: {  	_ =	strace $0x8FFFFFFF  }
0x9b: {  	s16 =	sld [smem:$0x3FDB];
	_ =	sdelay $0x1  }
0x9c: {  	s17 =	simm.s32 $_scs_section_size  }
0x9d: {  	s3 =	simm.s32 $_size__tile_overlayer_lowered;
	s4 =	simm.s32 $_tile_overlayer_lowered  }
0x9e: {  	s20 =	simm.s32 $0x1BFF;
	s19 =	sshll.u32 s4, $0x1;
	s1 =	sadd.s32 s17, s16  }
0x9f: {  	s5 =	simm.s32 $0x0;
	s18 =	sshll.u32 s3, $0x1;
	s3 =	sadd.s32 s19, s1  }
0xa0: {  	[timem:s5], [sflag:s20] =	dma.local [hbm:s3], s18  }
0xa1: {  	_ =	swait.ge [sflag:s20], s18  }
0xa2: {  	s2 =	ssub.s32 $0x0, s18;
	[sflag:s20] =	ssyncset.done $0x0  }
0xa3: {  	[sflag:s20] =	ssyncadd.s32 s2;
	_ =	sdelay $0x1  }
0xa4: {  	s21 =	simm.s32 $0x1B8B  }
0xa5: {  	_ =	swait.ge [sflag:s21], $0x1  }
0xa6: {  	[sflag:s21] =	ssyncset.done $0x0  }
0xa7: {  	s23 =	simm.s32 $0x1B8E;
	s22 =	sld [smem:$0x3FFE];
	[sflag:s21] =	ssyncadd.s32 $0xFFFFFFFF  }
0xa8: {  	s24 =	simm.s32 $execute0_lowered;
	[smem:$0x3FD2] =	sst s23  }
0xa9: {  	s3 =	sshll.u32 s24, $0x1;
	_ =	strace $0x8000004C;
	[dreg:$0x1] =	wrdreg $0xFFFFFFFF  }
0xaa: {  	s25 =	simm.s32 $_size_execute0_lowered;
	s1 =	sadd.s32 s1, s3;
	[dreg:$0x0] =	wrdreg $0x0  }
0xab: {  	s3 =	sshll.u32 s25, $0x1;
	[dreg:$0x2] =	wrdreg s1  }
0xac: {  	[dreg:$0x3] =	wrdreg s3  }
0xad: {  	[dreg:$0x4] =	wrdreg $0xC0  }
0xae: {  	_ =	task [dreg:s5], $0x5FFFF  }
0xaf: {  	[dreg:$0x1] =	wrdreg $0xFFFFFFFF  }
0xb0: {  	[dreg:$0x0] =	wrdreg $0x60  }
0xb1: {  	[dreg:$0x2] =	wrdreg s14  }
0xb2: {  	[dreg:$0x3] =	wrdreg s22  }
0xb3: {  	[dreg:$0x4] =	wrdreg $0x9  }
0xb4: {  	_ =	task.clear_ibuf [dreg:s5], $0x5FFFF;
	_ =	strace $0x9000004C  }
0xb5: {  	s26 =	simm.s32 $0x9;
	_ =	strace $0x8000004E  }
0xb6: {  	_ =	swait.ge [sflag:s26], $0x1  }
0xb7: {  	[sflag:s26] =	ssyncadd.s32 $0xFFFFFFFF  }
0xb8: {  	_ =	strace $0x9000004E  }
0xb9: {  	_ =	sfence  }
0xba: {  	s28 =	sld [smem:$0x0];
	_ =	sdelay $0x1  }
0xbb: {  	s29 =	srdreg.scid  }
0xbc: {  	s30 =	sshll.u32 s29, $0xD;
	s31 =	sshrl.u32 s29, $0x2  }
0xbd: {  	s2 =	sand.u32 $0x4000, s30;
	s1 =	sand.u32 $0x1, s29;
	s0 =	sadd.s32 s31, s28  }
0xbe: {  	s1 =	sor.u32 s2, s1;
	s0 =	sshll.u32 s0, $0x11  }
0xbf: {  	s0 =	sor.u32 s0, s1  }
0xc0: {  	s0 =	sadd.s32 $0x8F2B, s0  }
0xc1: {  	[sflag:s0] =	ssyncadd.remote.s32 $0x1  }
0xc2: {  	_ =	sfence.sel $0xFFFF  }
0xc3: {  	[dreg:$0x0] =	wrdreg $0xFFFFFFFF;
	(pc) =	sbr.abs _section_cstart, $3  }
0xc4: {  	[dreg:$0x1] =	wrdreg $0xFFFFFFFF  }
0xc5: {  	_ =	task.clear_ibuf [dreg:s5], $0x2FFFF;
	_ =	strace $0x9FFFFFFF  }
0xc6: {  	(tm) =	ssettm $0x7FFFFFFF  }
0xc7: {  	_ =	shalt  }
tec
execute0_lowered:
.L_overlay_start_1:
0x0: {  	(tag) =	ssettag $0x1  }
0x1: {  	s0 =	stileid.u32  }
0x2: {  	s1 =	smul.u32 $0x3, s0  }
0x3: {  	s2 =	smin.u32 s0, $0x2  }
0x4: {  	s1 =	sadd.s32 s2, s1  }
0x5: {  	p0 =	slt.u32 s0, $0x2;
	s2 =	simm.s32 $0x320;
	s1 =	smul.u32 $0xC8, s1  }
0x6: {  	s2 =	simm.s32 @!p0 $0x258  }
0x7: {  	s2 =	sadd.s32 s2, s1  }
0x8: {  	s3 =	smin.u32 s2, $0x2710  }
0x9: {  	s7 =	ssub.s32 s3, s1  }
0xa: {  	p0 =	sgt.s32 s7, $0x0  }
0xb: {  	s7 =	simm.s32 @!p0 $0x0  }
0xc: {  	s31 =	sand.u32 $0xFFF8, s7  }
0xd: {  	s2 =	sshrl.u32 s31, $0x3  }
0xe: {  	s4 =	rddreg [dreg:$0x0];
	s2 =	smul.u32 $0x147B, s2  }
0xf: {  	s9 =	rddreg [dreg:$0x1];
	s6 =	simm.s32 $0x1  }
0x10: {  	s11 =	simm.s32 $0x3;
	s13 =	simm.s32 $0x0;
	s8 =	sshrl.u32 s2, $0x11  }
0x11: {  	s12 =	simm.s32 $0x0;
	s5 =	sadd.s32 $0x7200, s9;
	s10 =	smul.u32 $0xC8, s8  }
.Ltmp0:
0x12: {  	s9 =	sadd.s32 $0x1F9A00, s9;
	s2 =	rddreg [dreg:$0x2];
	(pc) =	sbr.rel .LBB2_1-.Ltmp0, $4  }
0x13: {  	_ =	strace $0x8000004D;
	p0 =	sne.s32 s7, s10;
	s10 =	simm.s32 $0x1  }
0x14: {  	[sflag:s6] =	ssyncpa.u1 $0x0;
	s7 =	simm.s32 $0x2;
	s10 =	simm.s32 @!p0 $0x0  }
0x15: {  	[sflag:s7] =	ssyncpa.u1 $0x0;
	p0 =	por $0x0, $0x0;
	s8 =	sadd.s32 s8, s10  }
0x16: {  	vm0 =	vmmov $0xff;
	vm1 =	vcmask $0x3F20;
	[sflag:s11] =	ssyncpa.u1 $0x0;
	s11 =	smov.u32 s1;
	s10 =	sadd.s32 $0x1, s8  }
.LBB2_10:
0x17: {  	[hbm:s17] =	stream.linear.scatter [tilespmem:s14], [sflag:$0x3], $0x800, $0x38;
	[tilespmem:$0x19190] =	vst v63  }
.LBB2_11:
0x18: {  	s13 =	sadd.s32 $0xC8, s11  }
0x19: {  	s15 =	smov.u32 s1;
	p2 =	slt.s32 s13, s3  }
0x1a: {  	s15 =	smov.u32 @p2 s13;
	p2 =	sne.s32 s12, s10  }
.Ltmp1:
0x1b: {  	p1 =	slt.u32 s12, $0x2;
	(pc) =	sbr.rel @!p2 .LBB2_12-.Ltmp1, $4  }
0x1c: {  	s14 =	simm.s32 @!p1 $0x3  }
0x1d: {  	s16 =	sadd.s32 $0x1, s12;
	_ =	swait.ge @!p1 [sflag:s14], $0xC800  }
0x1e: {  	p0 =	por !p0, !p0;
	s13 =	smov.u32 s11;
	[sflag:s14] =	ssyncset.done @!p1 $0x0  }
0x1f: {  	s12 =	smov.u32 s16;
	s11 =	smov.u32 s15;
	[sflag:s14] =	ssyncadd.s32 @!p1 $0xFFFF3800  }
.LBB2_1:
0x20: {  	p1 =	sge.u32 s12, s8  }
0x21: {  	s14 =	sxor.u32 @!p1 $0xFFFFFFFF, s12  }
0x22: {  	s14 =	sand.u32 @!p1 $0x1, s14  }
0x23: {  	s14 =	smul.u32 @!p1 $0x320, s14  }
0x24: {  	s31 =	sadd.s32 $0xFFFFFFFF, s12;
	s15 =	sshrl.u32 @!p1 s11, $0x3  }
0x25: {  	s16 =	sand.u32 @!p1 $0x7, s11;
	s15 =	sadd.s32 @!p1 s5, s15;
	s14 =	sshrl.u32 @!p1 s14, $0x2  }
0x26: {  	[tilespmem:s14], [sflag:$0x2] =	stream.linear.gather @!p1 [hbm4b:s15+s16], $0xC8, $0x38;
	[tilespmem:$0x19190] =	vst v63  }
0x27: {  	p1 =	sge.u32 s31, s8  }
.Ltmp2:
0x28: {  	_ = 	snop;
	(pc) =	sbr.rel @p1 .LBB2_11-.Ltmp2, $1  }
0x29: {  	_ =	sdelay $0x3  }
0x2a: {  	s15 =	sand.u32 $0x1, s12  }
0x2b: {  	s14 =	simm.s32 $0x1;
	s16 =	smul.u32 $0x32000, s15  }
0x2c: {  	_ =	swait.ge [sflag:s7], $0xC8;
	s14 =	simm.s32 @!p0 $0x0;
	s15 =	smul.u32 $0x320, s15  }
0x2d: {  	[sflag:s7] =	ssyncset.done $0x0;
	s14 =	smul.u32 $0x32000, s14  }
0x2e: {  	[sflag:s7] =	ssyncadd.s32 $0xFFFFFF38  }
0x2f: {  	s17 =	sshrl.u32 s16, $0x2;
	s16 =	sshrl.u32 s15, $0x2;
	s14 =	sshrl.u32 s14, $0x2  }
0x30: {  	s15 =	sor.u32 $0x190, s17;
	s17 =	simm.s32 $0x0;
	s14 =	sor.u32 $0x190, s14  }
.LBB2_3:
0x31: {  	s18 =	sshll.u32 s17, $0x4  }
0x32: {  	s18 =	sand.u32 $0x3FFFFFF0, s18  }
0x33: {  	s18 =	sadd.s32 s18, s16  }
0x34: {  	v0 =	vld.msk [tilespmem:s18+$0x0 ss:$0x1], $0xffff;
	_ =	sdelay $0x4  }
0x35: {  	vm2 =	vgt.s32 v0, $0x0  }
0x36: {  	v0 =	vnsel vm2, $0x0, v0  }
0x37: {  	v0 =	vmin.u32 v0, $0x270F  }
0x38: {  	s31 =	sshll.u32 s17, $0xC;
	v1 =	vshll.u32 v0, $0x5;
	v0 =	vshll.u32 v0, $0x4  }
0x39: {  	s18 =	sand.u32 $0x3FFFF000, s31;
	v1 =	vand.u32 $0x7FF00, v1;
	v0 =	vand.u32 $0x70, v0  }
0x3a: {  	p1 =	por $0x1, $0x1;
	s19 =	simm.s32 $0x0;
	s18 =	sadd.s32 s18, s15;
	v0 =	vor.u32 v0, v1  }
.LBB2_4:
0x3b: {  	_ =	sdelay $0x1  }
0x3c: {  	s19 =	sshra.s32 s19, $0x2;
	p2 =	por p1, p1  }
.Ltmp3:
0x3d: {  	s19 =	sadd.s32 s19, s18;
	(pc) =	sbr.rel @p2 .LBB2_4-.Ltmp3, $4  }
0x3e: {  	[tilespmem:s19], [sflag:$0x1] =	stream.indirect_vreg.gather [hbm:s4], $0x80, v0, vm0, $0x38;
	[tilespmem:$0x19190] =	vst v63  }
0x3f: {  	s19 =	sadd.s32 $0x800, s19  }
0x40: {  	[tilespmem:s19], [sflag:$0x1] =	stream.indirect_vreg.gather [hbm:s4], $0x80, v0, vm1, $0x38;
	[tilespmem:$0x19190] =	vst v63  }
0x41: {  	p1 =	por $0x0, $0x0;
	v0 =	vadd.s32 $0x80, v0;
	s19 =	simm.s32 $0x1000  }
0x42: {  	s17 =	sadd.s32 $0x1, s17  }
0x43: {  	p1 =	sne.s32 s17, $0xC  }
.Ltmp4:
0x44: {  	_ = 	snop;
	(pc) =	sbr.rel @p1 .LBB2_3-.Ltmp4, $1  }
0x45: {  	_ =	sdelay $0x3  }
0x46: {  	v0 =	vld.msk [tilespmem:s16+$0xC0 ss:$0x1], $0xff;
	_ =	sdelay $0x4  }
0x47: {  	vm2 =	vgt.s32 v0, $0x0  }
0x48: {  	v0 =	vnsel vm2, $0x0, v0  }
0x49: {  	v0 =	vmin.u32 v0, $0x270F  }
0x4a: {  	v1 =	vshll.u32 v0, $0x5;
	v0 =	vshll.u32 v0, $0x4  }
0x4b: {  	v1 =	vand.u32 $0x7FF00, v1;
	v0 =	vand.u32 $0x70, v0  }
0x4c: {  	s16 =	simm.s32 $0x0;
	p1 =	por $0x1, $0x1;
	v0 =	vor.u32 v0, v1  }
.LBB2_7:
0x4d: {  	p2 =	por p1, p1  }
.Ltmp5:
0x4e: {  	s16 =	sshra.s32 s16, $0x2;
	(pc) =	sbr.rel @p2 .LBB2_7-.Ltmp5, $4  }
0x4f: {  	s16 =	sadd.s32 s16, s15  }
0x50: {  	s16 =	sadd.s32 $0xC000, s16  }
0x51: {  	[tilespmem:s16], [sflag:$0x1] =	stream.indirect_vreg.gather [hbm:s4], $0x80, v0, vm0, $0x38;
	[tilespmem:$0x19190] =	vst v63  }
0x52: {  	p1 =	por $0x0, $0x0;
	v0 =	vadd.s32 $0x80, v0;
	s16 =	simm.s32 $0x1000  }
0x53: {  	s15 =	sshll.u32 s13, $0x5  }
0x54: {  	s31 =	sshll.u32 s13, $0x4;
	s15 =	sand.u32 $0xFFFFFF00, s15  }
0x55: {  	_ =	swait.ge [sflag:s6], $0xC800;
	s13 =	sand.u32 $0x70, s31;
	s15 =	sadd.s32 s15, s9  }
0x56: {  	s16 =	sadd.s32 $0x800, s14;
	[sflag:s6] =	ssyncset.done $0x0;
	s13 =	sadd.s32 s13, s15  }
0x57: {  	[sflag:s6] =	ssyncadd.s32 $0xFFFF3800;
	s15 =	simm.s32 $0x100;
	s17 =	sadd.s32 $0x0, s13  }
.LBB2_9:
0x58: {  	[hbm:s17] =	stream.linear.scatter [tilespmem:s14], [sflag:$0x3], $0x800, $0x38;
	[tilespmem:$0x19190] =	vst v63  }
0x59: {  	s17 =	smov.u32 s15;
	s14 =	smov.u32 s16;
	p1 =	sne.s32 s15, $0x1800  }
.Ltmp6:
0x5a: {  	s15 =	sadd.s32 $0x100, s15;
	(pc) =	sbr.rel @p1 .LBB2_9-.Ltmp6, $2  }
0x5b: {  	_ =	sdelay $0x2  }
0x5c: {  	s16 =	sadd.s32 $0x800, s16;
	s17 =	sadd.s32 s17, s13  }
.Ltmp7:
0x5d: {  	_ = 	snop;
	(pc) =	sbr.rel .LBB2_10-.Ltmp7, $1  }
0x5e: {  	_ =	sdelay $0x3  }
.LBB2_12:
0x5f: {  	_ =	sfence.sel $0x180000  }
0x60: {  	s1 =	simm.s32 $0x2;
	[bflag:$0x0] =	sbarrier.arrive $0xFFFF  }
0x61: {  	s30 =	simm.s32 $0x3;
	[sflag:s1] =	ssyncpa.u1 $0x1  }
0x62: {  	s31 =	simm.s32 $0x1;
	[sflag:s30] =	ssyncpa.u1 $0x1  }
0x63: {  	[sflag:s31] =	ssyncpa.u1 $0x1  }
0x64: {  	p0 =	sne.s32 s0, $0x0;
	_ =	strace $0x9000004D  }
0x65: {  	s0 =	sadd.s32 @!p0 $0x100000, s2;
	[bflag:$0x2] =	sbarrier.arrive $0xFFFF  }
0x66: {  	[sflag:s0] =	ssyncadd.tile.s32 @!p0 $0x1;
	_ =	shalt  }
.Lfunc_end2:
_tile_overlayer_lowered:
.L_overlay_start_2:
0x67: {  	(tag) =	ssettag $0x2  }
0x68: {  	s0 =	rddreg [dreg:$0x0];
	s2 =	stileid.u32  }
0x69: {  	s1 =	rddreg [dreg:$0x1];
	p0 =	sne.s32 s2, $0x0  }
0x6a: {  	s3 =	rddreg [dreg:$0x2];
	[bflag:$0x3] =	sbarrier.arrive $0xFFFF;
	s2 =	simm.s32 @!p0 $0x1C01  }
0x6b: {  	[timem:s3], [sflag:s2] =	dma.local @!p0 [hbm:s0], s1  }
0x6c: {  	s0 =	simm.s32 @!p0 $0x1  }
0x6d: {  	_ =	swait.ge @!p0 [sflag:s0], s1  }
0x6e: {  	s1 =	ssub.s32 @!p0 $0x0, s1;
	[sflag:s0] =	ssyncset.done @!p0 $0x0  }
0x6f: {  	[sflag:s0] =	ssyncadd.s32 @!p0 s1  }
0x70: {  	[bflag:$0x3] =	sbarrier.arrive $0xFFFF  }
0x71: {  	_ =	shalt  }

// kernel: gather_offload_async_start
scs
__scs_entry_jumppad:
0x0: {  	(pc) =	sbr.rel $0x88, $3  }
0x1: {  	(tag) =	ssettag $0x0;
	lr =	simm.s32 $0x1  }
0x2: {  	[smem:$0x3F8B] =	sst lr;
	_ =	strace $0xD0000000  }
0x3: {  	_ = 	snop  }
0x4: {  	_ = 	snop  }
0x5: {  	_ = 	snop  }
0x6: {  	_ = 	snop  }
0x7: {  	_ = 	snop  }
__scs_overlays_trampoline_lowered:
0x8: {  	[smem:$0x3F9A] =	sst s0  }
0x9: {  	[smem:$0x3F9B] =	sst s1  }
0xa: {  	[smem:$0x3F9C] =	sst s2  }
0xb: {  	[smem:$0x3F9D] =	sst s3  }
0xc: {  	[smem:$0x3F9E] =	sst s4  }
0xd: {  	[smem:$0x3F9F] =	sst s5  }
0xe: {  	[smem:$0x3FA0] =	sst s6  }
0xf: {  	[smem:$0x3FA1] =	sst s7  }
0x10: {  	[smem:$0x3FA2] =	sst s8  }
0x11: {  	[smem:$0x3FA3] =	sst s9;
	s0 =	simm.s32 @!p0 $0x0  }
0x12: {  	s1 =	sld [smem:$0x3F89];
	s0 =	simm.s32 @p0 $0x1  }
0x13: {  	[smem:$0x3FA4] =	sst s0;
	s0 =	simm.s32 @!p1 $0x0  }
0x14: {  	s2 =	sld [smem:$0x3F88];
	s0 =	simm.s32 @p1 $0x1  }
0x15: {  	[smem:$0x3FA5] =	sst s0;
	s0 =	simm.s32 @!p2 $0x0  }
0x16: {  	s3 =	sld [smem:$0x3FDB];
	s0 =	simm.s32 @p2 $0x1  }
0x17: {  	s4 =	simm.s32 $0x1BF5;
	[smem:$0x3FA7] =	sst s0  }
0x18: {  	s0 =	sld [smem:$0x3F8A];
	_ =	swait.ge [sflag:s4], $0x0  }
0x19: {  	s7 =	sld [smem:$0x3F8B]  }
0x1a: {  	s8 =	sadd.s32 $0xFFFFE003, lr  }
0x1b: {  	s9 =	sadd.s32 $0xFFFFFEF7, lr;
	s5 =	simm.s32 $0xFFFFFFFF;
	p2 =	slt.u32 s8, $0xFFFFF086  }
0x1c: {  	p1 =	slt.u32 s9, $0xF7A;
	s5 =	simm.s32 @!p2 $0x0  }
0x1d: {  	s5 =	simm.s32 @p1 $0x1;
	p0 =	seq.s32 s7, s2  }
0x1e: {  	s7 =	smul.u32 @!p0 $0xF7A, s2;
	p2 =	seq.s32 @!p0 s5, $0x0  }
0x1f: {  	s9 =	smul.u32 $0xF7A, s1;
	s8 =	simm.s32 @!p0 $0x1BF5;
	p2 =	por !p2, p0  }
0x20: {  	[sflag:s8] =	ssyncset.s32 @!p0 $0xFFFFF086;
	s6 =	sadd.s32 @!p0 s3, s7;
	s7 =	simm.s32 @!p0 $0x108  }
0x21: {  	s3 =	sadd.s32 s3, s9;
	s6 =	sadd.s32 @!p0 $0x88, s6;
	s7 =	simm.s32 @p2 $0x1082  }
0x22: {  	[simem:s7], [sflag:s8] =	dma.local @!p0 [hbm:s6], $0xF7A  }
0x23: {  	s9 =	sor.u32 $0xD0000000, s2;
	s6 =	simm.s32 $0x108;
	_ =	swait.ge @!p0 [sflag:s8], $0x0  }
0x24: {  	s3 =	sadd.s32 $0x88, s3;
	s6 =	simm.s32 @!p1 $0x1082;
	[sflag:s4] =	ssyncset.s32 $0xFFFFF086  }
0x25: {  	[simem:s6], [sflag:s4] =	dma.local [hbm:s3], $0xF7A  }
0x26: {  	[smem:$0x3F8B] =	sst s1;
	(tag) =	ssettag s2;
	_ =	strace s9  }
0x27: {  	s1 =	sld [smem:$0x3F9B]  }
0x28: {  	s2 =	sld [smem:$0x3F9C]  }
0x29: {  	s4 =	sld [smem:$0x3F9E]  }
0x2a: {  	p0 =	seq.s32 s5, $0x0;
	s5 =	sld [smem:$0x3F9F]  }
0x2b: {  	s6 =	sld [smem:$0x3FA0]  }
0x2c: {  	s7 =	sld [smem:$0x3FA1]  }
0x2d: {  	s3 =	simm.s32 $0x108;
	s8 =	sld [smem:$0x3FA2]  }
0x2e: {  	s3 =	simm.s32 @!p0 $0x1082;
	s9 =	sld [smem:$0x3FA3]  }
0x2f: {  	lr =	sadd.s32 s0, s3;
	s0 =	sld [smem:$0x3F9A]  }
0x30: {  	s3 =	sld [smem:$0x3F9D]  }
0x31: {  	[smem:$0x3FA6] =	sst s10  }
0x32: {  	s10 =	sld [smem:$0x3FA4];
	_ =	sdelay $0x3  }
0x33: {  	p0 =	seq.s32 s10, $0x1;
	s10 =	sld [smem:$0x3FA6];
	_ =	sdelay $0x3  }
0x34: {  	[smem:$0x3FA6] =	sst s10  }
0x35: {  	s10 =	sld [smem:$0x3FA5];
	_ =	sdelay $0x3  }
0x36: {  	p1 =	seq.s32 s10, $0x1;
	s10 =	sld [smem:$0x3FA6];
	_ =	sdelay $0x3  }
0x37: {  	[smem:$0x3FA6] =	sst s10  }
0x38: {  	s10 =	sld [smem:$0x3FA7]  }
0x39: {  	_ = 	snop;
	(pc) =	sbr.ind lr, $3  }
0x3a: {  	_ = 	snop  }
0x3b: {  	_ = 	snop  }
0x3c: {  	p2 =	seq.s32 s10, $0x1;
	s10 =	sld [smem:$0x3FA6]  }
0x3d: {  	_ =	shalt  }
0x3e: {  	_ =	shalt  }
0x3f: {  	_ =	shalt  }
0x40: {  	_ =	shalt  }
0x41: {  	_ =	shalt  }
0x42: {  	_ =	shalt  }
0x43: {  	_ =	shalt  }
0x44: {  	_ =	shalt  }
0x45: {  	_ =	shalt  }
0x46: {  	_ =	shalt  }
0x47: {  	_ =	shalt  }
0x48: {  	_ =	shalt  }
0x49: {  	_ =	shalt  }
0x4a: {  	_ =	shalt  }
0x4b: {  	_ =	shalt  }
0x4c: {  	_ =	shalt  }
0x4d: {  	_ =	shalt  }
0x4e: {  	_ =	shalt  }
0x4f: {  	_ =	shalt  }
0x50: {  	_ =	shalt  }
0x51: {  	_ =	shalt  }
0x52: {  	_ =	shalt  }
0x53: {  	_ =	shalt  }
0x54: {  	_ =	shalt  }
0x55: {  	_ =	shalt  }
0x56: {  	_ =	shalt  }
0x57: {  	_ =	shalt  }
0x58: {  	_ =	shalt  }
0x59: {  	_ =	shalt  }
0x5a: {  	_ =	shalt  }
0x5b: {  	_ =	shalt  }
0x5c: {  	_ =	shalt  }
0x5d: {  	_ =	shalt  }
0x5e: {  	_ =	shalt  }
0x5f: {  	_ =	shalt  }
0x60: {  	_ =	shalt  }
0x61: {  	_ =	shalt  }
0x62: {  	_ =	shalt  }
0x63: {  	_ =	shalt  }
0x64: {  	_ =	shalt  }
0x65: {  	_ =	shalt  }
0x66: {  	_ =	shalt  }
0x67: {  	_ =	shalt  }
0x68: {  	_ =	shalt  }
0x69: {  	_ =	shalt  }
0x6a: {  	_ =	shalt  }
0x6b: {  	_ =	shalt  }
0x6c: {  	_ =	shalt  }
0x6d: {  	_ =	shalt  }
0x6e: {  	_ =	shalt  }
0x6f: {  	_ =	shalt  }
0x70: {  	_ =	shalt  }
0x71: {  	_ =	shalt  }
0x72: {  	_ =	shalt  }
0x73: {  	_ =	shalt  }
0x74: {  	_ =	shalt  }
0x75: {  	_ =	shalt  }
0x76: {  	_ =	shalt  }
0x77: {  	_ =	shalt  }
0x78: {  	_ =	shalt  }
0x79: {  	_ =	shalt  }
0x7a: {  	_ =	shalt  }
0x7b: {  	_ =	shalt  }
0x7c: {  	_ =	shalt  }
0x7d: {  	_ =	shalt  }
0x7e: {  	_ =	shalt  }
0x7f: {  	_ =	shalt  }
0x80: {  	_ =	shalt  }
0x81: {  	_ =	shalt  }
0x82: {  	_ =	shalt  }
0x83: {  	_ =	shalt  }
0x84: {  	_ =	shalt  }
0x85: {  	_ =	shalt  }
0x86: {  	_ =	shalt  }
0x87: {  	_ =	shalt  }
.Lfunc_end0:
.L_simem_size_0:
called_computation.1_lowered:
.L_overlay_start_0:
0x88: {  	s0 =	sld [smem:$0x3FD9]  }
0x89: {  	s1 =	sld [smem:$0x3FFE];
	_ =	sdelay $0x3  }
0x8a: {  	s0 =	sadd.s32 s1, s0  }
0x8b: {  	[smem:$0x3FB2] =	sst s0  }
0x8c: {  	_ = 	snop  }
0x8d: {  	s0 =	sld [smem:$0x3FD0];
	_ =	sdelay $0x2  }
0x8e: {  	s13 =	simm.s32 $0xD;
	s2 =	simm.s32 $0x10  }
0x8f: {  	[smem:s2], [sflag:s13] =	dma.local [hbm:s0], $0x1  }
0x90: {  	_ =	swait.eq [sflag:s13], $0x1  }
0x91: {  	[sflag:s13] =	ssyncset.done $0x0  }
0x92: {  	[sflag:s13] =	ssyncadd.s32 $0xFFFFFFFF  }
0x93: {  	s14 =	sld [smem:$0x11];
	(tm) =	ssettm $0x1  }
0x94: {  	s15 =	sld [smem:$0x3FFB];
	_ =	sdelay $0x3  }
0x95: {  	_ =	strace s15  }
0x96: {  	s1 =	sld [smem:$0x3FFC];
	_ =	sdelay $0x3  }
0x97: {  	_ =	strace s1  }
0x98: {  	s1 =	sld [smem:$0x3FFD];
	_ =	sdelay $0x3  }
0x99: {  	_ =	strace s1  }
0x9a: {  	_ =	strace $0x8FFFFFFF  }
0x9b: {  	s16 =	sld [smem:$0x3FDB];
	_ =	sdelay $0x1  }
0x9c: {  	s17 =	simm.s32 $_scs_section_size  }
0x9d: {  	s3 =	simm.s32 $_size__tile_overlayer_lowered;
	s4 =	simm.s32 $_tile_overlayer_lowered  }
0x9e: {  	s20 =	simm.s32 $0x1BFF;
	s19 =	sshll.u32 s4, $0x1;
	s1 =	sadd.s32 s17, s16  }
0x9f: {  	s5 =	simm.s32 $0x0;
	s18 =	sshll.u32 s3, $0x1;
	s3 =	sadd.s32 s19, s1  }
0xa0: {  	[timem:s5], [sflag:s20] =	dma.local [hbm:s3], s18  }
0xa1: {  	_ =	swait.ge [sflag:s20], s18  }
0xa2: {  	s2 =	ssub.s32 $0x0, s18;
	[sflag:s20] =	ssyncset.done $0x0  }
0xa3: {  	[sflag:s20] =	ssyncadd.s32 s2;
	_ =	sdelay $0x1  }
0xa4: {  	s21 =	simm.s32 $0x1B8B  }
0xa5: {  	_ =	swait.ge [sflag:s21], $0x1  }
0xa6: {  	[sflag:s21] =	ssyncset.done $0x0  }
0xa7: {  	s23 =	simm.s32 $0x1B8E;
	s22 =	sld [smem:$0x3FFE];
	[sflag:s21] =	ssyncadd.s32 $0xFFFFFFFF  }
0xa8: {  	s24 =	simm.s32 $execute0_lowered;
	[smem:$0x3FD2] =	sst s23  }
0xa9: {  	s3 =	sshll.u32 s24, $0x1;
	_ =	strace $0x80000049;
	[dreg:$0x1] =	wrdreg $0xFFFFFFFF  }
0xaa: {  	s25 =	simm.s32 $_size_execute0_lowered;
	s1 =	sadd.s32 s1, s3;
	[dreg:$0x0] =	wrdreg $0x0  }
0xab: {  	s3 =	sshll.u32 s25, $0x1;
	[dreg:$0x2] =	wrdreg s1  }
0xac: {  	[dreg:$0x3] =	wrdreg s3  }
0xad: {  	[dreg:$0x4] =	wrdreg $0xC0  }
0xae: {  	_ =	task [dreg:s5], $0x5FFFF  }
0xaf: {  	[dreg:$0x1] =	wrdreg $0xFFFFFFFF  }
0xb0: {  	[dreg:$0x0] =	wrdreg $0x60  }
0xb1: {  	[dreg:$0x2] =	wrdreg s22  }
0xb2: {  	[dreg:$0x3] =	wrdreg s14  }
0xb3: {  	[dreg:$0x4] =	wrdreg $0x9  }
0xb4: {  	_ =	task.clear_ibuf [dreg:s5], $0x5FFFF;
	_ =	strace $0x90000049  }
0xb5: {  	s26 =	simm.s32 $0x9;
	_ =	strace $0x8000004B  }
0xb6: {  	_ =	swait.ge [sflag:s26], $0x1  }
0xb7: {  	[sflag:s26] =	ssyncadd.s32 $0xFFFFFFFF  }
0xb8: {  	_ =	strace $0x9000004B  }
0xb9: {  	_ =	sfence  }
0xba: {  	s28 =	sld [smem:$0x0];
	_ =	sdelay $0x1  }
0xbb: {  	s29 =	srdreg.scid  }
0xbc: {  	s30 =	sshll.u32 s29, $0xD;
	s31 =	sshrl.u32 s29, $0x2  }
0xbd: {  	s2 =	sand.u32 $0x4000, s30;
	s1 =	sand.u32 $0x1, s29;
	s0 =	sadd.s32 s31, s28  }
0xbe: {  	s1 =	sor.u32 s2, s1;
	s0 =	sshll.u32 s0, $0x11  }
0xbf: {  	s0 =	sor.u32 s0, s1  }
0xc0: {  	s0 =	sadd.s32 $0x8F2B, s0  }
0xc1: {  	[sflag:s0] =	ssyncadd.remote.s32 $0x1  }
0xc2: {  	_ =	sfence.sel $0xFFFF  }
0xc3: {  	[dreg:$0x0] =	wrdreg $0xFFFFFFFF;
	(pc) =	sbr.abs _section_cstart, $3  }
0xc4: {  	[dreg:$0x1] =	wrdreg $0xFFFFFFFF  }
0xc5: {  	_ =	task.clear_ibuf [dreg:s5], $0x2FFFF;
	_ =	strace $0x9FFFFFFF  }
0xc6: {  	(tm) =	ssettm $0x7FFFFFFF  }
0xc7: {  	_ =	shalt  }
tec
execute0_lowered:
.L_overlay_start_1:
0x0: {  	(tag) =	ssettag $0x1  }
0x1: {  	s8 =	rddreg [dreg:$0x0]  }
0x2: {  	s2 =	rddreg [dreg:$0x1]  }
0x3: {  	s0 =	rddreg [dreg:$0x2]  }
0x4: {  	_ =	strace $0x8000004A;
	s4 =	simm.s32 $0x1;
	s1 =	stileid.u32  }
0x5: {  	s7 =	simm.s32 $0x1;
	s9 =	simm.s32 $0x1;
	s6 =	simm.s32 $0x2  }
0x6: {  	s10 =	simm.s32 $0x3;
	s13 =	simm.s32 $0x0;
	s12 =	simm.s32 $0x0  }
.Ltmp0:
0x7: {  	s3 =	sadd.s32 $0xB800, s8;
	p0 =	slt.u32 s1, $0xA;
	(pc) =	sbr.rel .LBB2_1-.Ltmp0, $4  }
0x8: {  	[sflag:s4] =	ssyncpa.u1 $0x0;
	s7 =	simm.s32 @!p0 $0x0;
	p0 =	sne.s32 s1, $0x9  }
0x9: {  	s5 =	smul.u32 $0x190, s1;
	[sflag:s6] =	ssyncpa.u1 $0x0;
	s9 =	simm.s32 @!p0 $0x0  }
0xa: {  	s8 =	sadd.s32 $0x7200, s8;
	[sflag:s10] =	ssyncpa.u1 $0x0;
	s7 =	sadd.s32 s9, s7  }
0xb: {  	vm0 =	vmmov $0xffff;
	s10 =	simm.s32 $0x0;
	s11 =	smov.u32 s5;
	s9 =	sadd.s32 $0x1, s7  }
.LBB2_4:
0xc: {  	v2 =	vnsel vm1, $0x0, v2  }
0xd: {  	vm1 =	vgt.s32 v0, $0x0;
	v2 =	vmin.u32 v2, $0x270FF  }
0xe: {  	v0 =	vnsel vm1, $0x0, v0  }
0xf: {  	v0 =	vmin.u32 v0, $0x270FF  }
0x10: {  	[tilespmem:s18], [sflag:$0x1] =	stream.indirect_vreg.gather [hbm4b:s3+s10], $0x1, v1, vm0, $0x4038;
	[tilespmem:$0x640] =	vst v63  }
0x11: {  	(ifvalue) =	ssetifvalue $0x7FFFFFFF  }
0x12: {  	[tilespmem:s15], [sflag:$0x1] =	stream.indirect_vreg.gather [hbm4b:s3+s10], $0x1, v2, vm0, $0x4038;
	[tilespmem:$0x640] =	vst v63  }
0x13: {  	s29 =	sadd.s32 $0x10, s15;
	(ifvalue) =	ssetifvalue $0x7FFFFFFF  }
0x14: {  	[tilespmem:s29], [sflag:$0x1] =	stream.indirect_vreg.gather [hbm4b:s3+s10], $0x1, v0, vm0, $0x4038;
	[tilespmem:$0x640] =	vst v63  }
0x15: {  	_ =	swait.ge [sflag:s4], $0x190  }
0x16: {  	s30 =	sshrl.u32 s13, $0x3;
	[sflag:s4] =	ssyncset.done $0x0  }
0x17: {  	s31 =	sand.u32 $0x7, s13;
	s15 =	sadd.s32 s8, s30;
	[sflag:s4] =	ssyncadd.s32 $0xFFFFFE70  }
0x18: {  	[hbm4b:s15+s31] =	stream.linear.scatter [tilespmem:s14], [sflag:$0x3], $0x190, $0x38;
	[tilespmem:$0x640] =	vst v63  }
.LBB2_5:
0x19: {  	s15 =	sadd.s32 $0x1900, s11  }
0x1a: {  	p1 =	sgt.s32 s15, $0x270F  }
0x1b: {  	s15 =	smov.u32 @p1 s5;
	p1 =	sne.s32 s12, s9  }
.Ltmp1:
0x1c: {  	p0 =	slt.u32 s12, $0x2;
	(pc) =	sbr.rel @!p1 .LBB2_6-.Ltmp1, $4  }
0x1d: {  	s14 =	simm.s32 @!p0 $0x3  }
0x1e: {  	_ =	swait.ge @!p0 [sflag:s14], $0x190  }
0x1f: {  	s16 =	sadd.s32 $0x1, s12;
	s13 =	smov.u32 s11;
	[sflag:s14] =	ssyncset.done @!p0 $0x0  }
0x20: {  	s12 =	smov.u32 s16;
	s11 =	smov.u32 s15;
	[sflag:s14] =	ssyncadd.s32 @!p0 $0xFFFFFE70  }
.LBB2_1:
0x21: {  	p0 =	sge.u32 s12, s7  }
0x22: {  	s14 =	sxor.u32 @!p0 $0x1, s12  }
0x23: {  	s14 =	smul.u32 @!p0 $0x640, s14  }
0x24: {  	s31 =	sadd.s32 $0xFFFFFFFF, s12;
	s15 =	sshrl.u32 @!p0 s11, $0x3  }
0x25: {  	s16 =	sand.u32 @!p0 $0x7, s11;
	s15 =	sadd.s32 @!p0 s2, s15;
	s14 =	sshra.s32 @!p0 s14, $0x2  }
0x26: {  	[tilespmem:s14], [sflag:$0x2] =	stream.linear.gather @!p0 [hbm4b:s15+s16], $0x190, $0x38;
	[tilespmem:$0x640] =	vst v63  }
0x27: {  	p0 =	sge.u32 s31, s7  }
.Ltmp2:
0x28: {  	_ = 	snop;
	(pc) =	sbr.rel @p0 .LBB2_5-.Ltmp2, $1  }
0x29: {  	_ =	sdelay $0x3  }
0x2a: {  	s14 =	sand.u32 $0x1, s12  }
0x2b: {  	_ =	swait.ge [sflag:s6], $0x190;
	p0 =	seq.s32 s14, $0x1;
	s14 =	simm.s32 $0x190  }
0x2c: {  	[sflag:s6] =	ssyncset.done $0x0;
	s14 =	simm.s32 @!p0 $0x0  }
0x2d: {  	[sflag:s6] =	ssyncadd.s32 $0xFFFFFE70;
	(ifvalue) =	ssetifvalue $0x7FFFFFFF;
	v0 =	vld.msk [tilespmem:s14+$0x0 ss:$0x1], $0xffff;
	_ =	sdelay $0x4  }
0x2e: {  	s15 =	sadd.s32 $0x10, s14;
	vm1 =	vgt.s32 v0, $0x0  }
0x2f: {  	v2 =	vld.msk [tilespmem:s15+$0x0 ss:$0x1], $0xffff;
	v1 =	vnsel vm1, $0x0, v0  }
0x30: {  	v1 =	vmin.u32 v1, $0x270FF;
	_ =	sdelay $0x2  }
0x31: {  	s17 =	simm.s32 $0x20;
	s14 =	sadd.s32 $0x320, s14;
	s16 =	sadd.s32 $0x10, s15  }
0x32: {  	s15 =	sadd.s32 $0x10, s14;
	s18 =	smov.u32 s14;
	v0 =	vld.msk [tilespmem:s16+$0x0 ss:$0x1], $0xffff;
	vm1 =	vgt.s32 v2, $0x0;
	(ifvalue) =	ssetifvalue $0x7FFFFFFF  }
.LBB2_3:
0x33: {  	[tilespmem:s18], [sflag:$0x1] =	stream.indirect_vreg.gather [hbm4b:s3+s10], $0x1, v1, vm0, $0x4038;
	[tilespmem:$0x640] =	vst v63  }
0x34: {  	s17 =	sadd.s32 $0x10, s17  }
0x35: {  	v2 =	vnsel vm1, $0x0, v2;
	p0 =	slt.u32 s17, $0x180  }
.Ltmp3:
0x36: {  	s18 =	smov.u32 s15;
	v1 =	vmin.u32 v2, $0x270FF;
	(pc) =	sbr.rel @p0 .LBB2_3-.Ltmp3, $3  }
0x37: {  	_ =	sdelay $0x1  }
0x38: {  	s16 =	sadd.s32 $0x10, s16  }
0x39: {  	vm1 =	vgt.s32 v0, $0x0;
	s15 =	sadd.s32 $0x10, s15;
	v2 =	vmov v0;
	(ifvalue) =	ssetifvalue $0x7FFFFFFF;
	v0 =	vld.msk [tilespmem:s16+$0x0 ss:$0x1], $0xffff  }
.Ltmp4:
0x3a: {  	_ = 	snop;
	(pc) =	sbr.rel .LBB2_4-.Ltmp4, $1  }
0x3b: {  	_ =	sdelay $0x3  }
.LBB2_6:
0x3c: {  	_ =	sfence.sel $0x180000  }
0x3d: {  	s2 =	simm.s32 $0x2;
	[bflag:$0x0] =	sbarrier.arrive $0xFFFF  }
0x3e: {  	s30 =	simm.s32 $0x3;
	[sflag:s2] =	ssyncpa.u1 $0x1  }
0x3f: {  	s31 =	simm.s32 $0x1;
	[sflag:s30] =	ssyncpa.u1 $0x1  }
0x40: {  	[sflag:s31] =	ssyncpa.u1 $0x1  }
0x41: {  	p0 =	sne.s32 s1, $0x0;
	_ =	strace $0x9000004A  }
0x42: {  	s0 =	sadd.s32 @!p0 $0x100000, s0;
	[bflag:$0x2] =	sbarrier.arrive $0xFFFF  }
0x43: {  	[sflag:s0] =	ssyncadd.tile.s32 @!p0 $0x1;
	_ =	shalt  }
.Lfunc_end2:
_tile_overlayer_lowered:
.L_overlay_start_2:
0x44: {  	(tag) =	ssettag $0x2  }
0x45: {  	s0 =	rddreg [dreg:$0x0];
	s2 =	stileid.u32  }
0x46: {  	s1 =	rddreg [dreg:$0x1];
	p0 =	sne.s32 s2, $0x0  }
0x47: {  	s3 =	rddreg [dreg:$0x2];
	[bflag:$0x3] =	sbarrier.arrive $0xFFFF;
	s2 =	simm.s32 @!p0 $0x1C01  }
0x48: {  	[timem:s3], [sflag:s2] =	dma.local @!p0 [hbm:s0], s1  }
0x49: {  	s0 =	simm.s32 @!p0 $0x1  }
0x4a: {  	_ =	swait.ge @!p0 [sflag:s0], s1  }
0x4b: {  	s1 =	ssub.s32 @!p0 $0x0, s1;
	[sflag:s0] =	ssyncset.done @!p0 $0x0  }
0x4c: {  	[sflag:s0] =	ssyncadd.s32 @!p0 s1  }
0x4d: {  	[bflag:$0x3] =	sbarrier.arrive $0xFFFF  }
0x4e: {  	_ =	shalt  }

// kernel: kernel.12.cloned.1.call-start
scs
__scs_entry_jumppad:
0x0: {  	(pc) =	sbr.rel $0x88, $3  }
0x1: {  	(tag) =	ssettag $0x0;
	lr =	simm.s32 $0x1  }
0x2: {  	[smem:$0x3F8B] =	sst lr;
	_ =	strace $0xD0000000  }
0x3: {  	_ = 	snop  }
0x4: {  	_ = 	snop  }
0x5: {  	_ = 	snop  }
0x6: {  	_ = 	snop  }
0x7: {  	_ = 	snop  }
__scs_overlays_trampoline_lowered:
0x8: {  	[smem:$0x3F9A] =	sst s0  }
0x9: {  	[smem:$0x3F9B] =	sst s1  }
0xa: {  	[smem:$0x3F9C] =	sst s2  }
0xb: {  	[smem:$0x3F9D] =	sst s3  }
0xc: {  	[smem:$0x3F9E] =	sst s4  }
0xd: {  	[smem:$0x3F9F] =	sst s5  }
0xe: {  	[smem:$0x3FA0] =	sst s6  }
0xf: {  	[smem:$0x3FA1] =	sst s7  }
0x10: {  	[smem:$0x3FA2] =	sst s8  }
0x11: {  	[smem:$0x3FA3] =	sst s9;
	s0 =	simm.s32 @!p0 $0x0  }
0x12: {  	s1 =	sld [smem:$0x3F89];
	s0 =	simm.s32 @p0 $0x1  }
0x13: {  	[smem:$0x3FA4] =	sst s0;
	s0 =	simm.s32 @!p1 $0x0  }
0x14: {  	s2 =	sld [smem:$0x3F88];
	s0 =	simm.s32 @p1 $0x1  }
0x15: {  	[smem:$0x3FA5] =	sst s0;
	s0 =	simm.s32 @!p2 $0x0  }
0x16: {  	s3 =	sld [smem:$0x3FDB];
	s0 =	simm.s32 @p2 $0x1  }
0x17: {  	s4 =	simm.s32 $0x1BF5;
	[smem:$0x3FA7] =	sst s0  }
0x18: {  	s0 =	sld [smem:$0x3F8A];
	_ =	swait.ge [sflag:s4], $0x0  }
0x19: {  	s7 =	sld [smem:$0x3F8B]  }
0x1a: {  	s8 =	sadd.s32 $0xFFFFE003, lr  }
0x1b: {  	s9 =	sadd.s32 $0xFFFFFEF7, lr;
	s5 =	simm.s32 $0xFFFFFFFF;
	p2 =	slt.u32 s8, $0xFFFFF086  }
0x1c: {  	p1 =	slt.u32 s9, $0xF7A;
	s5 =	simm.s32 @!p2 $0x0  }
0x1d: {  	s5 =	simm.s32 @p1 $0x1;
	p0 =	seq.s32 s7, s2  }
0x1e: {  	s7 =	smul.u32 @!p0 $0xF7A, s2;
	p2 =	seq.s32 @!p0 s5, $0x0  }
0x1f: {  	s9 =	smul.u32 $0xF7A, s1;
	s8 =	simm.s32 @!p0 $0x1BF5;
	p2 =	por !p2, p0  }
0x20: {  	[sflag:s8] =	ssyncset.s32 @!p0 $0xFFFFF086;
	s6 =	sadd.s32 @!p0 s3, s7;
	s7 =	simm.s32 @!p0 $0x108  }
0x21: {  	s3 =	sadd.s32 s3, s9;
	s6 =	sadd.s32 @!p0 $0x88, s6;
	s7 =	simm.s32 @p2 $0x1082  }
0x22: {  	[simem:s7], [sflag:s8] =	dma.local @!p0 [hbm:s6], $0xF7A  }
0x23: {  	s9 =	sor.u32 $0xD0000000, s2;
	s6 =	simm.s32 $0x108;
	_ =	swait.ge @!p0 [sflag:s8], $0x0  }
0x24: {  	s3 =	sadd.s32 $0x88, s3;
	s6 =	simm.s32 @!p1 $0x1082;
	[sflag:s4] =	ssyncset.s32 $0xFFFFF086  }
0x25: {  	[simem:s6], [sflag:s4] =	dma.local [hbm:s3], $0xF7A  }
0x26: {  	[smem:$0x3F8B] =	sst s1;
	(tag) =	ssettag s2;
	_ =	strace s9  }
0x27: {  	s1 =	sld [smem:$0x3F9B]  }
0x28: {  	s2 =	sld [smem:$0x3F9C]  }
0x29: {  	s4 =	sld [smem:$0x3F9E]  }
0x2a: {  	p0 =	seq.s32 s5, $0x0;
	s5 =	sld [smem:$0x3F9F]  }
0x2b: {  	s6 =	sld [smem:$0x3FA0]  }
0x2c: {  	s7 =	sld [smem:$0x3FA1]  }
0x2d: {  	s3 =	simm.s32 $0x108;
	s8 =	sld [smem:$0x3FA2]  }
0x2e: {  	s3 =	simm.s32 @!p0 $0x1082;
	s9 =	sld [smem:$0x3FA3]  }
0x2f: {  	lr =	sadd.s32 s0, s3;
	s0 =	sld [smem:$0x3F9A]  }
0x30: {  	s3 =	sld [smem:$0x3F9D]  }
0x31: {  	[smem:$0x3FA6] =	sst s10  }
0x32: {  	s10 =	sld [smem:$0x3FA4];
	_ =	sdelay $0x3  }
0x33: {  	p0 =	seq.s32 s10, $0x1;
	s10 =	sld [smem:$0x3FA6];
	_ =	sdelay $0x3  }
0x34: {  	[smem:$0x3FA6] =	sst s10  }
0x35: {  	s10 =	sld [smem:$0x3FA5];
	_ =	sdelay $0x3  }
0x36: {  	p1 =	seq.s32 s10, $0x1;
	s10 =	sld [smem:$0x3FA6];
	_ =	sdelay $0x3  }
0x37: {  	[smem:$0x3FA6] =	sst s10  }
0x38: {  	s10 =	sld [smem:$0x3FA7]  }
0x39: {  	_ = 	snop;
	(pc) =	sbr.ind lr, $3  }
0x3a: {  	_ = 	snop  }
0x3b: {  	_ = 	snop  }
0x3c: {  	p2 =	seq.s32 s10, $0x1;
	s10 =	sld [smem:$0x3FA6]  }
0x3d: {  	_ =	shalt  }
0x3e: {  	_ =	shalt  }
0x3f: {  	_ =	shalt  }
0x40: {  	_ =	shalt  }
0x41: {  	_ =	shalt  }
0x42: {  	_ =	shalt  }
0x43: {  	_ =	shalt  }
0x44: {  	_ =	shalt  }
0x45: {  	_ =	shalt  }
0x46: {  	_ =	shalt  }
0x47: {  	_ =	shalt  }
0x48: {  	_ =	shalt  }
0x49: {  	_ =	shalt  }
0x4a: {  	_ =	shalt  }
0x4b: {  	_ =	shalt  }
0x4c: {  	_ =	shalt  }
0x4d: {  	_ =	shalt  }
0x4e: {  	_ =	shalt  }
0x4f: {  	_ =	shalt  }
0x50: {  	_ =	shalt  }
0x51: {  	_ =	shalt  }
0x52: {  	_ =	shalt  }
0x53: {  	_ =	shalt  }
0x54: {  	_ =	shalt  }
0x55: {  	_ =	shalt  }
0x56: {  	_ =	shalt  }
0x57: {  	_ =	shalt  }
0x58: {  	_ =	shalt  }
0x59: {  	_ =	shalt  }
0x5a: {  	_ =	shalt  }
0x5b: {  	_ =	shalt  }
0x5c: {  	_ =	shalt  }
0x5d: {  	_ =	shalt  }
0x5e: {  	_ =	shalt  }
0x5f: {  	_ =	shalt  }
0x60: {  	_ =	shalt  }
0x61: {  	_ =	shalt  }
0x62: {  	_ =	shalt  }
0x63: {  	_ =	shalt  }
0x64: {  	_ =	shalt  }
0x65: {  	_ =	shalt  }
0x66: {  	_ =	shalt  }
0x67: {  	_ =	shalt  }
0x68: {  	_ =	shalt  }
0x69: {  	_ =	shalt  }
0x6a: {  	_ =	shalt  }
0x6b: {  	_ =	shalt  }
0x6c: {  	_ =	shalt  }
0x6d: {  	_ =	shalt  }
0x6e: {  	_ =	shalt  }
0x6f: {  	_ =	shalt  }
0x70: {  	_ =	shalt  }
0x71: {  	_ =	shalt  }
0x72: {  	_ =	shalt  }
0x73: {  	_ =	shalt  }
0x74: {  	_ =	shalt  }
0x75: {  	_ =	shalt  }
0x76: {  	_ =	shalt  }
0x77: {  	_ =	shalt  }
0x78: {  	_ =	shalt  }
0x79: {  	_ =	shalt  }
0x7a: {  	_ =	shalt  }
0x7b: {  	_ =	shalt  }
0x7c: {  	_ =	shalt  }
0x7d: {  	_ =	shalt  }
0x7e: {  	_ =	shalt  }
0x7f: {  	_ =	shalt  }
0x80: {  	_ =	shalt  }
0x81: {  	_ =	shalt  }
0x82: {  	_ =	shalt  }
0x83: {  	_ =	shalt  }
0x84: {  	_ =	shalt  }
0x85: {  	_ =	shalt  }
0x86: {  	_ =	shalt  }
0x87: {  	_ =	shalt  }
.Lfunc_end0:
.L_simem_size_0:
called_computation.3_lowered:
.L_overlay_start_0:
0x88: {  	s2 =	sld [smem:$0x3FD9]  }
0x89: {  	s3 =	sld [smem:$0x3FFE];
	_ =	sdelay $0x1  }
0x8a: {  	s1 =	srdreg.scid  }
0x8b: {  	s0 =	sand.u32 $0x1, s1  }
0x8c: {  	s17 =	sshll.u32 s0, $0xA;
	s2 =	sadd.s32 s3, s2  }
0x8d: {  	s2 =	sadd.s32 s2, s17  }
0x8e: {  	[smem:$0x3FB2] =	sst s2  }
0x8f: {  	_ = 	snop  }
0x90: {  	(tm) =	ssettm $0x1  }
0x91: {  	s18 =	sld [smem:$0x3FFB];
	_ =	sdelay $0x3  }
0x92: {  	_ =	strace s18  }
0x93: {  	s2 =	sld [smem:$0x3FFC];
	_ =	sdelay $0x3  }
0x94: {  	_ =	strace s2  }
0x95: {  	s2 =	sld [smem:$0x3FFD];
	_ =	sdelay $0x3  }
0x96: {  	_ =	strace s2  }
0x97: {  	_ =	strace $0x8FFFFFFF  }
0x98: {  	s19 =	sld [smem:$0x3FDB];
	_ =	sdelay $0x1  }
0x99: {  	s20 =	simm.s32 $_scs_section_size  }
0x9a: {  	s4 =	simm.s32 $_size__tile_overlayer_lowered;
	s5 =	simm.s32 $_tile_overlayer_lowered  }
0x9b: {  	s6 =	simm.s32 $0x1BFF;
	s21 =	sshll.u32 s5, $0x1;
	s3 =	sadd.s32 s20, s19  }
0x9c: {  	s22 =	simm.s32 $0x0;
	s4 =	sshll.u32 s4, $0x1;
	s5 =	sadd.s32 s21, s3  }
0x9d: {  	[timem:s22], [sflag:s6] =	dma.local [hbm:s5], s4  }
0x9e: {  	_ =	swait.ge [sflag:s6], s4  }
0x9f: {  	s4 =	ssub.s32 $0x0, s4;
	[sflag:s6] =	ssyncset.done $0x0  }
0xa0: {  	[sflag:s6] =	ssyncadd.s32 s4;
	_ =	sdelay $0x1  }
0xa1: {  	s23 =	simm.s32 $0x1B8B  }
0xa2: {  	_ =	swait.ge [sflag:s23], $0x1  }
0xa3: {  	[sflag:s23] =	ssyncset.done $0x0  }
0xa4: {  	[sflag:s23] =	ssyncadd.s32 $0xFFFFFFFF  }
0xa5: {  	s4 =	sld [smem:$0x0]  }
0xa6: {  	s5 =	sand.u32 $0xFFFFFFFE, s1  }
0xa7: {  	p0 =	sne.s32 s1, s5  }
0xa8: {  	s5 =	sshll.u32 @p0 s5, $0xE  }
0xa9: {  	s5 =	sadd.s32 @p0 $0x11B8D, s5;
	s6 =	sshll.u32 @p0 s4, $0x11  }
0xaa: {  	s5 =	sor.u32 @p0 s6, s5  }
0xab: {  	[sflag:s5] =	ssyncadd.remote.s32 @p0 $0x1;
	_ =	sdelay $0x1  }
0xac: {  	s5 =	simm.s32 @p0 $0x1B8D  }
0xad: {  	_ =	swait.eq @p0 [sflag:s5], $0x1  }
0xae: {  	[sflag:s5] =	ssyncadd.s32 @p0 $0xFFFFFFFF  }
0xaf: {  	s6 =	sshll.u32 @!p0 s1, $0xE  }
0xb0: {  	s6 =	sor.u32 @!p0 $0x4000, s6;
	s5 =	simm.s32 @!p0 $0x1B8D  }
0xb1: {  	s4 =	sshll.u32 @!p0 s4, $0x11;
	s6 =	sadd.s32 @!p0 $0x11B8D, s6;
	_ =	swait.eq @!p0 [sflag:s5], $0x1  }
0xb2: {  	s4 =	sor.u32 @!p0 s4, s6;
	[sflag:s5] =	ssyncadd.s32 @!p0 $0xFFFFFFFF  }
0xb3: {  	s25 =	simm.s32 $0x1B8E;
	s24 =	sld [smem:$0x3FFE];
	[sflag:s4] =	ssyncadd.remote.s32 @!p0 $0x1  }
0xb4: {  	s26 =	simm.s32 $execute0_lowered;
	[smem:$0x3FD2] =	sst s25  }
0xb5: {  	s5 =	sshll.u32 s26, $0x1;
	_ =	strace $0x80000052;
	[dreg:$0x1] =	wrdreg $0xFFFFFFFF  }
0xb6: {  	s28 =	simm.s32 $_size_execute0_lowered;
	s3 =	sadd.s32 s3, s5;
	[dreg:$0x0] =	wrdreg $0x0  }
0xb7: {  	s5 =	sshll.u32 s28, $0x1;
	[dreg:$0x2] =	wrdreg s3  }
0xb8: {  	[dreg:$0x3] =	wrdreg s5  }
0xb9: {  	[dreg:$0x4] =	wrdreg $0xC0  }
0xba: {  	_ =	task [dreg:s22], $0x5FFFF  }
0xbb: {  	[dreg:$0x1] =	wrdreg $0xFFFFFFFF  }
0xbc: {  	[dreg:$0x0] =	wrdreg $0x60  }
0xbd: {  	[dreg:$0x2] =	wrdreg s24  }
0xbe: {  	[dreg:$0x3] =	wrdreg $0x51000  }
0xbf: {  	[dreg:$0x4] =	wrdreg $0xA  }
0xc0: {  	_ =	task.clear_ibuf [dreg:s22], $0x5FFFF;
	_ =	strace $0x90000052  }
0xc1: {  	s29 =	simm.s32 $0xA;
	_ =	strace $0x80000054  }
0xc2: {  	_ =	swait.ge [sflag:s29], $0x1  }
0xc3: {  	[sflag:s29] =	ssyncadd.s32 $0xFFFFFFFF  }
0xc4: {  	_ =	strace $0x90000054  }
0xc5: {  	_ =	sfence  }
0xc6: {  	s30 =	sld [smem:$0x0];
	_ =	sdelay $0x2  }
0xc7: {  	s31 =	sshll.u32 s1, $0xD;
	s1 =	sshrl.u32 s1, $0x2  }
0xc8: {  	s4 =	sand.u32 $0x4000, s31;
	s1 =	sadd.s32 s1, s30  }
0xc9: {  	s0 =	sor.u32 s4, s0;
	s1 =	sshll.u32 s1, $0x11  }
0xca: {  	s0 =	sor.u32 s1, s0  }
0xcb: {  	s0 =	sadd.s32 $0x8F2B, s0  }
0xcc: {  	[sflag:s0] =	ssyncadd.remote.s32 $0x1  }
0xcd: {  	_ =	sfence.sel $0xFFFF  }
0xce: {  	[dreg:$0x0] =	wrdreg $0xFFFFFFFF;
	(pc) =	sbr.abs _section_cstart, $3  }
0xcf: {  	[dreg:$0x1] =	wrdreg $0xFFFFFFFF  }
0xd0: {  	_ =	task.clear_ibuf [dreg:s22], $0x2FFFF;
	_ =	strace $0x9FFFFFFF  }
0xd1: {  	(tm) =	ssettm $0x7FFFFFFF  }
tec
execute0_lowered:
.L_overlay_start_1:
0x0: {  	(tag) =	ssettag $0x1  }
0x1: {  	s6 =	rddreg [dreg:$0x0]  }
0x2: {  	s1 =	rddreg [dreg:$0x1]  }
0x3: {  	s0 =	rddreg [dreg:$0x2];
	s2 =	simm.s32 $0x0  }
0x4: {  	s5 =	srdreg.scid;
	s3 =	stileid.u32;
	s18 =	simm.s32 $0x800  }
0x5: {  	s19 =	simm.s32 $0x100;
	s20 =	simm.s32 $0x1;
	s21 =	simm.s32 $0x2900  }
0x6: {  	s22 =	simm.s32 $0x80;
	s23 =	simm.s32 $0x50;
	s9 =	smul.u32 $0x4E000, s3  }
0x7: {  	[smem:$0x7FF] =	sst s2;
	s4 =	sadd.s32 $0x2475C00, s6;
	s11 =	smul.u32 $0x271000, s3  }
0x8: {  	s8 =	sand.u32 $0x1, s5;
	s12 =	sadd.s32 $0xB800, s6;
	s24 =	smul.u32 $0x2710, s3  }
0x9: {  	s5 =	sadd.s32 $0x7A00, s6;
	s13 =	sadd.s32 $0x24E00, s6;
	s28 =	smul.u32 $0x27000, s3  }
0xa: {  	s17 =	sadd.s32 $0x124800, s1;
	s30 =	smul.u32 $0x4E2, s3;
	p0 =	seq.s32 s3, $0xF  }
0xb: {  	_ =	strace $0x80000053;
	s7 =	ssub.s32 $0x2, s8;
	s14 =	sshll.u32 s8, $0xA  }
0xc: {  	s8 =	sshll.u32 s8, $0x7;
	s10 =	sshrl.u32 s7, $0x1;
	s25 =	sshrl.u32 s9, $0x2  }
0xd: {  	s15 =	sor.u32 s14, s11;
	s9 =	sor.u32 s14, s28;
	s29 =	sadd.s32 s8, s13  }
0xe: {  	s14 =	sshrl.u32 @p0 s17, $0x3;
	s17 =	simm.s32 $0x400;
	s10 =	ssub.s32 s7, s10  }
0xf: {  	s16 =	sadd.s32 s25, s1;
	s26 =	sshrl.u32 s15, $0x3;
	s7 =	sshrl.u32 s24, $0x3  }
0x10: {  	s9 =	sshrl.u32 s9, $0x3;
	s11 =	sadd.s32 $0xA000, s15;
	s31 =	sadd.s32 $0x5000, s15  }
0x11: {  	s15 =	sshll.u32 @!p0 s3, $0x6;
	s24 =	simm.s32 $0x3;
	s25 =	simm.s32 $0x2  }
0x12: {  	s6 =	sadd.s32 s4, s26;
	s7 =	sadd.s32 s12, s7;
	s8 =	sadd.s32 s13, s9  }
0x13: {  	s9 =	sadd.s32 $0x49200, s29;
	s10 =	smax.u32 s10, $0x1;
	s12 =	sadd.s32 s30, s12  }
0x14: {  	s13 =	sshrl.u32 s31, $0x3;
	s15 =	sor.u32 @!p0 $0x1C03, s15;
	s16 =	sshrl.u32 @!p0 s16, $0x3  }
0x15: {  	s26 =	simm.s32 $0x0;
	s12 =	sadd.s32 $0x14, s12;
	s13 =	sadd.s32 s13, s4  }
.LBB2_1:
0x16: {  	s28 =	simm.s32 @p0 $0x1FC3  }
0x17: {  	[spmem:s14], [sflag:s28] =	dma.local @p0 [hbm:s5], $0x2880  }
0x18: {  	s28 =	simm.s32 @p0 $0x3  }
0x19: {  	_ =	swait.ge @p0 [sflag:s28], $0x2880  }
0x1a: {  	[sflag:s28] =	ssyncset.done @p0 $0x0  }
0x1b: {  	[sflag:s28] =	ssyncadd.s32 @p0 $0xFFFFD780;
	s28 =	simm.s32 @!p0 $0x3  }
0x1c: {  	[spmem:s16], [sflag:s15] =	dma.local @!p0 [hbm:s5], $0x2700  }
0x1d: {  	_ =	swait.ge @!p0 [sflag:s28], $0x2700  }
0x1e: {  	[sflag:s28] =	ssyncset.done @!p0 $0x0  }
0x1f: {  	[sflag:s28] =	ssyncadd.s32 @!p0 $0xFFFFD900  }
0x20: {  	[bflag:$0x0] =	sbarrier.arrive $0xFFFF  }
0x21: {  	[tilespmem:s19], [sflag:$0x1] =	stream.strided.gather [hbm4b:s6+s17], $0x2800, s18, s17, $0x38;
	[tilespmem:$0x189C0] =	vst v63  }
0x22: {  	_ = 	snop  }
0x23: {  	[tilespmem:s2], [sflag:$0x1] =	stream.linear.gather [hbm4b:s7+s2], $0x50, $0x38;
	[tilespmem:$0x189C0] =	vst v63  }
0x24: {  	_ =	swait.ge [sflag:s20], $0x2800  }
0x25: {  	[sflag:s20] =	ssyncset.done $0x0  }
0x26: {  	[sflag:s20] =	ssyncadd.s32 $0xFFFFD800  }
0x27: {  	_ =	swait.ge [sflag:s20], $0x50  }
0x28: {  	[sflag:s20] =	ssyncset.done $0x0  }
0x29: {  	s28 =	sadd.s32 $0x0, s13;
	[sflag:s20] =	ssyncadd.s32 $0xFFFFFFB0  }
0x2a: {  	[tilespmem:s21], [sflag:$0x2] =	stream.strided.gather [hbm4b:s28+s17], $0x2800, s18, s17, $0x38;
	[tilespmem:$0x189C0] =	vst v63  }
0x2b: {  	s28 =	sadd.s32 $0xFFFFFFF6, s12  }
0x2c: {  	[tilespmem:s22], [sflag:$0x2] =	stream.linear.gather [hbm4b:s28+s2], $0x50, $0x38;
	[tilespmem:$0x189C0] =	vst v63  }
0x2d: {  	_ = 	snop  }
0x2e: {  	[spmem:s1] =	stream.indirect.scatter.add.f32 [tilespmem:s19], [sflag:$0x3], $0x80, s2, s23, $0xb8;
	[tilespmem:$0x189C0] =	vst v63  }
0x2f: {  	_ =	swait.ge [sflag:s24], $0x2800  }
0x30: {  	[sflag:s24] =	ssyncset.done $0x0  }
0x31: {  	[sflag:s24] =	ssyncadd.s32 $0xFFFFD800  }
0x32: {  	_ =	swait.ge [sflag:s25], $0x2800  }
0x33: {  	[sflag:s25] =	ssyncset.done $0x0  }
0x34: {  	[sflag:s25] =	ssyncadd.s32 $0xFFFFD800  }
0x35: {  	_ =	swait.ge [sflag:s25], $0x50  }
0x36: {  	s28 =	sshrl.u32 s11, $0x3;
	[sflag:s25] =	ssyncset.done $0x0  }
0x37: {  	s28 =	sadd.s32 s4, s28;
	[sflag:s25] =	ssyncadd.s32 $0xFFFFFFB0  }
0x38: {  	[tilespmem:s19], [sflag:$0x1] =	stream.strided.gather [hbm4b:s28+s17], $0x2800, s18, s17, $0x38;
	[tilespmem:$0x189C0] =	vst v63  }
0x39: {  	_ = 	snop  }
0x3a: {  	[tilespmem:s2], [sflag:$0x1] =	stream.linear.gather [hbm4b:s12+s2], $0x50, $0x38;
	[tilespmem:$0x189C0] =	vst v63  }
0x3b: {  	_ = 	snop  }
0x3c: {  	[spmem:s1] =	stream.indirect.scatter.add.f32 [tilespmem:s21], [sflag:$0x3], $0x80, s22, s23, $0xb8;
	[tilespmem:$0x189C0] =	vst v63  }
0x3d: {  	s29 =	smov.u32 s11;
	_ =	swait.ge [sflag:s24], $0x2800  }
0x3e: {  	s30 =	smov.u32 s12;
	s28 =	simm.s32 $0x1400;
	[sflag:s24] =	ssyncset.done $0x0  }
.LBB2_2:
0x3f: {  	[sflag:s24] =	ssyncadd.s32 $0xFFFFD800;
	s29 =	sadd.s32 $0xA000, s29;
	s30 =	sadd.s32 $0x14, s30  }
0x40: {  	p1 =	sne.s32 s28, $0x4C400;
	s31 =	smov.u32 s28;
	s28 =	sadd.s32 $0x1400, s28  }
0x41: {  	_ =	swait.ge [sflag:s20], $0x2800  }
0x42: {  	[sflag:s20] =	ssyncset.done $0x0  }
0x43: {  	[sflag:s20] =	ssyncadd.s32 $0xFFFFD800  }
0x44: {  	_ =	swait.ge [sflag:s20], $0x50  }
0x45: {  	[sflag:s20] =	ssyncset.done $0x0  }
0x46: {  	s31 =	sadd.s32 s31, s13;
	[sflag:s20] =	ssyncadd.s32 $0xFFFFFFB0  }
0x47: {  	[tilespmem:s21], [sflag:$0x2] =	stream.strided.gather [hbm4b:s31+s17], $0x2800, s18, s17, $0x38;
	[tilespmem:$0x189C0] =	vst v63  }
0x48: {  	s31 =	sadd.s32 $0xFFFFFFF6, s30  }
0x49: {  	[tilespmem:s22], [sflag:$0x2] =	stream.linear.gather [hbm4b:s31+s2], $0x50, $0x38;
	[tilespmem:$0x189C0] =	vst v63  }
0x4a: {  	_ = 	snop  }
0x4b: {  	[spmem:s1] =	stream.indirect.scatter.add.f32 [tilespmem:s19], [sflag:$0x3], $0x80, s2, s23, $0xb8;
	[tilespmem:$0x189C0] =	vst v63  }
0x4c: {  	_ =	swait.ge [sflag:s24], $0x2800  }
0x4d: {  	[sflag:s24] =	ssyncset.done $0x0  }
0x4e: {  	[sflag:s24] =	ssyncadd.s32 $0xFFFFD800  }
0x4f: {  	_ =	swait.ge [sflag:s25], $0x2800  }
0x50: {  	[sflag:s25] =	ssyncset.done $0x0  }
0x51: {  	[sflag:s25] =	ssyncadd.s32 $0xFFFFD800  }
0x52: {  	_ =	swait.ge [sflag:s25], $0x50  }
0x53: {  	s31 =	sshrl.u32 s29, $0x3;
	[sflag:s25] =	ssyncset.done $0x0  }
0x54: {  	s31 =	sadd.s32 s4, s31;
	[sflag:s25] =	ssyncadd.s32 $0xFFFFFFB0  }
0x55: {  	[tilespmem:s19], [sflag:$0x1] =	stream.strided.gather [hbm4b:s31+s17], $0x2800, s18, s17, $0x38;
	[tilespmem:$0x189C0] =	vst v63  }
0x56: {  	_ = 	snop  }
0x57: {  	[tilespmem:s2], [sflag:$0x1] =	stream.linear.gather [hbm4b:s30+s2], $0x50, $0x38;
	[tilespmem:$0x189C0] =	vst v63  }
.Ltmp0:
0x58: {  	_ = 	snop;
	(pc) =	sbr.rel @p1 .LBB2_2-.Ltmp0, $4  }
0x59: {  	_ = 	snop  }
0x5a: {  	[spmem:s1] =	stream.indirect.scatter.add.f32 [tilespmem:s21], [sflag:$0x3], $0x80, s22, s23, $0xb8;
	[tilespmem:$0x189C0] =	vst v63  }
0x5b: {  	_ =	swait.ge [sflag:s24], $0x2800  }
0x5c: {  	[sflag:s24] =	ssyncset.done $0x0  }
0x5d: {  	[sflag:s24] =	ssyncadd.s32 $0xFFFFD800  }
0x5e: {  	_ =	swait.ge [sflag:s20], $0x2800  }
0x5f: {  	[sflag:s20] =	ssyncset.done $0x0  }
0x60: {  	[sflag:s20] =	ssyncadd.s32 $0xFFFFD800  }
0x61: {  	_ =	swait.ge [sflag:s20], $0x50  }
0x62: {  	[sflag:s20] =	ssyncset.done $0x0  }
0x63: {  	[sflag:s20] =	ssyncadd.s32 $0xFFFFFFB0  }
0x64: {  	[spmem:s1] =	stream.indirect.scatter.add.f32 [tilespmem:s19], [sflag:$0x3], $0x80, s2, s23, $0xb8;
	[tilespmem:$0x189C0] =	vst v63  }
0x65: {  	_ =	swait.ge [sflag:s24], $0x2800  }
0x66: {  	[sflag:s24] =	ssyncset.done $0x0  }
0x67: {  	s28 =	simm.s32 @p0 $0x8;
	s29 =	simm.s32 @p0 $0x100;
	[sflag:s24] =	ssyncadd.s32 $0xFFFFD800  }
0x68: {  	s30 =	simm.s32 @p0 $0x80;
	s31 =	simm.s32 @p0 $0x1FC3;
	[bflag:$0x0] =	sbarrier.arrive $0xFFFF  }
0x69: {  	[hbm:s9@s29], [sflag:s31] =	dma.strided @p0 [spmem:s14@s30], $0x2800, s28, $0x10   }
0x6a: {  	s28 =	simm.s32 @p0 $0x3  }
0x6b: {  	s26 =	sadd.s32 $0x1, s26;
	_ =	swait.ge @p0 [sflag:s28], $0x2800  }
0x6c: {  	p1 =	sne.s32 s26, s10;
	s29 =	simm.s32 @!p0 $0x100;
	[sflag:s28] =	ssyncset.done @p0 $0x0  }
0x6d: {  	s30 =	simm.s32 @!p0 $0x80;
	[sflag:s28] =	ssyncadd.s32 @p0 $0xFFFFD800;
	s28 =	simm.s32 @!p0 $0x8  }
0x6e: {  	[hbm:s8@s29], [sflag:s15] =	dma.strided @!p0 [spmem:s16@s30], $0x2700, s28, $0x10   }
.Ltmp1:
0x6f: {  	_ = 	snop;
	(pc) =	sbr.rel @p1 .LBB2_1-.Ltmp1, $4  }
0x70: {  	s28 =	simm.s32 @!p0 $0x3  }
0x71: {  	_ =	swait.ge @!p0 [sflag:s28], $0x2700  }
0x72: {  	[sflag:s28] =	ssyncset.done @!p0 $0x0  }
0x73: {  	[sflag:s28] =	ssyncadd.s32 @!p0 $0xFFFFD900  }
0x74: {  	_ =	sfence.sel $0x180000  }
0x75: {  	[bflag:$0x0] =	sbarrier.arrive $0xFFFF  }
0x76: {  	p0 =	sne.s32 s3, $0x0;
	_ =	strace $0x90000053  }
0x77: {  	s0 =	sadd.s32 @!p0 $0x100000, s0;
	[bflag:$0x2] =	sbarrier.arrive $0xFFFF  }
0x78: {  	[sflag:s0] =	ssyncadd.tile.s32 @!p0 $0x1;
	_ =	shalt  }
.Lfunc_end2:
_tile_overlayer_lowered:
.L_overlay_start_2:
0x79: {  	(tag) =	ssettag $0x2  }
0x7a: {  	s0 =	rddreg [dreg:$0x0];
	s2 =	stileid.u32  }
0x7b: {  	s1 =	rddreg [dreg:$0x1];
	p0 =	sne.s32 s2, $0x0  }
0x7c: {  	s3 =	rddreg [dreg:$0x2];
	[bflag:$0x3] =	sbarrier.arrive $0xFFFF;
	s2 =	simm.s32 @!p0 $0x1C03  }
0x7d: {  	[timem:s3], [sflag:s2] =	dma.local @!p0 [hbm:s0], s1  }
0x7e: {  	s0 =	simm.s32 @!p0 $0x3  }
0x7f: {  	_ =	swait.ge @!p0 [sflag:s0], s1  }
0x80: {  	s1 =	ssub.s32 @!p0 $0x0, s1;
	[sflag:s0] =	ssyncset.done @!p0 $0x0  }
0x81: {  	[sflag:s0] =	ssyncadd.s32 @!p0 s1  }
0x82: {  	[bflag:$0x3] =	sbarrier.arrive $0xFFFF  }
0x83: {  	_ =	shalt  }

// kernel: kernel.15.cloned.1.call-start
scs
__scs_entry_jumppad:
0x0: {  	(pc) =	sbr.rel $0x88, $3  }
0x1: {  	(tag) =	ssettag $0x0;
	lr =	simm.s32 $0x1  }
0x2: {  	[smem:$0x3F8B] =	sst lr;
	_ =	strace $0xD0000000  }
0x3: {  	_ = 	snop  }
0x4: {  	_ = 	snop  }
0x5: {  	_ = 	snop  }
0x6: {  	_ = 	snop  }
0x7: {  	_ = 	snop  }
__scs_overlays_trampoline_lowered:
0x8: {  	[smem:$0x3F9A] =	sst s0  }
0x9: {  	[smem:$0x3F9B] =	sst s1  }
0xa: {  	[smem:$0x3F9C] =	sst s2  }
0xb: {  	[smem:$0x3F9D] =	sst s3  }
0xc: {  	[smem:$0x3F9E] =	sst s4  }
0xd: {  	[smem:$0x3F9F] =	sst s5  }
0xe: {  	[smem:$0x3FA0] =	sst s6  }
0xf: {  	[smem:$0x3FA1] =	sst s7  }
0x10: {  	[smem:$0x3FA2] =	sst s8  }
0x11: {  	[smem:$0x3FA3] =	sst s9;
	s0 =	simm.s32 @!p0 $0x0  }
0x12: {  	s1 =	sld [smem:$0x3F89];
	s0 =	simm.s32 @p0 $0x1  }
0x13: {  	[smem:$0x3FA4] =	sst s0;
	s0 =	simm.s32 @!p1 $0x0  }
0x14: {  	s2 =	sld [smem:$0x3F88];
	s0 =	simm.s32 @p1 $0x1  }
0x15: {  	[smem:$0x3FA5] =	sst s0;
	s0 =	simm.s32 @!p2 $0x0  }
0x16: {  	s3 =	sld [smem:$0x3FDB];
	s0 =	simm.s32 @p2 $0x1  }
0x17: {  	s4 =	simm.s32 $0x1BF5;
	[smem:$0x3FA7] =	sst s0  }
0x18: {  	s0 =	sld [smem:$0x3F8A];
	_ =	swait.ge [sflag:s4], $0x0  }
0x19: {  	s7 =	sld [smem:$0x3F8B]  }
0x1a: {  	s8 =	sadd.s32 $0xFFFFE003, lr  }
0x1b: {  	s9 =	sadd.s32 $0xFFFFFEF7, lr;
	s5 =	simm.s32 $0xFFFFFFFF;
	p2 =	slt.u32 s8, $0xFFFFF086  }
0x1c: {  	p1 =	slt.u32 s9, $0xF7A;
	s5 =	simm.s32 @!p2 $0x0  }
0x1d: {  	s5 =	simm.s32 @p1 $0x1;
	p0 =	seq.s32 s7, s2  }
0x1e: {  	s7 =	smul.u32 @!p0 $0xF7A, s2;
	p2 =	seq.s32 @!p0 s5, $0x0  }
0x1f: {  	s9 =	smul.u32 $0xF7A, s1;
	s8 =	simm.s32 @!p0 $0x1BF5;
	p2 =	por !p2, p0  }
0x20: {  	[sflag:s8] =	ssyncset.s32 @!p0 $0xFFFFF086;
	s6 =	sadd.s32 @!p0 s3, s7;
	s7 =	simm.s32 @!p0 $0x108  }
0x21: {  	s3 =	sadd.s32 s3, s9;
	s6 =	sadd.s32 @!p0 $0x88, s6;
	s7 =	simm.s32 @p2 $0x1082  }
0x22: {  	[simem:s7], [sflag:s8] =	dma.local @!p0 [hbm:s6], $0xF7A  }
0x23: {  	s9 =	sor.u32 $0xD0000000, s2;
	s6 =	simm.s32 $0x108;
	_ =	swait.ge @!p0 [sflag:s8], $0x0  }
0x24: {  	s3 =	sadd.s32 $0x88, s3;
	s6 =	simm.s32 @!p1 $0x1082;
	[sflag:s4] =	ssyncset.s32 $0xFFFFF086  }
0x25: {  	[simem:s6], [sflag:s4] =	dma.local [hbm:s3], $0xF7A  }
0x26: {  	[smem:$0x3F8B] =	sst s1;
	(tag) =	ssettag s2;
	_ =	strace s9  }
0x27: {  	s1 =	sld [smem:$0x3F9B]  }
0x28: {  	s2 =	sld [smem:$0x3F9C]  }
0x29: {  	s4 =	sld [smem:$0x3F9E]  }
0x2a: {  	p0 =	seq.s32 s5, $0x0;
	s5 =	sld [smem:$0x3F9F]  }
0x2b: {  	s6 =	sld [smem:$0x3FA0]  }
0x2c: {  	s7 =	sld [smem:$0x3FA1]  }
0x2d: {  	s3 =	simm.s32 $0x108;
	s8 =	sld [smem:$0x3FA2]  }
0x2e: {  	s3 =	simm.s32 @!p0 $0x1082;
	s9 =	sld [smem:$0x3FA3]  }
0x2f: {  	lr =	sadd.s32 s0, s3;
	s0 =	sld [smem:$0x3F9A]  }
0x30: {  	s3 =	sld [smem:$0x3F9D]  }
0x31: {  	[smem:$0x3FA6] =	sst s10  }
0x32: {  	s10 =	sld [smem:$0x3FA4];
	_ =	sdelay $0x3  }
0x33: {  	p0 =	seq.s32 s10, $0x1;
	s10 =	sld [smem:$0x3FA6];
	_ =	sdelay $0x3  }
0x34: {  	[smem:$0x3FA6] =	sst s10  }
0x35: {  	s10 =	sld [smem:$0x3FA5];
	_ =	sdelay $0x3  }
0x36: {  	p1 =	seq.s32 s10, $0x1;
	s10 =	sld [smem:$0x3FA6];
	_ =	sdelay $0x3  }
0x37: {  	[smem:$0x3FA6] =	sst s10  }
0x38: {  	s10 =	sld [smem:$0x3FA7]  }
0x39: {  	_ = 	snop;
	(pc) =	sbr.ind lr, $3  }
0x3a: {  	_ = 	snop  }
0x3b: {  	_ = 	snop  }
0x3c: {  	p2 =	seq.s32 s10, $0x1;
	s10 =	sld [smem:$0x3FA6]  }
0x3d: {  	_ =	shalt  }
0x3e: {  	_ =	shalt  }
0x3f: {  	_ =	shalt  }
0x40: {  	_ =	shalt  }
0x41: {  	_ =	shalt  }
0x42: {  	_ =	shalt  }
0x43: {  	_ =	shalt  }
0x44: {  	_ =	shalt  }
0x45: {  	_ =	shalt  }
0x46: {  	_ =	shalt  }
0x47: {  	_ =	shalt  }
0x48: {  	_ =	shalt  }
0x49: {  	_ =	shalt  }
0x4a: {  	_ =	shalt  }
0x4b: {  	_ =	shalt  }
0x4c: {  	_ =	shalt  }
0x4d: {  	_ =	shalt  }
0x4e: {  	_ =	shalt  }
0x4f: {  	_ =	shalt  }
0x50: {  	_ =	shalt  }
0x51: {  	_ =	shalt  }
0x52: {  	_ =	shalt  }
0x53: {  	_ =	shalt  }
0x54: {  	_ =	shalt  }
0x55: {  	_ =	shalt  }
0x56: {  	_ =	shalt  }
0x57: {  	_ =	shalt  }
0x58: {  	_ =	shalt  }
0x59: {  	_ =	shalt  }
0x5a: {  	_ =	shalt  }
0x5b: {  	_ =	shalt  }
0x5c: {  	_ =	shalt  }
0x5d: {  	_ =	shalt  }
0x5e: {  	_ =	shalt  }
0x5f: {  	_ =	shalt  }
0x60: {  	_ =	shalt  }
0x61: {  	_ =	shalt  }
0x62: {  	_ =	shalt  }
0x63: {  	_ =	shalt  }
0x64: {  	_ =	shalt  }
0x65: {  	_ =	shalt  }
0x66: {  	_ =	shalt  }
0x67: {  	_ =	shalt  }
0x68: {  	_ =	shalt  }
0x69: {  	_ =	shalt  }
0x6a: {  	_ =	shalt  }
0x6b: {  	_ =	shalt  }
0x6c: {  	_ =	shalt  }
0x6d: {  	_ =	shalt  }
0x6e: {  	_ =	shalt  }
0x6f: {  	_ =	shalt  }
0x70: {  	_ =	shalt  }
0x71: {  	_ =	shalt  }
0x72: {  	_ =	shalt  }
0x73: {  	_ =	shalt  }
0x74: {  	_ =	shalt  }
0x75: {  	_ =	shalt  }
0x76: {  	_ =	shalt  }
0x77: {  	_ =	shalt  }
0x78: {  	_ =	shalt  }
0x79: {  	_ =	shalt  }
0x7a: {  	_ =	shalt  }
0x7b: {  	_ =	shalt  }
0x7c: {  	_ =	shalt  }
0x7d: {  	_ =	shalt  }
0x7e: {  	_ =	shalt  }
0x7f: {  	_ =	shalt  }
0x80: {  	_ =	shalt  }
0x81: {  	_ =	shalt  }
0x82: {  	_ =	shalt  }
0x83: {  	_ =	shalt  }
0x84: {  	_ =	shalt  }
0x85: {  	_ =	shalt  }
0x86: {  	_ =	shalt  }
0x87: {  	_ =	shalt  }
.Lfunc_end0:
.L_simem_size_0:
called_computation.4_lowered:
.L_overlay_start_0:
0x88: {  	s2 =	sld [smem:$0x3FD9]  }
0x89: {  	s3 =	sld [smem:$0x3FFE];
	_ =	sdelay $0x1  }
0x8a: {  	s1 =	srdreg.scid  }
0x8b: {  	s0 =	sand.u32 $0x1, s1  }
0x8c: {  	s15 =	sshll.u32 s0, $0xA;
	s2 =	sadd.s32 s3, s2  }
0x8d: {  	s2 =	sadd.s32 s2, s15  }
0x8e: {  	[smem:$0x3FB2] =	sst s2  }
0x8f: {  	_ = 	snop  }
0x90: {  	s2 =	sld [smem:$0x3FD0];
	_ =	sdelay $0x2  }
0x91: {  	s16 =	simm.s32 $0xD;
	s4 =	simm.s32 $0x10  }
0x92: {  	[smem:s4], [sflag:s16] =	dma.local [hbm:s2], $0x1  }
0x93: {  	_ =	swait.eq [sflag:s16], $0x1  }
0x94: {  	[sflag:s16] =	ssyncset.done $0x0  }
0x95: {  	[sflag:s16] =	ssyncadd.s32 $0xFFFFFFFF  }
0x96: {  	s17 =	sld [smem:$0x10];
	(tm) =	ssettm $0x1  }
0x97: {  	s18 =	sld [smem:$0x3FFB];
	_ =	sdelay $0x3  }
0x98: {  	_ =	strace s18  }
0x99: {  	s2 =	sld [smem:$0x3FFC];
	_ =	sdelay $0x3  }
0x9a: {  	_ =	strace s2  }
0x9b: {  	s2 =	sld [smem:$0x3FFD];
	_ =	sdelay $0x3  }
0x9c: {  	_ =	strace s2  }
0x9d: {  	_ =	strace $0x8FFFFFFF  }
0x9e: {  	s19 =	sld [smem:$0x3FDB];
	_ =	sdelay $0x1  }
0x9f: {  	s20 =	simm.s32 $_scs_section_size  }
0xa0: {  	s5 =	simm.s32 $_size__tile_overlayer_lowered;
	s6 =	simm.s32 $_tile_overlayer_lowered  }
0xa1: {  	s7 =	simm.s32 $0x1BFF;
	s21 =	sshll.u32 s6, $0x1;
	s4 =	sadd.s32 s20, s19  }
0xa2: {  	s22 =	simm.s32 $0x0;
	s5 =	sshll.u32 s5, $0x1;
	s6 =	sadd.s32 s21, s4  }
0xa3: {  	[timem:s22], [sflag:s7] =	dma.local [hbm:s6], s5  }
0xa4: {  	_ =	swait.ge [sflag:s7], s5  }
0xa5: {  	s5 =	ssub.s32 $0x0, s5;
	[sflag:s7] =	ssyncset.done $0x0  }
0xa6: {  	[sflag:s7] =	ssyncadd.s32 s5;
	_ =	sdelay $0x1  }
0xa7: {  	s23 =	simm.s32 $0x1B8B  }
0xa8: {  	_ =	swait.ge [sflag:s23], $0x1  }
0xa9: {  	[sflag:s23] =	ssyncset.done $0x0  }
0xaa: {  	[sflag:s23] =	ssyncadd.s32 $0xFFFFFFFF  }
0xab: {  	s5 =	sld [smem:$0x0]  }
0xac: {  	s6 =	sand.u32 $0xFFFFFFFE, s1  }
0xad: {  	p0 =	sne.s32 s1, s6  }
0xae: {  	s6 =	sshll.u32 @p0 s6, $0xE  }
0xaf: {  	s6 =	sadd.s32 @p0 $0x11B8D, s6;
	s7 =	sshll.u32 @p0 s5, $0x11  }
0xb0: {  	s6 =	sor.u32 @p0 s7, s6  }
0xb1: {  	[sflag:s6] =	ssyncadd.remote.s32 @p0 $0x1;
	_ =	sdelay $0x1  }
0xb2: {  	s6 =	simm.s32 @p0 $0x1B8D  }
0xb3: {  	_ =	swait.eq @p0 [sflag:s6], $0x1  }
0xb4: {  	[sflag:s6] =	ssyncadd.s32 @p0 $0xFFFFFFFF  }
0xb5: {  	s7 =	sshll.u32 @!p0 s1, $0xE  }
0xb6: {  	s7 =	sor.u32 @!p0 $0x4000, s7;
	s6 =	simm.s32 @!p0 $0x1B8D  }
0xb7: {  	s5 =	sshll.u32 @!p0 s5, $0x11;
	s7 =	sadd.s32 @!p0 $0x11B8D, s7;
	_ =	swait.eq @!p0 [sflag:s6], $0x1  }
0xb8: {  	s5 =	sor.u32 @!p0 s5, s7;
	[sflag:s6] =	ssyncadd.s32 @!p0 $0xFFFFFFFF  }
0xb9: {  	s25 =	simm.s32 $0x1B8E;
	s24 =	sld [smem:$0x3FFE];
	[sflag:s5] =	ssyncadd.remote.s32 @!p0 $0x1  }
0xba: {  	s26 =	simm.s32 $execute0_lowered;
	[smem:$0x3FD2] =	sst s25  }
0xbb: {  	s6 =	sshll.u32 s26, $0x1;
	_ =	strace $0x8000004F;
	[dreg:$0x1] =	wrdreg $0xFFFFFFFF  }
0xbc: {  	s28 =	simm.s32 $_size_execute0_lowered;
	s4 =	sadd.s32 s4, s6;
	[dreg:$0x0] =	wrdreg $0x0  }
0xbd: {  	s6 =	sshll.u32 s28, $0x1;
	[dreg:$0x2] =	wrdreg s4  }
0xbe: {  	[dreg:$0x3] =	wrdreg s6  }
0xbf: {  	[dreg:$0x4] =	wrdreg $0xC0  }
0xc0: {  	_ =	task [dreg:s22], $0x5FFFF  }
0xc1: {  	[dreg:$0x1] =	wrdreg $0xFFFFFFFF  }
0xc2: {  	[dreg:$0x0] =	wrdreg $0x60  }
0xc3: {  	[dreg:$0x2] =	wrdreg s24  }
0xc4: {  	[dreg:$0x3] =	wrdreg s17  }
0xc5: {  	[dreg:$0x4] =	wrdreg $0x29000  }
0xc6: {  	[dreg:$0x5] =	wrdreg $0xB  }
0xc7: {  	_ =	task.clear_ibuf [dreg:s22], $0x6FFFF;
	_ =	strace $0x9000004F  }
0xc8: {  	s29 =	simm.s32 $0xB;
	_ =	strace $0x80000051  }
0xc9: {  	_ =	swait.ge [sflag:s29], $0x1  }
0xca: {  	[sflag:s29] =	ssyncadd.s32 $0xFFFFFFFF  }
0xcb: {  	_ =	strace $0x90000051  }
0xcc: {  	_ =	sfence  }
0xcd: {  	s30 =	sld [smem:$0x0];
	_ =	sdelay $0x2  }
0xce: {  	s31 =	sshll.u32 s1, $0xD;
	s1 =	sshrl.u32 s1, $0x2  }
0xcf: {  	s4 =	sand.u32 $0x4000, s31;
	s1 =	sadd.s32 s1, s30  }
0xd0: {  	s0 =	sor.u32 s4, s0;
	s1 =	sshll.u32 s1, $0x11  }
0xd1: {  	s0 =	sor.u32 s1, s0  }
0xd2: {  	s0 =	sadd.s32 $0x8F2B, s0  }
0xd3: {  	[sflag:s0] =	ssyncadd.remote.s32 $0x1  }
0xd4: {  	_ =	sfence.sel $0xFFFF  }
0xd5: {  	[dreg:$0x0] =	wrdreg $0xFFFFFFFF;
	(pc) =	sbr.abs _section_cstart, $3  }
0xd6: {  	[dreg:$0x1] =	wrdreg $0xFFFFFFFF  }
0xd7: {  	_ =	task.clear_ibuf [dreg:s22], $0x2FFFF;
	_ =	strace $0x9FFFFFFF  }
0xd8: {  	(tm) =	ssettm $0x7FFFFFFF  }
0xd9: {  	_ =	shalt  }
tec
execute0_lowered:
.L_overlay_start_1:
0x0: {  	(tag) =	ssettag $0x1  }
0x1: {  	s5 =	rddreg [dreg:$0x0]  }
0x2: {  	s8 =	rddreg [dreg:$0x1]  }
0x3: {  	s1 =	rddreg [dreg:$0x2];
	s3 =	srdreg.scid  }
0x4: {  	s2 =	simm.s32 $0x0;
	s9 =	sand.u32 $0x1, s3;
	s3 =	stileid.u32  }
0x5: {  	s19 =	simm.s32 $0x1500;
	[smem:$0x7FF] =	sst s2;
	s11 =	smul.u32 $0x4E000, s3  }
0x6: {  	s10 =	sadd.s32 $0x1F93C00, s5;
	s4 =	sadd.s32 $0xB800, s5;
	s21 =	smul.u32 $0x27000, s3  }
0x7: {  	s0 =	rddreg [dreg:$0x3];
	s14 =	sadd.s32 $0x124800, s1;
	s23 =	smul.u32 $0x138800, s9  }
0x8: {  	s5 =	sadd.s32 $0x7A00, s5;
	_ =	strace $0x80000050;
	s17 =	smul.u32 $0x13880, s3  }
0x9: {  	s6 =	sshll.u32 s9, $0x4;
	s7 =	ssub.s32 $0x2, s9;
	s18 =	smul.u32 $0x13880, s9  }
0xa: {  	s15 =	sshll.u32 s9, $0xA;
	s24 =	sshll.u32 s9, $0x7;
	s28 =	smul.u32 $0x1388, s3  }
0xb: {  	p0 =	seq.s32 s3, $0xF;
	s6 =	sor.u32 s3, s6;
	s12 =	sshrl.u32 s7, $0x1  }
0xc: {  	s26 =	sadd.s32 s24, s8;
	s14 =	sshrl.u32 @p0 s14, $0x3;
	s24 =	simm.s32 $0x0  }
0xd: {  	s13 =	smul.u32 $0x1388, s6;
	s12 =	ssub.s32 s7, s12;
	s20 =	sshrl.u32 s11, $0x2  }
0xe: {  	s6 =	smul.u32 $0x13880, s6;
	s11 =	sor.u32 s15, s21;
	s9 =	sadd.s32 $0x49200, s26  }
0xf: {  	s29 =	sadd.s32 s23, s10;
	s30 =	sadd.s32 s28, s18;
	s15 =	sshll.u32 @!p0 s3, $0x6  }
0x10: {  	s18 =	simm.s32 $0x1;
	s21 =	simm.s32 $0x28;
	s23 =	simm.s32 $0x2  }
0x11: {  	s16 =	sadd.s32 s20, s1;
	s25 =	sshrl.u32 s11, $0x3;
	s11 =	sadd.s32 s17, s29  }
0x12: {  	s31 =	sadd.s32 $0x28, s30;
	s15 =	sor.u32 @!p0 $0x1C03, s15;
	s17 =	simm.s32 $0x100  }
0x13: {  	s20 =	simm.s32 $0x80;
	s6 =	sadd.s32 s10, s6;
	s22 =	sshrl.u32 s13, $0x3  }
0x14: {  	s8 =	sadd.s32 s8, s25;
	s10 =	smax.u32 s12, $0x1;
	s11 =	sadd.s32 $0x500, s11  }
0x15: {  	s12 =	sadd.s32 $0x50, s30;
	s13 =	sshrl.u32 s31, $0x3;
	s16 =	sshrl.u32 @!p0 s16, $0x3  }
0x16: {  	s7 =	sadd.s32 s4, s22;
	s13 =	sadd.s32 s13, s4;
	s22 =	simm.s32 $0x3  }
.LBB2_1:
0x17: {  	s25 =	simm.s32 @p0 $0x1FC3  }
0x18: {  	[spmem:s14], [sflag:s25] =	dma.local @p0 [hbm:s5], $0x2880  }
0x19: {  	s25 =	simm.s32 @p0 $0x3  }
0x1a: {  	_ =	swait.ge @p0 [sflag:s25], $0x2880  }
0x1b: {  	[sflag:s25] =	ssyncset.done @p0 $0x0  }
0x1c: {  	[sflag:s25] =	ssyncadd.s32 @p0 $0xFFFFD780;
	s25 =	simm.s32 @!p0 $0x3  }
0x1d: {  	[spmem:s16], [sflag:s15] =	dma.local @!p0 [hbm:s5], $0x2700  }
0x1e: {  	_ =	swait.ge @!p0 [sflag:s25], $0x2700  }
0x1f: {  	[sflag:s25] =	ssyncset.done @!p0 $0x0  }
0x20: {  	[sflag:s25] =	ssyncadd.s32 @!p0 $0xFFFFD900  }
0x21: {  	[bflag:$0x0] =	sbarrier.arrive $0xFFFF  }
0x22: {  	[tilespmem:s17], [sflag:$0x1] =	stream.linear.gather [hbm4b:s6+s2], $0x1400, $0x38;
	[tilespmem:$0x161C0] =	vst v63  }
0x23: {  	_ = 	snop  }
0x24: {  	[tilespmem:s2], [sflag:$0x1] =	stream.linear.gather [hbm4b:s7+s2], $0x28, $0x38;
	[tilespmem:$0x161C0] =	vst v63  }
0x25: {  	_ =	swait.ge [sflag:s18], $0x1400  }
0x26: {  	[sflag:s18] =	ssyncset.done $0x0  }
0x27: {  	[sflag:s18] =	ssyncadd.s32 $0xFFFFEC00  }
0x28: {  	_ =	swait.ge [sflag:s18], $0x28  }
0x29: {  	[sflag:s18] =	ssyncset.done $0x0  }
0x2a: {  	s29 =	sadd.s32 $0xFFFFFD80, s11;
	[sflag:s18] =	ssyncadd.s32 $0xFFFFFFD8  }
0x2b: {  	[tilespmem:s19], [sflag:$0x2] =	stream.linear.gather [hbm4b:s29+s2], $0x1400, $0x38;
	[tilespmem:$0x161C0] =	vst v63  }
0x2c: {  	s30 =	sadd.s32 $0x0, s13  }
0x2d: {  	[tilespmem:s20], [sflag:$0x2] =	stream.linear.gather [hbm4b:s30+s2], $0x28, $0x38;
	[tilespmem:$0x161C0] =	vst v63  }
0x2e: {  	_ = 	snop  }
0x2f: {  	[spmem:s1] =	stream.indirect.scatter.add.f32 [tilespmem:s17], [sflag:$0x3], $0x80, s2, s21, $0xb8;
	[tilespmem:$0x161C0] =	vst v63  }
0x30: {  	_ =	swait.ge [sflag:s22], $0x1400  }
0x31: {  	[sflag:s22] =	ssyncset.done $0x0  }
0x32: {  	[sflag:s22] =	ssyncadd.s32 $0xFFFFEC00  }
0x33: {  	_ =	swait.ge [sflag:s23], $0x1400  }
0x34: {  	[sflag:s23] =	ssyncset.done $0x0  }
0x35: {  	[sflag:s23] =	ssyncadd.s32 $0xFFFFEC00  }
0x36: {  	_ =	swait.ge [sflag:s23], $0x28  }
0x37: {  	[sflag:s23] =	ssyncset.done $0x0  }
0x38: {  	s31 =	sshrl.u32 s12, $0x3;
	[sflag:s23] =	ssyncadd.s32 $0xFFFFFFD8  }
0x39: {  	[tilespmem:s17], [sflag:$0x1] =	stream.linear.gather [hbm4b:s11+s2], $0x1400, $0x38;
	[tilespmem:$0x161C0] =	vst v63  }
0x3a: {  	s25 =	sadd.s32 s4, s31  }
0x3b: {  	[tilespmem:s2], [sflag:$0x1] =	stream.linear.gather [hbm4b:s25+s2], $0x28, $0x38;
	[tilespmem:$0x161C0] =	vst v63  }
0x3c: {  	_ = 	snop  }
0x3d: {  	[spmem:s1] =	stream.indirect.scatter.add.f32 [tilespmem:s19], [sflag:$0x3], $0x80, s20, s21, $0xb8;
	[tilespmem:$0x161C0] =	vst v63  }
0x3e: {  	s26 =	smov.u32 s11;
	_ =	swait.ge [sflag:s22], $0x1400  }
0x3f: {  	s28 =	smov.u32 s12;
	s25 =	simm.s32 $0xA;
	[sflag:s22] =	ssyncset.done $0x0  }
.LBB2_2:
0x40: {  	[sflag:s22] =	ssyncadd.s32 $0xFFFFEC00;
	s26 =	sadd.s32 $0x500, s26;
	s28 =	sadd.s32 $0x50, s28  }
0x41: {  	p1 =	sne.s32 s25, $0x262;
	s29 =	smov.u32 s25;
	s25 =	sadd.s32 $0xA, s25  }
0x42: {  	_ =	swait.ge [sflag:s18], $0x1400  }
0x43: {  	[sflag:s18] =	ssyncset.done $0x0  }
0x44: {  	[sflag:s18] =	ssyncadd.s32 $0xFFFFEC00  }
0x45: {  	_ =	swait.ge [sflag:s18], $0x28  }
0x46: {  	[sflag:s18] =	ssyncset.done $0x0  }
0x47: {  	s30 =	sadd.s32 $0xFFFFFD80, s26;
	[sflag:s18] =	ssyncadd.s32 $0xFFFFFFD8  }
0x48: {  	[tilespmem:s19], [sflag:$0x2] =	stream.linear.gather [hbm4b:s30+s2], $0x1400, $0x38;
	[tilespmem:$0x161C0] =	vst v63  }
0x49: {  	s29 =	sadd.s32 s29, s13  }
0x4a: {  	[tilespmem:s20], [sflag:$0x2] =	stream.linear.gather [hbm4b:s29+s2], $0x28, $0x38;
	[tilespmem:$0x161C0] =	vst v63  }
0x4b: {  	_ = 	snop  }
0x4c: {  	[spmem:s1] =	stream.indirect.scatter.add.f32 [tilespmem:s17], [sflag:$0x3], $0x80, s2, s21, $0xb8;
	[tilespmem:$0x161C0] =	vst v63  }
0x4d: {  	_ =	swait.ge [sflag:s22], $0x1400  }
0x4e: {  	[sflag:s22] =	ssyncset.done $0x0  }
0x4f: {  	[sflag:s22] =	ssyncadd.s32 $0xFFFFEC00  }
0x50: {  	_ =	swait.ge [sflag:s23], $0x1400  }
0x51: {  	[sflag:s23] =	ssyncset.done $0x0  }
0x52: {  	[sflag:s23] =	ssyncadd.s32 $0xFFFFEC00  }
0x53: {  	_ =	swait.ge [sflag:s23], $0x28  }
0x54: {  	[sflag:s23] =	ssyncset.done $0x0  }
0x55: {  	s29 =	sshrl.u32 s28, $0x3;
	[sflag:s23] =	ssyncadd.s32 $0xFFFFFFD8  }
0x56: {  	[tilespmem:s17], [sflag:$0x1] =	stream.linear.gather [hbm4b:s26+s2], $0x1400, $0x38;
	[tilespmem:$0x161C0] =	vst v63  }
0x57: {  	s29 =	sadd.s32 s4, s29  }
0x58: {  	[tilespmem:s2], [sflag:$0x1] =	stream.linear.gather [hbm4b:s29+s2], $0x28, $0x38;
	[tilespmem:$0x161C0] =	vst v63  }
.Ltmp0:
0x59: {  	_ = 	snop;
	(pc) =	sbr.rel @p1 .LBB2_2-.Ltmp0, $4  }
0x5a: {  	_ = 	snop  }
0x5b: {  	[spmem:s1] =	stream.indirect.scatter.add.f32 [tilespmem:s19], [sflag:$0x3], $0x80, s20, s21, $0xb8;
	[tilespmem:$0x161C0] =	vst v63  }
0x5c: {  	_ =	swait.ge [sflag:s22], $0x1400  }
0x5d: {  	[sflag:s22] =	ssyncset.done $0x0  }
0x5e: {  	[sflag:s22] =	ssyncadd.s32 $0xFFFFEC00  }
0x5f: {  	_ =	swait.ge [sflag:s18], $0x1400  }
0x60: {  	[sflag:s18] =	ssyncset.done $0x0  }
0x61: {  	[sflag:s18] =	ssyncadd.s32 $0xFFFFEC00  }
0x62: {  	_ =	swait.ge [sflag:s18], $0x28  }
0x63: {  	[sflag:s18] =	ssyncset.done $0x0  }
0x64: {  	[sflag:s18] =	ssyncadd.s32 $0xFFFFFFD8  }
0x65: {  	[spmem:s1] =	stream.indirect.scatter.add.f32 [tilespmem:s17], [sflag:$0x3], $0x80, s2, s21, $0xb8;
	[tilespmem:$0x161C0] =	vst v63  }
0x66: {  	_ =	swait.ge [sflag:s22], $0x1400  }
0x67: {  	[sflag:s22] =	ssyncset.done $0x0  }
0x68: {  	s25 =	simm.s32 @p0 $0x8;
	s26 =	simm.s32 @p0 $0x100;
	[sflag:s22] =	ssyncadd.s32 $0xFFFFEC00  }
0x69: {  	s28 =	simm.s32 @p0 $0x80;
	s29 =	simm.s32 @p0 $0x1FC3;
	[bflag:$0x0] =	sbarrier.arrive $0xFFFF  }
0x6a: {  	[hbm:s9@s26], [sflag:s29] =	dma.strided @p0 [spmem:s14@s28], $0x2800, s25, $0x10   }
0x6b: {  	s25 =	simm.s32 @p0 $0x3  }
0x6c: {  	s24 =	sadd.s32 $0x1, s24;
	_ =	swait.ge @p0 [sflag:s25], $0x2800  }
0x6d: {  	p1 =	sne.s32 s24, s10;
	s26 =	simm.s32 @!p0 $0x100;
	[sflag:s25] =	ssyncset.done @p0 $0x0  }
0x6e: {  	s28 =	simm.s32 @!p0 $0x80;
	[sflag:s25] =	ssyncadd.s32 @p0 $0xFFFFD800;
	s25 =	simm.s32 @!p0 $0x8  }
0x6f: {  	[hbm:s8@s26], [sflag:s15] =	dma.strided @!p0 [spmem:s16@s28], $0x2700, s25, $0x10   }
.Ltmp1:
0x70: {  	_ = 	snop;
	(pc) =	sbr.rel @p1 .LBB2_1-.Ltmp1, $4  }
0x71: {  	s25 =	simm.s32 @!p0 $0x3  }
0x72: {  	_ =	swait.ge @!p0 [sflag:s25], $0x2700  }
0x73: {  	[sflag:s25] =	ssyncset.done @!p0 $0x0  }
0x74: {  	[sflag:s25] =	ssyncadd.s32 @!p0 $0xFFFFD900  }
0x75: {  	_ =	sfence.sel $0x180000  }
0x76: {  	[bflag:$0x0] =	sbarrier.arrive $0xFFFF  }
0x77: {  	p0 =	sne.s32 s3, $0x0;
	_ =	strace $0x90000050  }
0x78: {  	s0 =	sadd.s32 @!p0 $0x100000, s0;
	[bflag:$0x2] =	sbarrier.arrive $0xFFFF  }
0x79: {  	[sflag:s0] =	ssyncadd.tile.s32 @!p0 $0x1;
	_ =	shalt  }
.Lfunc_end2:
_tile_overlayer_lowered:
.L_overlay_start_2:
0x7a: {  	(tag) =	ssettag $0x2  }
0x7b: {  	s0 =	rddreg [dreg:$0x0];
	s2 =	stileid.u32  }
0x7c: {  	s1 =	rddreg [dreg:$0x1];
	p0 =	sne.s32 s2, $0x0  }
0x7d: {  	s3 =	rddreg [dreg:$0x2];
	[bflag:$0x3] =	sbarrier.arrive $0xFFFF;
	s2 =	simm.s32 @!p0 $0x1C03  }
0x7e: {  	[timem:s3], [sflag:s2] =	dma.local @!p0 [hbm:s0], s1  }
0x7f: {  	s0 =	simm.s32 @!p0 $0x3  }
0x80: {  	_ =	swait.ge @!p0 [sflag:s0], s1  }
0x81: {  	s1 =	ssub.s32 @!p0 $0x0, s1;
	[sflag:s0] =	ssyncset.done @!p0 $0x0  }
0x82: {  	[sflag:s0] =	ssyncadd.s32 @!p0 s1  }
0x83: {  	[bflag:$0x3] =	sbarrier.arrive $0xFFFF  }
0x84: {  	_ =	shalt  }

// kernel: kernel.18.cloned.1.call-start
scs
__scs_entry_jumppad:
0x0: {  	(pc) =	sbr.rel $0x88, $3  }
0x1: {  	(tag) =	ssettag $0x0;
	lr =	simm.s32 $0x1  }
0x2: {  	[smem:$0x3F8B] =	sst lr;
	_ =	strace $0xD0000000  }
0x3: {  	_ = 	snop  }
0x4: {  	_ = 	snop  }
0x5: {  	_ = 	snop  }
0x6: {  	_ = 	snop  }
0x7: {  	_ = 	snop  }
__scs_overlays_trampoline_lowered:
0x8: {  	[smem:$0x3F9A] =	sst s0  }
0x9: {  	[smem:$0x3F9B] =	sst s1  }
0xa: {  	[smem:$0x3F9C] =	sst s2  }
0xb: {  	[smem:$0x3F9D] =	sst s3  }
0xc: {  	[smem:$0x3F9E] =	sst s4  }
0xd: {  	[smem:$0x3F9F] =	sst s5  }
0xe: {  	[smem:$0x3FA0] =	sst s6  }
0xf: {  	[smem:$0x3FA1] =	sst s7  }
0x10: {  	[smem:$0x3FA2] =	sst s8  }
0x11: {  	[smem:$0x3FA3] =	sst s9;
	s0 =	simm.s32 @!p0 $0x0  }
0x12: {  	s1 =	sld [smem:$0x3F89];
	s0 =	simm.s32 @p0 $0x1  }
0x13: {  	[smem:$0x3FA4] =	sst s0;
	s0 =	simm.s32 @!p1 $0x0  }
0x14: {  	s2 =	sld [smem:$0x3F88];
	s0 =	simm.s32 @p1 $0x1  }
0x15: {  	[smem:$0x3FA5] =	sst s0;
	s0 =	simm.s32 @!p2 $0x0  }
0x16: {  	s3 =	sld [smem:$0x3FDB];
	s0 =	simm.s32 @p2 $0x1  }
0x17: {  	s4 =	simm.s32 $0x1BF5;
	[smem:$0x3FA7] =	sst s0  }
0x18: {  	s0 =	sld [smem:$0x3F8A];
	_ =	swait.ge [sflag:s4], $0x0  }
0x19: {  	s7 =	sld [smem:$0x3F8B]  }
0x1a: {  	s8 =	sadd.s32 $0xFFFFE003, lr  }
0x1b: {  	s9 =	sadd.s32 $0xFFFFFEF7, lr;
	s5 =	simm.s32 $0xFFFFFFFF;
	p2 =	slt.u32 s8, $0xFFFFF086  }
0x1c: {  	p1 =	slt.u32 s9, $0xF7A;
	s5 =	simm.s32 @!p2 $0x0  }
0x1d: {  	s5 =	simm.s32 @p1 $0x1;
	p0 =	seq.s32 s7, s2  }
0x1e: {  	s7 =	smul.u32 @!p0 $0xF7A, s2;
	p2 =	seq.s32 @!p0 s5, $0x0  }
0x1f: {  	s9 =	smul.u32 $0xF7A, s1;
	s8 =	simm.s32 @!p0 $0x1BF5;
	p2 =	por !p2, p0  }
0x20: {  	[sflag:s8] =	ssyncset.s32 @!p0 $0xFFFFF086;
	s6 =	sadd.s32 @!p0 s3, s7;
	s7 =	simm.s32 @!p0 $0x108  }
0x21: {  	s3 =	sadd.s32 s3, s9;
	s6 =	sadd.s32 @!p0 $0x88, s6;
	s7 =	simm.s32 @p2 $0x1082  }
0x22: {  	[simem:s7], [sflag:s8] =	dma.local @!p0 [hbm:s6], $0xF7A  }
0x23: {  	s9 =	sor.u32 $0xD0000000, s2;
	s6 =	simm.s32 $0x108;
	_ =	swait.ge @!p0 [sflag:s8], $0x0  }
0x24: {  	s3 =	sadd.s32 $0x88, s3;
	s6 =	simm.s32 @!p1 $0x1082;
	[sflag:s4] =	ssyncset.s32 $0xFFFFF086  }
0x25: {  	[simem:s6], [sflag:s4] =	dma.local [hbm:s3], $0xF7A  }
0x26: {  	[smem:$0x3F8B] =	sst s1;
	(tag) =	ssettag s2;
	_ =	strace s9  }
0x27: {  	s1 =	sld [smem:$0x3F9B]  }
0x28: {  	s2 =	sld [smem:$0x3F9C]  }
0x29: {  	s4 =	sld [smem:$0x3F9E]  }
0x2a: {  	p0 =	seq.s32 s5, $0x0;
	s5 =	sld [smem:$0x3F9F]  }
0x2b: {  	s6 =	sld [smem:$0x3FA0]  }
0x2c: {  	s7 =	sld [smem:$0x3FA1]  }
0x2d: {  	s3 =	simm.s32 $0x108;
	s8 =	sld [smem:$0x3FA2]  }
0x2e: {  	s3 =	simm.s32 @!p0 $0x1082;
	s9 =	sld [smem:$0x3FA3]  }
0x2f: {  	lr =	sadd.s32 s0, s3;
	s0 =	sld [smem:$0x3F9A]  }
0x30: {  	s3 =	sld [smem:$0x3F9D]  }
0x31: {  	[smem:$0x3FA6] =	sst s10  }
0x32: {  	s10 =	sld [smem:$0x3FA4];
	_ =	sdelay $0x3  }
0x33: {  	p0 =	seq.s32 s10, $0x1;
	s10 =	sld [smem:$0x3FA6];
	_ =	sdelay $0x3  }
0x34: {  	[smem:$0x3FA6] =	sst s10  }
0x35: {  	s10 =	sld [smem:$0x3FA5];
	_ =	sdelay $0x3  }
0x36: {  	p1 =	seq.s32 s10, $0x1;
	s10 =	sld [smem:$0x3FA6];
	_ =	sdelay $0x3  }
0x37: {  	[smem:$0x3FA6] =	sst s10  }
0x38: {  	s10 =	sld [smem:$0x3FA7]  }
0x39: {  	_ = 	snop;
	(pc) =	sbr.ind lr, $3  }
0x3a: {  	_ = 	snop  }
0x3b: {  	_ = 	snop  }
0x3c: {  	p2 =	seq.s32 s10, $0x1;
	s10 =	sld [smem:$0x3FA6]  }
0x3d: {  	_ =	shalt  }
0x3e: {  	_ =	shalt  }
0x3f: {  	_ =	shalt  }
0x40: {  	_ =	shalt  }
0x41: {  	_ =	shalt  }
0x42: {  	_ =	shalt  }
0x43: {  	_ =	shalt  }
0x44: {  	_ =	shalt  }
0x45: {  	_ =	shalt  }
0x46: {  	_ =	shalt  }
0x47: {  	_ =	shalt  }
0x48: {  	_ =	shalt  }
0x49: {  	_ =	shalt  }
0x4a: {  	_ =	shalt  }
0x4b: {  	_ =	shalt  }
0x4c: {  	_ =	shalt  }
0x4d: {  	_ =	shalt  }
0x4e: {  	_ =	shalt  }
0x4f: {  	_ =	shalt  }
0x50: {  	_ =	shalt  }
0x51: {  	_ =	shalt  }
0x52: {  	_ =	shalt  }
0x53: {  	_ =	shalt  }
0x54: {  	_ =	shalt  }
0x55: {  	_ =	shalt  }
0x56: {  	_ =	shalt  }
0x57: {  	_ =	shalt  }
0x58: {  	_ =	shalt  }
0x59: {  	_ =	shalt  }
0x5a: {  	_ =	shalt  }
0x5b: {  	_ =	shalt  }
0x5c: {  	_ =	shalt  }
0x5d: {  	_ =	shalt  }
0x5e: {  	_ =	shalt  }
0x5f: {  	_ =	shalt  }
0x60: {  	_ =	shalt  }
0x61: {  	_ =	shalt  }
0x62: {  	_ =	shalt  }
0x63: {  	_ =	shalt  }
0x64: {  	_ =	shalt  }
0x65: {  	_ =	shalt  }
0x66: {  	_ =	shalt  }
0x67: {  	_ =	shalt  }
0x68: {  	_ =	shalt  }
0x69: {  	_ =	shalt  }
0x6a: {  	_ =	shalt  }
0x6b: {  	_ =	shalt  }
0x6c: {  	_ =	shalt  }
0x6d: {  	_ =	shalt  }
0x6e: {  	_ =	shalt  }
0x6f: {  	_ =	shalt  }
0x70: {  	_ =	shalt  }
0x71: {  	_ =	shalt  }
0x72: {  	_ =	shalt  }
0x73: {  	_ =	shalt  }
0x74: {  	_ =	shalt  }
0x75: {  	_ =	shalt  }
0x76: {  	_ =	shalt  }
0x77: {  	_ =	shalt  }
0x78: {  	_ =	shalt  }
0x79: {  	_ =	shalt  }
0x7a: {  	_ =	shalt  }
0x7b: {  	_ =	shalt  }
0x7c: {  	_ =	shalt  }
0x7d: {  	_ =	shalt  }
0x7e: {  	_ =	shalt  }
0x7f: {  	_ =	shalt  }
0x80: {  	_ =	shalt  }
0x81: {  	_ =	shalt  }
0x82: {  	_ =	shalt  }
0x83: {  	_ =	shalt  }
0x84: {  	_ =	shalt  }
0x85: {  	_ =	shalt  }
0x86: {  	_ =	shalt  }
0x87: {  	_ =	shalt  }
.Lfunc_end0:
.L_simem_size_0:
called_computation.5_lowered:
.L_overlay_start_0:
0x88: {  	s2 =	sld [smem:$0x3FD9]  }
0x89: {  	s3 =	sld [smem:$0x3FFE];
	_ =	sdelay $0x1  }
0x8a: {  	s1 =	srdreg.scid  }
0x8b: {  	s0 =	sand.u32 $0x1, s1  }
0x8c: {  	s17 =	sshll.u32 s0, $0xA;
	s2 =	sadd.s32 s3, s2  }
0x8d: {  	s2 =	sadd.s32 s2, s17  }
0x8e: {  	[smem:$0x3FB2] =	sst s2  }
0x8f: {  	_ = 	snop  }
0x90: {  	(tm) =	ssettm $0x1  }
0x91: {  	s18 =	sld [smem:$0x3FFB];
	_ =	sdelay $0x3  }
0x92: {  	_ =	strace s18  }
0x93: {  	s2 =	sld [smem:$0x3FFC];
	_ =	sdelay $0x3  }
0x94: {  	_ =	strace s2  }
0x95: {  	s2 =	sld [smem:$0x3FFD];
	_ =	sdelay $0x3  }
0x96: {  	_ =	strace s2  }
0x97: {  	_ =	strace $0x8FFFFFFF  }
0x98: {  	s19 =	sld [smem:$0x3FDB];
	_ =	sdelay $0x1  }
0x99: {  	s20 =	simm.s32 $_scs_section_size  }
0x9a: {  	s4 =	simm.s32 $_size__tile_overlayer_lowered;
	s5 =	simm.s32 $_tile_overlayer_lowered  }
0x9b: {  	s6 =	simm.s32 $0x1BFF;
	s21 =	sshll.u32 s5, $0x1;
	s3 =	sadd.s32 s20, s19  }
0x9c: {  	s22 =	simm.s32 $0x0;
	s4 =	sshll.u32 s4, $0x1;
	s5 =	sadd.s32 s21, s3  }
0x9d: {  	[timem:s22], [sflag:s6] =	dma.local [hbm:s5], s4  }
0x9e: {  	_ =	swait.ge [sflag:s6], s4  }
0x9f: {  	s4 =	ssub.s32 $0x0, s4;
	[sflag:s6] =	ssyncset.done $0x0  }
0xa0: {  	[sflag:s6] =	ssyncadd.s32 s4;
	_ =	sdelay $0x1  }
0xa1: {  	s23 =	simm.s32 $0x1B8B  }
0xa2: {  	_ =	swait.ge [sflag:s23], $0x1  }
0xa3: {  	[sflag:s23] =	ssyncset.done $0x0  }
0xa4: {  	[sflag:s23] =	ssyncadd.s32 $0xFFFFFFFF  }
0xa5: {  	s4 =	sld [smem:$0x0]  }
0xa6: {  	s5 =	sand.u32 $0xFFFFFFFE, s1  }
0xa7: {  	p0 =	sne.s32 s1, s5  }
0xa8: {  	s5 =	sshll.u32 @p0 s5, $0xE  }
0xa9: {  	s5 =	sadd.s32 @p0 $0x11B8D, s5;
	s6 =	sshll.u32 @p0 s4, $0x11  }
0xaa: {  	s5 =	sor.u32 @p0 s6, s5  }
0xab: {  	[sflag:s5] =	ssyncadd.remote.s32 @p0 $0x1;
	_ =	sdelay $0x1  }
0xac: {  	s5 =	simm.s32 @p0 $0x1B8D  }
0xad: {  	_ =	swait.eq @p0 [sflag:s5], $0x1  }
0xae: {  	[sflag:s5] =	ssyncadd.s32 @p0 $0xFFFFFFFF  }
0xaf: {  	s6 =	sshll.u32 @!p0 s1, $0xE  }
0xb0: {  	s6 =	sor.u32 @!p0 $0x4000, s6;
	s5 =	simm.s32 @!p0 $0x1B8D  }
0xb1: {  	s4 =	sshll.u32 @!p0 s4, $0x11;
	s6 =	sadd.s32 @!p0 $0x11B8D, s6;
	_ =	swait.eq @!p0 [sflag:s5], $0x1  }
0xb2: {  	s4 =	sor.u32 @!p0 s4, s6;
	[sflag:s5] =	ssyncadd.s32 @!p0 $0xFFFFFFFF  }
0xb3: {  	s25 =	simm.s32 $0x1B8E;
	s24 =	sld [smem:$0x3FFE];
	[sflag:s4] =	ssyncadd.remote.s32 @!p0 $0x1  }
0xb4: {  	s26 =	simm.s32 $execute0_lowered;
	[smem:$0x3FD2] =	sst s25  }
0xb5: {  	s5 =	sshll.u32 s26, $0x1;
	_ =	strace $0x80000055;
	[dreg:$0x1] =	wrdreg $0xFFFFFFFF  }
0xb6: {  	s28 =	simm.s32 $_size_execute0_lowered;
	s3 =	sadd.s32 s3, s5;
	[dreg:$0x0] =	wrdreg $0x0  }
0xb7: {  	s5 =	sshll.u32 s28, $0x1;
	[dreg:$0x2] =	wrdreg s3  }
0xb8: {  	[dreg:$0x3] =	wrdreg s5  }
0xb9: {  	[dreg:$0x4] =	wrdreg $0xC0  }
0xba: {  	_ =	task [dreg:s22], $0x5FFFF  }
0xbb: {  	[dreg:$0x1] =	wrdreg $0xFFFFFFFF  }
0xbc: {  	[dreg:$0x0] =	wrdreg $0x60  }
0xbd: {  	[dreg:$0x2] =	wrdreg s24  }
0xbe: {  	[dreg:$0x3] =	wrdreg $0x51000  }
0xbf: {  	[dreg:$0x4] =	wrdreg $0xC  }
0xc0: {  	_ =	task.clear_ibuf [dreg:s22], $0x5FFFF;
	_ =	strace $0x90000055  }
0xc1: {  	s29 =	simm.s32 $0xC;
	_ =	strace $0x80000057  }
0xc2: {  	_ =	swait.ge [sflag:s29], $0x1  }
0xc3: {  	[sflag:s29] =	ssyncadd.s32 $0xFFFFFFFF  }
0xc4: {  	_ =	strace $0x90000057  }
0xc5: {  	_ =	sfence  }
0xc6: {  	s30 =	sld [smem:$0x0];
	_ =	sdelay $0x2  }
0xc7: {  	s31 =	sshll.u32 s1, $0xD;
	s1 =	sshrl.u32 s1, $0x2  }
0xc8: {  	s4 =	sand.u32 $0x4000, s31;
	s1 =	sadd.s32 s1, s30  }
0xc9: {  	s0 =	sor.u32 s4, s0;
	s1 =	sshll.u32 s1, $0x11  }
0xca: {  	s0 =	sor.u32 s1, s0  }
0xcb: {  	s0 =	sadd.s32 $0x8F2B, s0  }
0xcc: {  	[sflag:s0] =	ssyncadd.remote.s32 $0x1  }
0xcd: {  	_ =	sfence.sel $0xFFFF  }
0xce: {  	[dreg:$0x0] =	wrdreg $0xFFFFFFFF;
	(pc) =	sbr.abs _section_cstart, $3  }
0xcf: {  	[dreg:$0x1] =	wrdreg $0xFFFFFFFF  }
0xd0: {  	_ =	task.clear_ibuf [dreg:s22], $0x2FFFF;
	_ =	strace $0x9FFFFFFF  }
0xd1: {  	(tm) =	ssettm $0x7FFFFFFF  }
tec
execute0_lowered:
.L_overlay_start_1:
0x0: {  	(tag) =	ssettag $0x1  }
0x1: {  	s6 =	rddreg [dreg:$0x0]  }
0x2: {  	s1 =	rddreg [dreg:$0x1]  }
0x3: {  	s0 =	rddreg [dreg:$0x2];
	s2 =	simm.s32 $0x0  }
0x4: {  	s5 =	srdreg.scid;
	s3 =	stileid.u32;
	s18 =	simm.s32 $0x800  }
0x5: {  	s19 =	simm.s32 $0x100;
	s20 =	simm.s32 $0x1;
	s21 =	simm.s32 $0x2900  }
0x6: {  	s22 =	simm.s32 $0x80;
	s23 =	simm.s32 $0x50;
	s9 =	smul.u32 $0x4E000, s3  }
0x7: {  	[smem:$0x7FF] =	sst s2;
	s4 =	sadd.s32 $0x2957C00, s6;
	s11 =	smul.u32 $0x271000, s3  }
0x8: {  	s8 =	sand.u32 $0x1, s5;
	s12 =	sadd.s32 $0x10800, s6;
	s24 =	smul.u32 $0x2710, s3  }
0x9: {  	s5 =	sadd.s32 $0x7A00, s6;
	s13 =	sadd.s32 $0x73000, s6;
	s28 =	smul.u32 $0x27000, s3  }
0xa: {  	s17 =	sadd.s32 $0x124800, s1;
	s30 =	smul.u32 $0x4E2, s3;
	p0 =	seq.s32 s3, $0xF  }
0xb: {  	_ =	strace $0x80000056;
	s7 =	ssub.s32 $0x2, s8;
	s14 =	sshll.u32 s8, $0xA  }
0xc: {  	s8 =	sshll.u32 s8, $0x7;
	s10 =	sshrl.u32 s7, $0x1;
	s25 =	sshrl.u32 s9, $0x2  }
0xd: {  	s15 =	sor.u32 s14, s11;
	s9 =	sor.u32 s14, s28;
	s29 =	sadd.s32 s8, s13  }
0xe: {  	s14 =	sshrl.u32 @p0 s17, $0x3;
	s17 =	simm.s32 $0x400;
	s10 =	ssub.s32 s7, s10  }
0xf: {  	s16 =	sadd.s32 s25, s1;
	s26 =	sshrl.u32 s15, $0x3;
	s7 =	sshrl.u32 s24, $0x3  }
0x10: {  	s9 =	sshrl.u32 s9, $0x3;
	s11 =	sadd.s32 $0xA000, s15;
	s31 =	sadd.s32 $0x5000, s15  }
0x11: {  	s15 =	sshll.u32 @!p0 s3, $0x6;
	s24 =	simm.s32 $0x3;
	s25 =	simm.s32 $0x2  }
0x12: {  	s6 =	sadd.s32 s4, s26;
	s7 =	sadd.s32 s12, s7;
	s8 =	sadd.s32 s13, s9  }
0x13: {  	s9 =	sadd.s32 $0x49200, s29;
	s10 =	smax.u32 s10, $0x1;
	s12 =	sadd.s32 s30, s12  }
0x14: {  	s13 =	sshrl.u32 s31, $0x3;
	s15 =	sor.u32 @!p0 $0x1C03, s15;
	s16 =	sshrl.u32 @!p0 s16, $0x3  }
0x15: {  	s26 =	simm.s32 $0x0;
	s12 =	sadd.s32 $0x14, s12;
	s13 =	sadd.s32 s13, s4  }
.LBB2_1:
0x16: {  	s28 =	simm.s32 @p0 $0x1FC3  }
0x17: {  	[spmem:s14], [sflag:s28] =	dma.local @p0 [hbm:s5], $0x2880  }
0x18: {  	s28 =	simm.s32 @p0 $0x3  }
0x19: {  	_ =	swait.ge @p0 [sflag:s28], $0x2880  }
0x1a: {  	[sflag:s28] =	ssyncset.done @p0 $0x0  }
0x1b: {  	[sflag:s28] =	ssyncadd.s32 @p0 $0xFFFFD780;
	s28 =	simm.s32 @!p0 $0x3  }
0x1c: {  	[spmem:s16], [sflag:s15] =	dma.local @!p0 [hbm:s5], $0x2700  }
0x1d: {  	_ =	swait.ge @!p0 [sflag:s28], $0x2700  }
0x1e: {  	[sflag:s28] =	ssyncset.done @!p0 $0x0  }
0x1f: {  	[sflag:s28] =	ssyncadd.s32 @!p0 $0xFFFFD900  }
0x20: {  	[bflag:$0x0] =	sbarrier.arrive $0xFFFF  }
0x21: {  	[tilespmem:s19], [sflag:$0x1] =	stream.strided.gather [hbm4b:s6+s17], $0x2800, s18, s17, $0x38;
	[tilespmem:$0x189C0] =	vst v63  }
0x22: {  	_ = 	snop  }
0x23: {  	[tilespmem:s2], [sflag:$0x1] =	stream.linear.gather [hbm4b:s7+s2], $0x50, $0x38;
	[tilespmem:$0x189C0] =	vst v63  }
0x24: {  	_ =	swait.ge [sflag:s20], $0x2800  }
0x25: {  	[sflag:s20] =	ssyncset.done $0x0  }
0x26: {  	[sflag:s20] =	ssyncadd.s32 $0xFFFFD800  }
0x27: {  	_ =	swait.ge [sflag:s20], $0x50  }
0x28: {  	[sflag:s20] =	ssyncset.done $0x0  }
0x29: {  	s28 =	sadd.s32 $0x0, s13;
	[sflag:s20] =	ssyncadd.s32 $0xFFFFFFB0  }
0x2a: {  	[tilespmem:s21], [sflag:$0x2] =	stream.strided.gather [hbm4b:s28+s17], $0x2800, s18, s17, $0x38;
	[tilespmem:$0x189C0] =	vst v63  }
0x2b: {  	s28 =	sadd.s32 $0xFFFFFFF6, s12  }
0x2c: {  	[tilespmem:s22], [sflag:$0x2] =	stream.linear.gather [hbm4b:s28+s2], $0x50, $0x38;
	[tilespmem:$0x189C0] =	vst v63  }
0x2d: {  	_ = 	snop  }
0x2e: {  	[spmem:s1] =	stream.indirect.scatter.add.f32 [tilespmem:s19], [sflag:$0x3], $0x80, s2, s23, $0xb8;
	[tilespmem:$0x189C0] =	vst v63  }
0x2f: {  	_ =	swait.ge [sflag:s24], $0x2800  }
0x30: {  	[sflag:s24] =	ssyncset.done $0x0  }
0x31: {  	[sflag:s24] =	ssyncadd.s32 $0xFFFFD800  }
0x32: {  	_ =	swait.ge [sflag:s25], $0x2800  }
0x33: {  	[sflag:s25] =	ssyncset.done $0x0  }
0x34: {  	[sflag:s25] =	ssyncadd.s32 $0xFFFFD800  }
0x35: {  	_ =	swait.ge [sflag:s25], $0x50  }
0x36: {  	s28 =	sshrl.u32 s11, $0x3;
	[sflag:s25] =	ssyncset.done $0x0  }
0x37: {  	s28 =	sadd.s32 s4, s28;
	[sflag:s25] =	ssyncadd.s32 $0xFFFFFFB0  }
0x38: {  	[tilespmem:s19], [sflag:$0x1] =	stream.strided.gather [hbm4b:s28+s17], $0x2800, s18, s17, $0x38;
	[tilespmem:$0x189C0] =	vst v63  }
0x39: {  	_ = 	snop  }
0x3a: {  	[tilespmem:s2], [sflag:$0x1] =	stream.linear.gather [hbm4b:s12+s2], $0x50, $0x38;
	[tilespmem:$0x189C0] =	vst v63  }
0x3b: {  	_ = 	snop  }
0x3c: {  	[spmem:s1] =	stream.indirect.scatter.add.f32 [tilespmem:s21], [sflag:$0x3], $0x80, s22, s23, $0xb8;
	[tilespmem:$0x189C0] =	vst v63  }
0x3d: {  	s29 =	smov.u32 s11;
	_ =	swait.ge [sflag:s24], $0x2800  }
0x3e: {  	s30 =	smov.u32 s12;
	s28 =	simm.s32 $0x1400;
	[sflag:s24] =	ssyncset.done $0x0  }
.LBB2_2:
0x3f: {  	[sflag:s24] =	ssyncadd.s32 $0xFFFFD800;
	s29 =	sadd.s32 $0xA000, s29;
	s30 =	sadd.s32 $0x14, s30  }
0x40: {  	p1 =	sne.s32 s28, $0x4C400;
	s31 =	smov.u32 s28;
	s28 =	sadd.s32 $0x1400, s28  }
0x41: {  	_ =	swait.ge [sflag:s20], $0x2800  }
0x42: {  	[sflag:s20] =	ssyncset.done $0x0  }
0x43: {  	[sflag:s20] =	ssyncadd.s32 $0xFFFFD800  }
0x44: {  	_ =	swait.ge [sflag:s20], $0x50  }
0x45: {  	[sflag:s20] =	ssyncset.done $0x0  }
0x46: {  	s31 =	sadd.s32 s31, s13;
	[sflag:s20] =	ssyncadd.s32 $0xFFFFFFB0  }
0x47: {  	[tilespmem:s21], [sflag:$0x2] =	stream.strided.gather [hbm4b:s31+s17], $0x2800, s18, s17, $0x38;
	[tilespmem:$0x189C0] =	vst v63  }
0x48: {  	s31 =	sadd.s32 $0xFFFFFFF6, s30  }
0x49: {  	[tilespmem:s22], [sflag:$0x2] =	stream.linear.gather [hbm4b:s31+s2], $0x50, $0x38;
	[tilespmem:$0x189C0] =	vst v63  }
0x4a: {  	_ = 	snop  }
0x4b: {  	[spmem:s1] =	stream.indirect.scatter.add.f32 [tilespmem:s19], [sflag:$0x3], $0x80, s2, s23, $0xb8;
	[tilespmem:$0x189C0] =	vst v63  }
0x4c: {  	_ =	swait.ge [sflag:s24], $0x2800  }
0x4d: {  	[sflag:s24] =	ssyncset.done $0x0  }
0x4e: {  	[sflag:s24] =	ssyncadd.s32 $0xFFFFD800  }
0x4f: {  	_ =	swait.ge [sflag:s25], $0x2800  }
0x50: {  	[sflag:s25] =	ssyncset.done $0x0  }
0x51: {  	[sflag:s25] =	ssyncadd.s32 $0xFFFFD800  }
0x52: {  	_ =	swait.ge [sflag:s25], $0x50  }
0x53: {  	s31 =	sshrl.u32 s29, $0x3;
	[sflag:s25] =	ssyncset.done $0x0  }
0x54: {  	s31 =	sadd.s32 s4, s31;
	[sflag:s25] =	ssyncadd.s32 $0xFFFFFFB0  }
0x55: {  	[tilespmem:s19], [sflag:$0x1] =	stream.strided.gather [hbm4b:s31+s17], $0x2800, s18, s17, $0x38;
	[tilespmem:$0x189C0] =	vst v63  }
0x56: {  	_ = 	snop  }
0x57: {  	[tilespmem:s2], [sflag:$0x1] =	stream.linear.gather [hbm4b:s30+s2], $0x50, $0x38;
	[tilespmem:$0x189C0] =	vst v63  }
.Ltmp0:
0x58: {  	_ = 	snop;
	(pc) =	sbr.rel @p1 .LBB2_2-.Ltmp0, $4  }
0x59: {  	_ = 	snop  }
0x5a: {  	[spmem:s1] =	stream.indirect.scatter.add.f32 [tilespmem:s21], [sflag:$0x3], $0x80, s22, s23, $0xb8;
	[tilespmem:$0x189C0] =	vst v63  }
0x5b: {  	_ =	swait.ge [sflag:s24], $0x2800  }
0x5c: {  	[sflag:s24] =	ssyncset.done $0x0  }
0x5d: {  	[sflag:s24] =	ssyncadd.s32 $0xFFFFD800  }
0x5e: {  	_ =	swait.ge [sflag:s20], $0x2800  }
0x5f: {  	[sflag:s20] =	ssyncset.done $0x0  }
0x60: {  	[sflag:s20] =	ssyncadd.s32 $0xFFFFD800  }
0x61: {  	_ =	swait.ge [sflag:s20], $0x50  }
0x62: {  	[sflag:s20] =	ssyncset.done $0x0  }
0x63: {  	[sflag:s20] =	ssyncadd.s32 $0xFFFFFFB0  }
0x64: {  	[spmem:s1] =	stream.indirect.scatter.add.f32 [tilespmem:s19], [sflag:$0x3], $0x80, s2, s23, $0xb8;
	[tilespmem:$0x189C0] =	vst v63  }
0x65: {  	_ =	swait.ge [sflag:s24], $0x2800  }
0x66: {  	[sflag:s24] =	ssyncset.done $0x0  }
0x67: {  	s28 =	simm.s32 @p0 $0x8;
	s29 =	simm.s32 @p0 $0x100;
	[sflag:s24] =	ssyncadd.s32 $0xFFFFD800  }
0x68: {  	s30 =	simm.s32 @p0 $0x80;
	s31 =	simm.s32 @p0 $0x1FC3;
	[bflag:$0x0] =	sbarrier.arrive $0xFFFF  }
0x69: {  	[hbm:s9@s29], [sflag:s31] =	dma.strided @p0 [spmem:s14@s30], $0x2800, s28, $0x10   }
0x6a: {  	s28 =	simm.s32 @p0 $0x3  }
0x6b: {  	s26 =	sadd.s32 $0x1, s26;
	_ =	swait.ge @p0 [sflag:s28], $0x2800  }
0x6c: {  	p1 =	sne.s32 s26, s10;
	s29 =	simm.s32 @!p0 $0x100;
	[sflag:s28] =	ssyncset.done @p0 $0x0  }
0x6d: {  	s30 =	simm.s32 @!p0 $0x80;
	[sflag:s28] =	ssyncadd.s32 @p0 $0xFFFFD800;
	s28 =	simm.s32 @!p0 $0x8  }
0x6e: {  	[hbm:s8@s29], [sflag:s15] =	dma.strided @!p0 [spmem:s16@s30], $0x2700, s28, $0x10   }
.Ltmp1:
0x6f: {  	_ = 	snop;
	(pc) =	sbr.rel @p1 .LBB2_1-.Ltmp1, $4  }
0x70: {  	s28 =	simm.s32 @!p0 $0x3  }
0x71: {  	_ =	swait.ge @!p0 [sflag:s28], $0x2700  }
0x72: {  	[sflag:s28] =	ssyncset.done @!p0 $0x0  }
0x73: {  	[sflag:s28] =	ssyncadd.s32 @!p0 $0xFFFFD900  }
0x74: {  	_ =	sfence.sel $0x180000  }
0x75: {  	[bflag:$0x0] =	sbarrier.arrive $0xFFFF  }
0x76: {  	p0 =	sne.s32 s3, $0x0;
	_ =	strace $0x90000056  }
0x77: {  	s0 =	sadd.s32 @!p0 $0x100000, s0;
	[bflag:$0x2] =	sbarrier.arrive $0xFFFF  }
0x78: {  	[sflag:s0] =	ssyncadd.tile.s32 @!p0 $0x1;
	_ =	shalt  }
.Lfunc_end2:
_tile_overlayer_lowered:
.L_overlay_start_2:
0x79: {  	(tag) =	ssettag $0x2  }
0x7a: {  	s0 =	rddreg [dreg:$0x0];
	s2 =	stileid.u32  }
0x7b: {  	s1 =	rddreg [dreg:$0x1];
	p0 =	sne.s32 s2, $0x0  }
0x7c: {  	s3 =	rddreg [dreg:$0x2];
	[bflag:$0x3] =	sbarrier.arrive $0xFFFF;
	s2 =	simm.s32 @!p0 $0x1C03  }
0x7d: {  	[timem:s3], [sflag:s2] =	dma.local @!p0 [hbm:s0], s1  }
0x7e: {  	s0 =	simm.s32 @!p0 $0x3  }
0x7f: {  	_ =	swait.ge @!p0 [sflag:s0], s1  }
0x80: {  	s1 =	ssub.s32 @!p0 $0x0, s1;
	[sflag:s0] =	ssyncset.done @!p0 $0x0  }
0x81: {  	[sflag:s0] =	ssyncadd.s32 @!p0 s1  }
0x82: {  	[bflag:$0x3] =	sbarrier.arrive $0xFFFF  }
0x83: {  	_ =	shalt  }

// kernel: scatter_offload_async_start
scs
__scs_entry_jumppad:
0x0: {  	(pc) =	sbr.rel $0x88, $3  }
0x1: {  	(tag) =	ssettag $0x0;
	lr =	simm.s32 $0x1  }
0x2: {  	[smem:$0x3F8B] =	sst lr;
	_ =	strace $0xD0000000  }
0x3: {  	_ = 	snop  }
0x4: {  	_ = 	snop  }
0x5: {  	_ = 	snop  }
0x6: {  	_ = 	snop  }
0x7: {  	_ = 	snop  }
__scs_overlays_trampoline_lowered:
0x8: {  	[smem:$0x3F9A] =	sst s0  }
0x9: {  	[smem:$0x3F9B] =	sst s1  }
0xa: {  	[smem:$0x3F9C] =	sst s2  }
0xb: {  	[smem:$0x3F9D] =	sst s3  }
0xc: {  	[smem:$0x3F9E] =	sst s4  }
0xd: {  	[smem:$0x3F9F] =	sst s5  }
0xe: {  	[smem:$0x3FA0] =	sst s6  }
0xf: {  	[smem:$0x3FA1] =	sst s7  }
0x10: {  	[smem:$0x3FA2] =	sst s8  }
0x11: {  	[smem:$0x3FA3] =	sst s9;
	s0 =	simm.s32 @!p0 $0x0  }
0x12: {  	s1 =	sld [smem:$0x3F89];
	s0 =	simm.s32 @p0 $0x1  }
0x13: {  	[smem:$0x3FA4] =	sst s0;
	s0 =	simm.s32 @!p1 $0x0  }
0x14: {  	s2 =	sld [smem:$0x3F88];
	s0 =	simm.s32 @p1 $0x1  }
0x15: {  	[smem:$0x3FA5] =	sst s0;
	s0 =	simm.s32 @!p2 $0x0  }
0x16: {  	s3 =	sld [smem:$0x3FDB];
	s0 =	simm.s32 @p2 $0x1  }
0x17: {  	s4 =	simm.s32 $0x1BF5;
	[smem:$0x3FA7] =	sst s0  }
0x18: {  	s0 =	sld [smem:$0x3F8A];
	_ =	swait.ge [sflag:s4], $0x0  }
0x19: {  	s7 =	sld [smem:$0x3F8B]  }
0x1a: {  	s8 =	sadd.s32 $0xFFFFE003, lr  }
0x1b: {  	s9 =	sadd.s32 $0xFFFFFEF7, lr;
	s5 =	simm.s32 $0xFFFFFFFF;
	p2 =	slt.u32 s8, $0xFFFFF086  }
0x1c: {  	p1 =	slt.u32 s9, $0xF7A;
	s5 =	simm.s32 @!p2 $0x0  }
0x1d: {  	s5 =	simm.s32 @p1 $0x1;
	p0 =	seq.s32 s7, s2  }
0x1e: {  	s7 =	smul.u32 @!p0 $0xF7A, s2;
	p2 =	seq.s32 @!p0 s5, $0x0  }
0x1f: {  	s9 =	smul.u32 $0xF7A, s1;
	s8 =	simm.s32 @!p0 $0x1BF5;
	p2 =	por !p2, p0  }
0x20: {  	[sflag:s8] =	ssyncset.s32 @!p0 $0xFFFFF086;
	s6 =	sadd.s32 @!p0 s3, s7;
	s7 =	simm.s32 @!p0 $0x108  }
0x21: {  	s3 =	sadd.s32 s3, s9;
	s6 =	sadd.s32 @!p0 $0x88, s6;
	s7 =	simm.s32 @p2 $0x1082  }
0x22: {  	[simem:s7], [sflag:s8] =	dma.local @!p0 [hbm:s6], $0xF7A  }
0x23: {  	s9 =	sor.u32 $0xD0000000, s2;
	s6 =	simm.s32 $0x108;
	_ =	swait.ge @!p0 [sflag:s8], $0x0  }
0x24: {  	s3 =	sadd.s32 $0x88, s3;
	s6 =	simm.s32 @!p1 $0x1082;
	[sflag:s4] =	ssyncset.s32 $0xFFFFF086  }
0x25: {  	[simem:s6], [sflag:s4] =	dma.local [hbm:s3], $0xF7A  }
0x26: {  	[smem:$0x3F8B] =	sst s1;
	(tag) =	ssettag s2;
	_ =	strace s9  }
0x27: {  	s1 =	sld [smem:$0x3F9B]  }
0x28: {  	s2 =	sld [smem:$0x3F9C]  }
0x29: {  	s4 =	sld [smem:$0x3F9E]  }
0x2a: {  	p0 =	seq.s32 s5, $0x0;
	s5 =	sld [smem:$0x3F9F]  }
0x2b: {  	s6 =	sld [smem:$0x3FA0]  }
0x2c: {  	s7 =	sld [smem:$0x3FA1]  }
0x2d: {  	s3 =	simm.s32 $0x108;
	s8 =	sld [smem:$0x3FA2]  }
0x2e: {  	s3 =	simm.s32 @!p0 $0x1082;
	s9 =	sld [smem:$0x3FA3]  }
0x2f: {  	lr =	sadd.s32 s0, s3;
	s0 =	sld [smem:$0x3F9A]  }
0x30: {  	s3 =	sld [smem:$0x3F9D]  }
0x31: {  	[smem:$0x3FA6] =	sst s10  }
0x32: {  	s10 =	sld [smem:$0x3FA4];
	_ =	sdelay $0x3  }
0x33: {  	p0 =	seq.s32 s10, $0x1;
	s10 =	sld [smem:$0x3FA6];
	_ =	sdelay $0x3  }
0x34: {  	[smem:$0x3FA6] =	sst s10  }
0x35: {  	s10 =	sld [smem:$0x3FA5];
	_ =	sdelay $0x3  }
0x36: {  	p1 =	seq.s32 s10, $0x1;
	s10 =	sld [smem:$0x3FA6];
	_ =	sdelay $0x3  }
0x37: {  	[smem:$0x3FA6] =	sst s10  }
0x38: {  	s10 =	sld [smem:$0x3FA7]  }
0x39: {  	_ = 	snop;
	(pc) =	sbr.ind lr, $3  }
0x3a: {  	_ = 	snop  }
0x3b: {  	_ = 	snop  }
0x3c: {  	p2 =	seq.s32 s10, $0x1;
	s10 =	sld [smem:$0x3FA6]  }
0x3d: {  	_ =	shalt  }
0x3e: {  	_ =	shalt  }
0x3f: {  	_ =	shalt  }
0x40: {  	_ =	shalt  }
0x41: {  	_ =	shalt  }
0x42: {  	_ =	shalt  }
0x43: {  	_ =	shalt  }
0x44: {  	_ =	shalt  }
0x45: {  	_ =	shalt  }
0x46: {  	_ =	shalt  }
0x47: {  	_ =	shalt  }
0x48: {  	_ =	shalt  }
0x49: {  	_ =	shalt  }
0x4a: {  	_ =	shalt  }
0x4b: {  	_ =	shalt  }
0x4c: {  	_ =	shalt  }
0x4d: {  	_ =	shalt  }
0x4e: {  	_ =	shalt  }
0x4f: {  	_ =	shalt  }
0x50: {  	_ =	shalt  }
0x51: {  	_ =	shalt  }
0x52: {  	_ =	shalt  }
0x53: {  	_ =	shalt  }
0x54: {  	_ =	shalt  }
0x55: {  	_ =	shalt  }
0x56: {  	_ =	shalt  }
0x57: {  	_ =	shalt  }
0x58: {  	_ =	shalt  }
0x59: {  	_ =	shalt  }
0x5a: {  	_ =	shalt  }
0x5b: {  	_ =	shalt  }
0x5c: {  	_ =	shalt  }
0x5d: {  	_ =	shalt  }
0x5e: {  	_ =	shalt  }
0x5f: {  	_ =	shalt  }
0x60: {  	_ =	shalt  }
0x61: {  	_ =	shalt  }
0x62: {  	_ =	shalt  }
0x63: {  	_ =	shalt  }
0x64: {  	_ =	shalt  }
0x65: {  	_ =	shalt  }
0x66: {  	_ =	shalt  }
0x67: {  	_ =	shalt  }
0x68: {  	_ =	shalt  }
0x69: {  	_ =	shalt  }
0x6a: {  	_ =	shalt  }
0x6b: {  	_ =	shalt  }
0x6c: {  	_ =	shalt  }
0x6d: {  	_ =	shalt  }
0x6e: {  	_ =	shalt  }
0x6f: {  	_ =	shalt  }
0x70: {  	_ =	shalt  }
0x71: {  	_ =	shalt  }
0x72: {  	_ =	shalt  }
0x73: {  	_ =	shalt  }
0x74: {  	_ =	shalt  }
0x75: {  	_ =	shalt  }
0x76: {  	_ =	shalt  }
0x77: {  	_ =	shalt  }
0x78: {  	_ =	shalt  }
0x79: {  	_ =	shalt  }
0x7a: {  	_ =	shalt  }
0x7b: {  	_ =	shalt  }
0x7c: {  	_ =	shalt  }
0x7d: {  	_ =	shalt  }
0x7e: {  	_ =	shalt  }
0x7f: {  	_ =	shalt  }
0x80: {  	_ =	shalt  }
0x81: {  	_ =	shalt  }
0x82: {  	_ =	shalt  }
0x83: {  	_ =	shalt  }
0x84: {  	_ =	shalt  }
0x85: {  	_ =	shalt  }
0x86: {  	_ =	shalt  }
0x87: {  	_ =	shalt  }
.Lfunc_end0:
.L_simem_size_0:
called_computation_lowered:
.L_overlay_start_0:
0x88: {  	s0 =	sld [smem:$0x3FD9]  }
0x89: {  	s1 =	sld [smem:$0x3FFE];
	_ =	sdelay $0x3  }
0x8a: {  	s0 =	sadd.s32 s1, s0  }
0x8b: {  	[smem:$0x3FB2] =	sst s0  }
0x8c: {  	_ = 	snop  }
0x8d: {  	(tm) =	ssettm $0x1  }
0x8e: {  	s15 =	sld [smem:$0x3FFB];
	_ =	sdelay $0x3  }
0x8f: {  	_ =	strace s15  }
0x90: {  	s0 =	sld [smem:$0x3FFC];
	_ =	sdelay $0x3  }
0x91: {  	_ =	strace s0  }
0x92: {  	s0 =	sld [smem:$0x3FFD];
	_ =	sdelay $0x3  }
0x93: {  	_ =	strace s0  }
0x94: {  	_ =	strace $0x8FFFFFFF  }
0x95: {  	s16 =	sld [smem:$0x3FDB];
	_ =	sdelay $0x1  }
0x96: {  	s17 =	simm.s32 $_scs_section_size  }
0x97: {  	s2 =	simm.s32 $_size__tile_overlayer_lowered;
	s3 =	simm.s32 $_tile_overlayer_lowered  }
0x98: {  	s20 =	simm.s32 $0x1BFF;
	s19 =	sshll.u32 s3, $0x1;
	s0 =	sadd.s32 s17, s16  }
0x99: {  	s4 =	simm.s32 $0x0;
	s18 =	sshll.u32 s2, $0x1;
	s2 =	sadd.s32 s19, s0  }
0x9a: {  	[timem:s4], [sflag:s20] =	dma.local [hbm:s2], s18  }
0x9b: {  	_ =	swait.ge [sflag:s20], s18  }
0x9c: {  	s1 =	ssub.s32 $0x0, s18;
	[sflag:s20] =	ssyncset.done $0x0  }
0x9d: {  	[sflag:s20] =	ssyncadd.s32 s1;
	_ =	sdelay $0x1  }
0x9e: {  	s21 =	simm.s32 $0x1B8B  }
0x9f: {  	_ =	swait.ge [sflag:s21], $0x1  }
0xa0: {  	[sflag:s21] =	ssyncset.done $0x0  }
0xa1: {  	s23 =	simm.s32 $0x1B8E;
	s22 =	sld [smem:$0x3FFE];
	[sflag:s21] =	ssyncadd.s32 $0xFFFFFFFF  }
0xa2: {  	s24 =	simm.s32 $execute0_lowered;
	[smem:$0x3FD2] =	sst s23  }
0xa3: {  	s2 =	sshll.u32 s24, $0x1;
	_ =	strace $0x80000046;
	[dreg:$0x1] =	wrdreg $0xFFFFFFFF  }
0xa4: {  	s25 =	simm.s32 $_size_execute0_lowered;
	s0 =	sadd.s32 s0, s2;
	[dreg:$0x0] =	wrdreg $0x0  }
0xa5: {  	s2 =	sshll.u32 s25, $0x1;
	[dreg:$0x2] =	wrdreg s0  }
0xa6: {  	[dreg:$0x3] =	wrdreg s2  }
0xa7: {  	[dreg:$0x4] =	wrdreg $0xC0  }
0xa8: {  	_ =	task [dreg:s4], $0x5FFFF  }
0xa9: {  	[dreg:$0x1] =	wrdreg $0xFFFFFFFF  }
0xaa: {  	[dreg:$0x0] =	wrdreg $0x60  }
0xab: {  	[dreg:$0x2] =	wrdreg s22  }
0xac: {  	[dreg:$0x3] =	wrdreg $0x9  }
0xad: {  	_ =	task.clear_ibuf [dreg:s4], $0x4FFFF;
	_ =	strace $0x90000046  }
0xae: {  	s26 =	simm.s32 $0x9;
	_ =	strace $0x80000048  }
0xaf: {  	_ =	swait.ge [sflag:s26], $0x1  }
0xb0: {  	[sflag:s26] =	ssyncadd.s32 $0xFFFFFFFF  }
0xb1: {  	_ =	strace $0x90000048  }
0xb2: {  	_ =	sfence  }
0xb3: {  	s28 =	sld [smem:$0x0];
	_ =	sdelay $0x1  }
0xb4: {  	s29 =	srdreg.scid  }
0xb5: {  	s30 =	sshll.u32 s29, $0xD;
	s31 =	sshrl.u32 s29, $0x2  }
0xb6: {  	s1 =	sand.u32 $0x1, s29;
	s2 =	sand.u32 $0x4000, s30;
	s0 =	sadd.s32 s31, s28  }
0xb7: {  	s1 =	sor.u32 s2, s1;
	s0 =	sshll.u32 s0, $0x11  }
0xb8: {  	s0 =	sor.u32 s0, s1  }
0xb9: {  	s0 =	sadd.s32 $0x8F2B, s0  }
0xba: {  	[sflag:s0] =	ssyncadd.remote.s32 $0x1  }
0xbb: {  	_ =	sfence.sel $0xFFFF  }
0xbc: {  	[dreg:$0x0] =	wrdreg $0xFFFFFFFF;
	(pc) =	sbr.abs _section_cstart, $3  }
0xbd: {  	[dreg:$0x1] =	wrdreg $0xFFFFFFFF  }
0xbe: {  	_ =	task.clear_ibuf [dreg:s4], $0x2FFFF;
	_ =	strace $0x9FFFFFFF  }
0xbf: {  	(tm) =	ssettm $0x7FFFFFFF  }
tec
execute0_lowered:
.L_overlay_start_1:
0x0: {  	(tag) =	ssettag $0x1  }
0x1: {  	s0 =	rddreg [dreg:$0x0];
	_ =	strace $0x80000047;
	s2 =	simm.s32 $0x1  }
0x2: {  	v1 =	vimm.s32 $0xFFFFFFFF;
	[sflag:s2] =	ssyncpa.u1 $0x0  }
0x3: {  	s14 =	stileid.u32;
	[tilespmem:$0x10] =	vst v1  }
0x4: {  	v0 =	vimm.s32 $0x80000000;
	s1 =	smin.u32 s14, $0x4;
	[tilespmem:$0x20] =	vst v1  }
0x5: {  	s1 =	sadd.s32 s14, s1;
	[tilespmem:$0x30] =	vst v0  }
0x6: {  	p0 =	slt.u32 s14, $0x4;
	[tilespmem:$0x40] =	vst v0;
	s3 =	smul.u32 $0x1F40, s1;
	s1 =	simm.s32 $0x3E80  }
0x7: {  	[tilespmem:$0x50] =	vst v0;
	s1 =	simm.s32 @!p0 $0x1F40  }
0x8: {  	[tilespmem:$0x60] =	vst v1;
	s1 =	sadd.s32 s1, s3  }
0x9: {  	s7 =	simm.s32 $0x2;
	s8 =	simm.s32 $0x8;
	[tilespmem:$0x70] =	vst v1;
	s4 =	smin.u32 s1, $0x27100  }
0xa: {  	s31 =	simm.s32 $0x9;
	s16 =	simm.s32 $0x0;
	[tilespmem:$0x80] =	vst v1;
	s6 =	ssub.s32 s4, s3  }
0xb: {  	s17 =	simm.s32 $0xF0;
	s18 =	simm.s32 $0xFFFFFFFF;
	v1 =	vimm.s32 $0x0;
	[tilespmem:$0xB0] =	vst v0;
	p0 =	sgt.s32 s6, $0x0  }
0xc: {  	s19 =	simm.s32 $0xFFFFC280;
	s20 =	simm.s32 $0xFFFFFFFE;
	[tilespmem:$0x90] =	vst v1;
	s6 =	simm.s32 @!p0 $0x0  }
0xd: {  	[tilespmem:$0xA0] =	vst v1;
	[sflag:s7] =	ssyncpa.u1 $0x0;
	s7 =	simm.s32 $0x7;
	s5 =	smulhi.u32 $0x10624DD3, s6  }
0xe: {  	s21 =	simm.s32 $0xF;
	s25 =	simm.s32 $0x0;
	[sflag:s7] =	ssyncpa.u1 $0x0  }
0xf: {  	s24 =	simm.s32 $0x0;
	[sflag:s8] =	ssyncpa.u1 $0x0;
	s9 =	sshrl.u32 s5, $0x9  }
0x10: {  	s23 =	smov.u32 s3;
	s1 =	sadd.s32 $0x24800, s0;
	s10 =	smul.u32 $0x1F40, s9  }
.Ltmp0:
0x11: {  	s5 =	sadd.s32 $0x1A800, s0;
	s0 =	sadd.s32 $0x1F800, s0;
	(pc) =	sbr.rel .LBB2_1-.Ltmp0, $4  }
0x12: {  	[sflag:s31] =	ssyncpa.u1 $0x0;
	[dreg:$0x2] =	wrdreg s0;
	p0 =	sne.s32 s6, s10  }
0x13: {  	s10 =	sshll.u32 s14, $0x1;
	s14 =	sshllo.u32 s14, $0x1;
	s2 =	simm.s32 @!p0 $0x0  }
0x14: {  	vm0 =	vmmov $0xffff;
	v2 =	vlaneseq.u32;
	s13 =	sor.u32 $0x81, s10;
	s15 =	sor.u32 $0x80, s10;
	s9 =	sadd.s32 s2, s9  }
0x15: {  	vm1 =	vmxor vm1, vm1;
	vm2 =	vmmov $0x1;
	vm3 =	vcmask $0x3F3C;
	p0 =	por $0x0, $0x0;
	s11 =	sadd.s32 $0x1, s9;
	s12 =	sadd.s32 $0x2, s9  }
.LBB2_9:
0x16: {  	p1 =	slt.u32 s24, $0x3  }
0x17: {  	s0 =	simm.s32 @!p1 $0x2  }
0x18: {  	_ =	swait.ge @!p1 [sflag:s0], $0x1F40  }
0x19: {  	[sflag:s0] =	ssyncset.done @!p1 $0x0  }
0x1a: {  	[sflag:s0] =	ssyncadd.s32 @!p1 $0xFFFFE0C0;
	s0 =	simm.s32 @!p1 $0x9  }
0x1b: {  	_ =	swait.ge @!p1 [sflag:s0], $0x10  }
0x1c: {  	[sflag:s0] =	ssyncset.done @!p1 $0x0  }
0x1d: {  	[sflag:s0] =	ssyncadd.s32 @!p1 $0xFFFFFFF0;
	p1 =	sne.s32 s24, s12  }
.Ltmp1:
0x1e: {  	s2 =	sadd.s32 $0x1F40, s23;
	(pc) =	sbr.rel @!p1 .LBB2_10-.Ltmp1, $4  }
0x1f: {  	s6 =	smov.u32 s3;
	s31 =	sadd.s32 $0x1, s24;
	s17 =	sadd.s32 $0x1F40, s17  }
0x20: {  	s18 =	sadd.s32 $0x1, s18;
	s25 =	smov.u32 s23;
	p2 =	slt.s32 s2, s4  }
0x21: {  	p0 =	por !p0, !p0;
	s19 =	sadd.s32 $0x1F40, s19;
	s6 =	smov.u32 @p2 s2  }
0x22: {  	s20 =	sadd.s32 $0x1, s20;
	s23 =	smov.u32 s6;
	s24 =	smov.u32 s31  }
.LBB2_1:
0x23: {  	p1 =	sge.u32 s24, s9  }
0x24: {  	s0 =	smulhi.u32 @!p1 $0xAAAAAAAB, s24;
	_ =	sdelay $0x1  }
0x25: {  	s0 =	sshrl.u32 @!p1 s0, $0x1  }
0x26: {  	s0 =	smul.u32 @!p1 $0x3, s0;
	_ =	sdelay $0x1  }
0x27: {  	s0 =	ssub.s32 @!p1 s24, s0  }
0x28: {  	s0 =	smul.u32 @!p1 $0x7D00, s0;
	_ =	sdelay $0x1  }
0x29: {  	s2 =	sshrl.u32 @!p1 s23, $0x3;
	s0 =	sshrl.u32 @!p1 s0, $0x2  }
0x2a: {  	s6 =	sand.u32 @!p1 $0x7, s23;
	s2 =	sadd.s32 @!p1 s5, s2;
	s0 =	sadd.s32 @!p1 $0x100, s0  }
0x2b: {  	[tilespmem:s0], [sflag:$0x7] =	stream.linear.gather @!p1 [hbm4b:s2+s6], $0x1F40, $0x38;
	[tilespmem:$0x11A60] =	vst v63  }
0x2c: {  	s0 =	sadd.s32 $0xFFFFFFFF, s24  }
0x2d: {  	p1 =	sge.u32 s0, s9  }
.Ltmp2:
0x2e: {  	_ = 	snop;
	(pc) =	sbr.rel @p1 .LBB2_5-.Ltmp2, $1  }
0x2f: {  	_ =	sdelay $0x3  }
0x30: {  	s2 =	smulhi.u32 $0xAAAAAAAB, s0;
	_ =	sdelay $0x1  }
0x31: {  	s2 =	sshrl.u32 s2, $0x1  }
0x32: {  	s2 =	smul.u32 $0x3, s2;
	_ =	sdelay $0x1  }
0x33: {  	s2 =	ssub.s32 s0, s2  }
0x34: {  	s2 =	smul.u32 $0x7D00, s2  }
0x35: {  	_ =	swait.ge [sflag:s7], $0x1F40  }
0x36: {  	[sflag:s7] =	ssyncset.done $0x0;
	s2 =	sshrl.u32 s2, $0x2  }
0x37: {  	[sflag:s7] =	ssyncadd.s32 $0xFFFFE0C0;
	(ifvalue) =	ssetifvalue $0xFFFFFFFF;
	v3 =	vld.msk [tilespmem:s2+$0x100 ss:$0x1], $0xffff;
	_ =	sdelay $0x2  }
0x38: {  	s30 =	smulhi.u32 $0xAAAAAAAB, s18;
	p1 =	sne.s32 s24, $0x1  }
0x39: {  	v4 =	vimm.s32 @!p1 $0x0  }
0x3a: {  	s2 =	sshrl.u32 s30, $0x1;
	v4 =	vperm.xlane @!p1 v3, v4  }
0x3b: {  	s6 =	sshll.u32 s24, $0x4;
	s2 =	smul.u32 $0xFFFE8900, s2;
	vm4 =	vlt.u32 v3, $0x2800  }
0x3c: {  	s6 =	sand.u32 $0x10, s6;
	v3 =	vnsel vm4, $0xFFFFFFFE, v3;
	vm4 =	vlt.u32 @!p1 v4, $0x2800  }
0x3d: {  	s2 =	sshra.s32 s2, $0x2;
	[tilespmem:s6+$0x60] =	vst v3;
	v3 =	vnsel @!p1 vm4, $0xFFFFFFFE, v4  }
0x3e: {  	s26 =	sadd.s32 s2, s17;
	[tilespmem:$0x80] =	vst @!p1 v3  }
0x3f: {  	v3 =	vld.msk [tilespmem:s26+$0x0 ss:$0x1], $0xffff;
	_ =	sdelay $0x4  }
0x40: {  	(xrf1) =	vunique.msk.u32 $0xffff, v3;
	_ =	sdelay $0xd  }
0x41: {  	v4 =	vimm.s32 $0xFFFFFFFF;
	v5, _, _ =	vpop (xrf1)  }
0x42: {  	vm5 =	vne.s32 v3, v4;
	vm4 =	veq.s32 v5, v2  }
0x43: {  	vm6 =	vlt.u32 v3, $0x2800;
	vm4 =	vmand vm5, vm4  }
0x44: {  	vm4 =	vmand vm6, vm4  }
0x45: {  	v4 =	vnsel vm4, $0xFFFFFFFF, v3  }
0x46: {  	s31 =	sand.u32 $0x1, s0  }
0x47: {  	s0 =	simm.s32 $0x1F40;
	p1 =	seq.s32 s31, $0x1  }
0x48: {  	s0 =	simm.s32 @!p1 $0x0  }
0x49: {  	s2 =	sadd.s32 $0x7DF0, s0;
	(ifvalue) =	ssetifvalue $0xFFFFFFFF  }
0x4a: {  	v3 =	vperm.xlane v3, v1;
	[tilespmem:s2], [sflag:$0x8] =	stream.indirect_vreg.gather [hbm4b:s1+s16], $0x1, v4, vm0, $0x4038;
	v4 =	vnsel vm6, $0xFFFFFFFE, v4;
	[tilespmem:$0x11A60] =	vst v63  }
0x4b: {  	s22 =	sadd.s32 $0xFFFFFFF0, s26;
	s6 =	simm.s32 $0x0;
	[tilespmem:s26+$0x0] =	vst v4  }
.LBB2_3:
0x4c: {  	v4 =	vld.msk [tilespmem:s22+$0x0 ss:$0x1], $0xffff;
	s6 =	sadd.s32 $0x10, s6;
	v5 =	vmov v3;
	s26 =	smov.u32 s22  }
0x4d: {  	p1 =	slt.u32 s6, $0x1F30;
	_ =	sdelay $0x4  }
0x4e: {  	v3 =	vperm.xlane v4, v1;
	(xrf1) =	vunique.msk.u32 $0xffff, v4;
	_ =	sdelay $0xd  }
0x4f: {  	v6, _, _ =	vpop (xrf1)  }
0x50: {  	vm5 =	vne.s32 v4, v5;
	vm4 =	veq.s32 v6, v2  }
0x51: {  	vm6 =	vlt.u32 v4, $0x2800;
	vm4 =	vmand vm5, vm4  }
0x52: {  	vm4 =	vmand vm6, vm4  }
0x53: {  	v4 =	vnsel vm4, $0xFFFFFFFF, v4  }
.Ltmp3:
0x54: {  	v5 =	vnsel vm6, $0xFFFFFFFE, v4;
	(pc) =	sbr.rel @p1 .LBB2_3-.Ltmp3, $3  }
0x55: {  	_ =	sdelay $0x1  }
0x56: {  	s22 =	sadd.s32 $0xFFFFFFF0, s22;
	s2 =	sadd.s32 $0xFFFFFFF0, s2;
	(ifvalue) =	ssetifvalue $0xFFFFFFFF  }
0x57: {  	[tilespmem:s2], [sflag:$0x8] =	stream.indirect_vreg.gather [hbm4b:s1+s16], $0x1, v4, vm0, $0x4038;
	[tilespmem:s26+$0x0] =	vst v5  }
0x58: {  	s2 =	sshrl.u32 s25, $0x3;
	s6 =	rddreg [dreg:$0x2]  }
0x59: {  	s0 =	sadd.s32 $0x9D40, s0;
	s2 =	sadd.s32 s6, s2  }
0x5a: {  	[tilespmem:s0], [sflag:$0x8] =	stream.linear.gather [hbm:s2], $0x1F40, $0x38;
	[tilespmem:$0x11A60] =	vst v63  }
.LBB2_5:
0x5b: {  	p1 =	slt.u32 s24, $0x2  }
0x5c: {  	p2 =	sge.u32 @!p1 s24, s12  }
0x5d: {  	p1 =	por p1, p2  }
.Ltmp4:
0x5e: {  	_ = 	snop;
	(pc) =	sbr.rel @p1 .LBB2_9-.Ltmp4, $1  }
0x5f: {  	_ =	sdelay $0x3  }
0x60: {  	s0 =	sadd.s32 $0xFFFFFFFE, s24  }
0x61: {  	s2 =	smulhi.u32 $0xAAAAAAAB, s0;
	_ =	sdelay $0x1  }
0x62: {  	s2 =	sshrl.u32 s2, $0x1  }
0x63: {  	s2 =	smul.u32 $0x3, s2;
	_ =	sdelay $0x1  }
0x64: {  	s0 =	ssub.s32 s0, s2  }
0x65: {  	_ =	swait.ge [sflag:s8], $0x3E80;
	s0 =	smul.u32 $0x1F40, s0  }
0x66: {  	p1 =	sne.s32 s24, s11;
	[sflag:s8] =	ssyncset.done $0x0  }
0x67: {  	[sflag:s8] =	ssyncadd.s32 $0xFFFFC180;
	s2 =	sadd.s32 @!p1 $0x203F, s0  }
0x68: {  	[spmem:s13] =	stream.linear.scatter @!p1 [tilespmem:s2], [sflag:$0x1], $0x1, $0x38;
	[tilespmem:$0x11A60] =	vst v63  }
0x69: {  	s2 =	simm.s32 @!p1 $0x1  }
0x6a: {  	_ =	swait.ge @!p1 [sflag:s2], $0x1  }
0x6b: {  	s6 =	sshll.u32 s24, $0x4;
	[sflag:s2] =	ssyncset.done @!p1 $0x0  }
0x6c: {  	s25 =	sand.u32 $0x10, s6;
	[sflag:s2] =	ssyncadd.s32 @!p1 $0xFFFFFFFF  }
0x6d: {  	s2 =	sxor.u32 $0x10, s25;
	v4 =	vld [tilespmem:s25+$0x10]  }
0x6e: {  	v5 =	vld [tilespmem:s2+$0x60]  }
0x6f: {  	v3 =	vld [tilespmem:$0x80];
	_ =	sdelay $0x2  }
0x70: {  	(v2sf) =	vpush v4, $0x0  }
0x71: {  	(v2sf) =	vpush v5, $0x0  }
0x72: {  	(v2sf) =	vpush v3, $0x0;
	_ =	sdelay $0xc  }
0x73: {  	s26 =	spop (v2sf)  }
0x74: {  	s22 =	spop (v2sf)  }
0x75: {  	s28 =	spop (v2sf)  }
0x76: {  	p3 =	seq.s32 s26, s22;
	p2 =	seq.s32 s28, s26  }
0x77: {  	p2 =	por p3, p2  }
0x78: {  	s26 =	sand.u32 $0x1, s24;
	v4 =	vpsel p2, $0xFFFFFFFF, v4  }
0x79: {  	s29 =	smul.u32 $0x1F40, s26;
	[tilespmem:s25+$0x10] =	vst.msk $0x1, v4  }
0x7a: {  	v4 =	vld [tilespmem:$0x30]  }
0x7b: {  	v5 =	vld [tilespmem:s29+$0x9D40]  }
0x7c: {  	v6 =	vld [tilespmem:s25+$0x40];
	_ =	sdelay $0x3  }
0x7d: {  	vm4 =	vmmov vm1;
	vm6 =	vmmov vm2;
	vm5 =	vgt.s32 v4, v5  }
0x7e: {  	vm4 =	vmmov @p3 vm2;
	s6 =	sshll.u32 s26, $0x4;
	v5 =	vsel vm5, v4, v5;
	vm5 =	vgt.s32 v4, v6  }
0x7f: {  	vm6 =	vmmov @p2 vm1;
	s26 =	sor.u32 $0x11A40, s6;
	v4 =	vsel vm5, v4, v6;
	[tilespmem:s29+$0x9D40] =	vst.msk vm4, v5  }
0x80: {  	[tilespmem:s26+$0x0] =	vst.msk vm6, v4  }
0x81: {  	v4 =	vld [tilespmem:s29+$0x7DF0];
	_ =	sdelay $0x4  }
0x82: {  	v4 =	vshift.insert v4, v1, s21  }
0x83: {  	s22 =	sor.u32 $0x40, s2  }
0x84: {  	v5 =	vimm.s32 $0x80000000;
	[tilespmem:s22+$0x0] =	vst.msk $0x1, v4  }
0x85: {  	[tilespmem:s29+$0x7DFF] =	vst.msk $0x1, v5  }
0x86: {  	v4 =	vld [tilespmem:s0+$0x2030];
	_ =	sdelay $0x1  }
0x87: {  	s0 =	simm.s32 $0x1  }
0x88: {  	s22 =	smulhi.u32 $0xAAAAAAAB, s20;
	s0 =	simm.s32 @!p0 $0x0  }
0x89: {  	s0 =	smul.u32 $0x7D00, s0  }
0x8a: {  	s6 =	sshrl.u32 s22, $0x1;
	v4 =	vshift.insert v4, v1, s21  }
0x8b: {  	s6 =	smul.u32 $0xFFFE8900, s6;
	s0 =	sshrl.u32 s0, $0x2  }
0x8c: {  	s22 =	sadd.s32 $0x9D40, s0;
	[tilespmem:s2+$0x10] =	vst.msk $0x1, v4  }
0x8d: {  	s6 =	sshra.s32 s6, $0x2;
	v6 =	vld [tilespmem:s22+$0x0]  }
0x8e: {  	s2 =	sadd.s32 s6, s19  }
0x8f: {  	v7 =	vld [tilespmem:s2+$0x0];
	_ =	sdelay $0x2  }
0x90: {  	vm4 =	vgt.s32 v6, v5  }
0x91: {  	v5 =	vsel vm4, v6, v5  }
0x92: {  	vm4 =	vne.s32 v7, $0xFFFFFFFF;
	v5 =	vxor.u32 $0x80000000, v5  }
0x93: {  	(xrf0) =	vmax.seg.scan.u32 vm4, v5  }
0x94: {  	s6 =	sadd.s32 $0x5EC0, s0  }
0x95: {  	v8 =	vld [tilespmem:s6+$0x0]  }
0x96: {  	v6 =	vld [tilespmem:$0xA0];
	_ =	sdelay $0x2  }
0x97: {  	v5 =	vperm.xlane v4, v1;
	v9, _, _ =	vpop (xrf0)  }
0x98: {  	vm6 =	veq.s32 v7, v3;
	v9 =	vxor.u32 $0x80000000, v9  }
0x99: {  	vm8 =	veq.s32 v7, v5;
	vm5 =	veq.s32 v6, $0x1;
	vm7 =	vgt.s32 v9, v8  }
0x9a: {  	vm8 =	vmor vm8, vm6;
	v6 =	vsel vm7, v9, v8;
	vm7 =	vgt.u32 v7, $0xFFFFFFFD  }
0x9b: {  	v10 =	vld [tilespmem:$0x90];
	vm9 =	vmand vm4, vm3;
	vm4 =	vmor vm5, vm6;
	vm5 =	vmor vm8, vm7  }
0x9c: {  	v8 =	vsel vm5, $0xFFFFFFFF, v7;
	_ =	sdelay $0x1  }
0x9d: {  	s31 =	simm.s32 $0x0  }
0x9e: {  	s30 =	sadd.s32 $0xDBC0, s0;
	s0 =	sadd.s32 $0x10, s22;
	s2 =	sadd.s32 $0x10, s2;
	v11 =	vsel vm9, $0x80000000, v9;
	v6 =	vsel vm6, v9, v6  }
0x9f: {  	s22 =	sadd.s32 $0x10, s30;
	s6 =	sadd.s32 $0x10, s6;
	[tilespmem:s30+$0x0] =	vst v6;
	v6 =	vsel vm6, v9, v10;
	v7 =	vshift.insert v11, v0, s21;
	(ifvalue) =	ssetifvalue $0xFFFFFFFF  }
.LBB2_7:
0xa0: {  	[hbm4b:s1+s16] =	stream.indirect_vreg.scatter [tilespmem:s30], [sflag:$0x2], $0x1, v8, vm0, $0x4038;
	[tilespmem:$0x11A60] =	vst v63  }
0xa1: {  	s31 =	sadd.s32 $0x10, s31;
	s30 =	smov.u32 s22;
	v8 =	vld [tilespmem:s0+$0x0]  }
0xa2: {  	p2 =	slt.u32 s31, $0x1F30  }
0xa3: {  	v9 =	vld [tilespmem:s2+$0x0];
	_ =	sdelay $0x2  }
0xa4: {  	vm5 =	vgt.s32 v8, v7  }
0xa5: {  	v7 =	vsel vm5, v8, v7  }
0xa6: {  	vm5 =	vne.s32 v9, $0xFFFFFFFF;
	v7 =	vxor.u32 $0x80000000, v7  }
0xa7: {  	(xrf0) =	vmax.seg.scan.u32 vm5, v7;
	_ =	sdelay $0x2  }
0xa8: {  	v7 =	vld [tilespmem:s6+$0x0];
	_ =	sdelay $0x1  }
0xa9: {  	vm6 =	veq.s32 v9, v3;
	vm7 =	veq.s32 v9, v5  }
0xaa: {  	vm8 =	vgt.u32 v9, $0xFFFFFFFD;
	vm4 =	vmor vm4, vm6;
	vm7 =	vmor vm7, vm6;
	v8, _, _ =	vpop (xrf0)  }
0xab: {  	vm5 =	vmand vm5, vm3;
	vm7 =	vmor vm7, vm8;
	v10 =	vxor.u32 $0x80000000, v8  }
.Ltmp5:
0xac: {  	v8 =	vsel vm7, $0xFFFFFFFF, v9;
	vm7 =	vgt.s32 v10, v7;
	v9 =	vsel vm5, $0x80000000, v10;
	(pc) =	sbr.rel @p2 .LBB2_7-.Ltmp5, $4  }
0xad: {  	v6 =	vsel vm6, v10, v6;
	v11 =	vsel vm7, v10, v7;
	v7 =	vshift.insert v9, v0, s21  }
0xae: {  	v9 =	vsel vm6, v10, v11  }
0xaf: {  	s0 =	sadd.s32 $0x10, s0;
	s2 =	sadd.s32 $0x10, s2;
	[tilespmem:s22+$0x0] =	vst v9  }
0xb0: {  	s6 =	sadd.s32 $0x10, s6;
	s22 =	sadd.s32 $0x10, s22;
	(ifvalue) =	ssetifvalue $0xFFFFFFFF  }
0xb1: {  	_ =	sdelay $0x3  }
0xb2: {  	[hbm4b:s1+s16] =	stream.indirect_vreg.scatter [tilespmem:s30], [sflag:$0x2], $0x1, v8, vm0, $0x4038;
	[tilespmem:$0x11A60] =	vst v63  }
0xb3: {  	v3 =	vld [tilespmem:s29+$0xFAF0];
	_ =	sdelay $0x4  }
0xb4: {  	v3 =	vshift.insert v3, v1, s21  }
0xb5: {  	s0 =	simm.s32 $0x30  }
0xb6: {  	[tilespmem:s0+$0x0] =	vst.msk $0x1, v3  }
0xb7: {  	v3 =	vsel vm4, $0x1, v1;
	[tilespmem:$0x90] =	vst v6  }
0xb8: {  	s0 =	sadd.s32 @!p1 $0xFAFF, s29;
	[tilespmem:$0xA0] =	vst v3  }
0xb9: {  	[spmem:s14] =	stream.linear.scatter @!p1 [tilespmem:s0], [sflag:$0x1], $0x1, $0x38;
	[tilespmem:$0x11A60] =	vst v63  }
0xba: {  	s0 =	simm.s32 @!p1 $0x1  }
0xbb: {  	v3 =	vmctz.xlane @!p1 vm4;
	_ =	swait.ge @!p1 [sflag:s0], $0x1  }
0xbc: {  	(v2sf) =	vpush @!p1 v4, $0x0  }
0xbd: {  	(v2sf) =	vpush @!p1 v3, $0x0;
	_ =	sdelay $0xd  }
0xbe: {  	s2 =	spop @!p1 (v2sf)  }
0xbf: {  	s6 =	spop @!p1 (v2sf)  }
0xc0: {  	p2 =	sne.s32 @!p1 s28, s2;
	p3 =	slt.s32 @!p1 s6, $0xF  }
0xc1: {  	[sflag:s0] =	ssyncset.done @!p1 $0x0;
	p2 =	por p2, p1;
	p3 =	por !p3, p1  }
0xc2: {  	[sflag:s0] =	ssyncadd.s32 @!p1 $0xFFFFFFFF;
	v3 =	vimm.s32 @!p2 $0xFFFFFFFF;
	s6 =	simm.s32 @p3 $0xF  }
0xc3: {  	[tilespmem:$0x80] =	vst @!p2 v3;
	s2 =	sadd.s32 @!p1 $0x90, s6  }
0xc4: {  	[spmem:s10] =	stream.linear.scatter @!p1 [tilespmem:s2], [sflag:$0x1], $0x1, $0x38;
	[tilespmem:$0x11A60] =	vst v63  }
0xc5: {  	_ =	swait.ge @!p1 [sflag:s0], $0x1  }
0xc6: {  	[sflag:s0] =	ssyncset.done @!p1 $0x0  }
0xc7: {  	s2 =	simm.s32 @!p1 $0x80;
	[sflag:s0] =	ssyncadd.s32 @!p1 $0xFFFFFFFF  }
0xc8: {  	[spmem:s15] =	stream.linear.scatter @!p1 [tilespmem:s2], [sflag:$0x1], $0x1, $0x38;
	[tilespmem:$0x11A60] =	vst v63  }
0xc9: {  	_ =	swait.ge @!p1 [sflag:s0], $0x1  }
0xca: {  	[sflag:s0] =	ssyncset.done @!p1 $0x0  }
0xcb: {  	[sflag:s0] =	ssyncadd.s32 @!p1 $0xFFFFFFFF;
	(ifvalue) =	ssetifvalue $0xFFFFFFFF;
	v3 =	vld [tilespmem:s25+$0x10];
	_ =	sdelay $0x3  }
.Ltmp6:
0xcc: {  	_ = 	snop;
	(pc) =	sbr.rel .LBB2_9-.Ltmp6, $3  }
0xcd: {  	_ =	sdelay $0x1  }
0xce: {  	(ifvalue) =	ssetifvalue $0xFFFFFFFF  }
0xcf: {  	[hbm4b:s1+s16] =	stream.indirect_vreg.scatter [tilespmem:s26], [sflag:$0x9], $0x1, v3, vm0, $0x4038;
	[tilespmem:$0x11A60] =	vst v63  }
.LBB2_10:
0xd0: {  	_ =	sfence.sel $0x180000  }
0xd1: {  	s0 =	simm.s32 $0x7;
	[bflag:$0x0] =	sbarrier.arrive $0xFFFF  }
0xd2: {  	s26 =	simm.s32 $0x8;
	[sflag:s0] =	ssyncpa.u1 $0x1  }
0xd3: {  	s28 =	simm.s32 $0x9;
	[sflag:s26] =	ssyncpa.u1 $0x1  }
0xd4: {  	[sflag:s28] =	ssyncpa.u1 $0x1  }
0xd5: {  	_ =	sfence.stream.spmem  }
0xd6: {  	s29 =	simm.s32 $0x3;
	[bflag:$0x0] =	sbarrier.arrive $0xFFFF  }
0xd7: {  	s30 =	simm.s32 $0x4;
	[sflag:s29] =	ssyncpa.u1 $0x1  }
0xd8: {  	s31 =	simm.s32 $0x3C;
	s2 =	stileid.u32;
	[sflag:s30] =	ssyncpa.u1 $0x1  }
0xd9: {  	p0 =	sne.s32 s2, $0x0;
	[sflag:s31] =	ssyncpa.u1 $0x1  }
0xda: {  	s0 =	simm.s32 @p0 $0x1;
	_ =	sfence @p0  }
0xdb: {  	[sflag:s0] =	ssyncpa.u1 @p0 $0x1;
	s0 =	simm.s32 @p0 $0x2  }
0xdc: {  	[sflag:s0] =	ssyncpa.u1 @p0 $0x1  }
0xdd: {  	_ =	strace @p0 $0x90000047  }
0xde: {  	[bflag:$0x2] =	sbarrier.arrive @p0 $0xFFFF  }
0xdf: {  	_ =	shalt @p0  }
.LBB2_11:
0xe0: {  	_ =	sfence.stream.spmem;
	s0 =	simm.s32 $0x5  }
0xe1: {  	s2 =	simm.s32 $0x80;
	s3 =	simm.s32 $0xC0;
	[sflag:s0] =	ssyncpa.u1 $0x0  }
0xe2: {  	[tilespmem:s3], [sflag:$0x5] =	stream.linear.gather [spmem:s2], $0x20, $0x38;
	[tilespmem:$0x11A60] =	vst v63  }
0xe3: {  	s30 =	simm.s32 $0xE0;
	s2 =	simm.s32 $0x0  }
0xe4: {  	[tilespmem:s30], [sflag:$0x5] =	stream.linear.gather [spmem:s2], $0x20, $0x38;
	[tilespmem:$0x11A60] =	vst v63  }
.Ltmp7:
0xe5: {  	_ = 	snop;
	(pc) =	sbr.rel .LBB2_12-.Ltmp7, $4  }
0xe6: {  	_ =	swait.ge [sflag:s0], $0x40  }
0xe7: {  	[sflag:s0] =	ssyncset.done $0x0  }
0xe8: {  	s31 =	simm.s32 $0x6;
	[sflag:s0] =	ssyncadd.s32 $0xFFFFFFC0  }
0xe9: {  	s3 =	simm.s32 $0x0;
	[sflag:s31] =	ssyncpa.u1 $0x0  }
.LBB2_17:
0xea: {  	p0 =	sgt.u32 s4, $0x27FF  }
0xeb: {  	s0 =	sshrl.u32 @!p0 s4, $0x3  }
0xec: {  	s4 =	sand.u32 @!p0 $0x7, s4;
	s5 =	simm.s32 @!p0 $0xB0;
	s0 =	sadd.s32 @!p0 s1, s0  }
0xed: {  	[tilespmem:s5], [sflag:$0x6] =	stream.linear.gather @!p0 [hbm4b:s0+s4], $0x1, $0x38;
	[tilespmem:$0x11A60] =	vst v63  }
0xee: {  	s0 =	simm.s32 @!p0 $0x6  }
0xef: {  	_ =	swait.ge @!p0 [sflag:s0], $0x1  }
0xf0: {  	[sflag:s0] =	ssyncset.done @!p0 $0x0  }
0xf1: {  	[sflag:s0] =	ssyncadd.s32 @!p0 $0xFFFFFFFF  }
0xf2: {  	v1 =	vld.msk @!p0 [tilespmem:$0xB0], $0x1  }
0xf3: {  	v2 =	vld.msk @!p0 [tilespmem:s3+$0xE0], $0x1;
	_ =	sdelay $0x4  }
0xf4: {  	vm0 =	vgt.s32 @!p0 v2, v1  }
0xf5: {  	v1 =	vsel @!p0 vm0, v2, v1  }
0xf6: {  	[tilespmem:s3+$0xE0] =	vst.msk @!p0 $0x1, v1  }
0xf7: {  	[tilespmem:s2+$0xC0] =	vst.msk $0x1, v0  }
0xf8: {  	v0 =	vld.msk [tilespmem:s3+$0xE0], $0x1;
	_ =	sdelay $0x4  }
0xf9: {  	[tilespmem:s2+$0xE0] =	vst.msk $0x1, v0;
	s2 =	sadd.s32 $0x1, s2  }
.LBB2_19:
0xfa: {  	s3 =	sadd.s32 $0x1, s3  }
0xfb: {  	p0 =	sne.s32 s3, $0x20  }
.Ltmp8:
0xfc: {  	_ = 	snop;
	(pc) =	sbr.rel @!p0 .LBB2_20-.Ltmp8, $1  }
0xfd: {  	_ =	sdelay $0x3  }
.LBB2_12:
0xfe: {  	v0 =	vld.msk [tilespmem:s3+$0xC0], $0x1;
	_ =	sdelay $0x4  }
0xff: {  	(v2sf) =	vpush v0, $0x0;
	_ =	sdelay $0xe  }
0x100: {  	s4 =	spop (v2sf)  }
0x101: {  	p0 =	seq.s32 s4, $0xFFFFFFFF  }
.Ltmp9:
0x102: {  	_ = 	snop;
	(pc) =	sbr.rel @p0 .LBB2_19-.Ltmp9, $1  }
0x103: {  	_ =	sdelay $0x3  }
0x104: {  	p0 =	slt.s32 s2, $0x1  }
.Ltmp10:
0x105: {  	_ = 	snop;
	(pc) =	sbr.rel @p0 .LBB2_17-.Ltmp10, $1  }
0x106: {  	_ =	sdelay $0x3  }
0x107: {  	s0 =	simm.s32 $0xC0;
	p0 =	por $0x0, $0x0  }
0x108: {  	v1 =	vld.msk @!p0 [tilespmem:s0+$0x0], $0x1;
	_ =	sdelay $0x4  }
0x109: {  	(v2sf) =	vpush @!p0 v1, $0x0;
	_ =	sdelay $0xd  }
0x10a: {  	p2 =	sne.s32 s2, $0x1  }
.Ltmp11:
0x10b: {  	s5 =	spop @!p0 (v2sf);
	(pc) =	sbr.rel @!p2 .LBB2_16-.Ltmp11, $4  }
0x10c: {  	p1 =	seq.s32 @!p0 s4, s5  }
0x10d: {  	s5 =	simm.s32 $0x0;
	p1 =	por !p1, p0  }
0x10e: {  	s7 =	simm.s32 $0xFFFFFFFF;
	s5 =	simm.s32 @p1 $0xFFFFFFFF  }
0x10f: {  	s6 =	simm.s32 $0x1;
	s5 =	smov.u32 @p0 s7  }
.LBB2_15:
0x110: {  	s7 =	smov.u32 s5;
	p0 =	sne.s32 s5, $0xFFFFFFFF  }
0x111: {  	s0 =	sadd.s32 $0x1, s0;
	s5 =	smov.u32 s6;
	s6 =	sadd.s32 $0x1, s6  }
0x112: {  	p1 =	sne.s32 s2, s6;
	v1 =	vld.msk @!p0 [tilespmem:s0+$0x0], $0x1;
	_ =	sdelay $0x4  }
0x113: {  	(v2sf) =	vpush @!p0 v1, $0x0;
	_ =	sdelay $0xe  }
.Ltmp12:
0x114: {  	s8 =	spop @!p0 (v2sf);
	(pc) =	sbr.rel @p1 .LBB2_15-.Ltmp12, $4  }
0x115: {  	p2 =	seq.s32 @!p0 s4, s8  }
0x116: {  	p2 =	por !p2, p0  }
0x117: {  	s5 =	simm.s32 @p2 $0xFFFFFFFF  }
0x118: {  	s5 =	smov.u32 @p0 s7  }
.LBB2_16:
0x119: {  	p0 =	sne.s32 s5, $0xFFFFFFFF  }
.Ltmp13:
0x11a: {  	_ = 	snop;
	(pc) =	sbr.rel @!p0 .LBB2_17-.Ltmp13, $1  }
0x11b: {  	_ =	sdelay $0x3  }
0x11c: {  	v0 =	vld.msk [tilespmem:s3+$0xE0], $0x1  }
0x11d: {  	v1 =	vld.msk [tilespmem:s5+$0xE0], $0x1;
	_ =	sdelay $0x2  }
.Ltmp14:
0x11e: {  	_ = 	snop;
	(pc) =	sbr.rel .LBB2_19-.Ltmp14, $4  }
0x11f: {  	_ = 	snop  }
0x120: {  	vm0 =	vgt.s32 v1, v0  }
0x121: {  	v0 =	vsel vm0, v1, v0  }
0x122: {  	[tilespmem:s5+$0xE0] =	vst.msk $0x1, v0  }
.LBB2_20:
0x123: {  	p0 =	slt.s32 s2, $0x1  }
.Ltmp15:
0x124: {  	_ = 	snop;
	(pc) =	sbr.rel @p0 .LBB2_24-.Ltmp15, $3  }
0x125: {  	_ =	sdelay $0x1  }
0x126: {  	s0 =	simm.s32 $0x6  }
0x127: {  	s3 =	simm.s32 $0x0;
	[sflag:s0] =	ssyncpa.u1 $0x1  }
0x128: {  	s0 =	simm.s32 $0xC0  }
0x129: {  	v0 =	vld.msk [tilespmem:s0+$0x0], $0x1;
	_ =	sdelay $0x4  }
0x12a: {  	(v2sf) =	vpush v0, $0x0;
	_ =	sdelay $0xe  }
0x12b: {  	s2 =	sadd.s32 $0xFFFFFFFF, s2;
	s4 =	spop (v2sf)  }
0x12c: {  	p1 =	sne.s32 s2, $0x0;
	p0 =	sgt.u32 s4, $0x27FF  }
.Ltmp16:
0x12d: {  	s5 =	sshrl.u32 @!p0 s4, $0x3;
	(pc) =	sbr.rel @!p1 .LBB2_23-.Ltmp16, $4  }
0x12e: {  	s0 =	simm.s32 $0xE0;
	s4 =	sand.u32 @!p0 $0x7, s4;
	s5 =	sadd.s32 @!p0 s1, s5  }
0x12f: {  	[hbm4b:s5+s4] =	stream.linear.scatter @!p0 [tilespmem:s0], [sflag:$0x5], $0x1, $0x38;
	[tilespmem:$0x11A60] =	vst v63  }
0x130: {  	s5 =	simm.s32 $0x0  }
0x131: {  	s4 =	simm.s32 $0xC1;
	s5 =	simm.s32 @!p0 $0x4  }
.LBB2_22:
0x132: {  	v0 =	vld.msk [tilespmem:s4+$0x0], $0x1;
	s2 =	sadd.s32 $0xFFFFFFFF, s2;
	s3 =	sadd.s32 s3, s5  }
0x133: {  	p0 =	sne.s32 s2, $0x0;
	_ =	sdelay $0x3  }
0x134: {  	(v2sf) =	vpush v0, $0x0;
	_ =	sdelay $0xe  }
.Ltmp17:
0x135: {  	s6 =	spop (v2sf);
	(pc) =	sbr.rel @p0 .LBB2_22-.Ltmp17, $4  }
0x136: {  	s5 =	simm.s32 $0x0;
	p1 =	sgt.u32 s6, $0x27FF  }
0x137: {  	s0 =	sadd.s32 $0x1, s0;
	s5 =	simm.s32 @!p1 $0x4;
	s7 =	sshrl.u32 @!p1 s6, $0x3  }
0x138: {  	s4 =	sadd.s32 $0x1, s4;
	s6 =	sand.u32 @!p1 $0x7, s6;
	s7 =	sadd.s32 @!p1 s1, s7  }
0x139: {  	[hbm4b:s7+s6] =	stream.linear.scatter @!p1 [tilespmem:s0], [sflag:$0x5], $0x1, $0x38;
	[tilespmem:$0x11A60] =	vst v63  }
.LBB2_23:
0x13a: {  	s0 =	sadd.s32 s3, s5  }
0x13b: {  	s3 =	sshrl.u32 s0, $0x2  }
.LBB2_24:
0x13c: {  	s0 =	simm.s32 $0x5  }
0x13d: {  	_ =	swait.ge [sflag:s0], s3  }
0x13e: {  	s1 =	ssub.s32 $0x0, s3;
	[sflag:s0] =	ssyncset.done $0x0  }
0x13f: {  	[sflag:s0] =	ssyncadd.s32 s1  }
0x140: {  	[sflag:s0] =	ssyncpa.u1 $0x1  }
0x141: {  	s29 =	simm.s32 $0x1;
	_ =	sfence  }
0x142: {  	s30 =	simm.s32 $0x2;
	[sflag:s29] =	ssyncpa.u1 $0x1  }
0x143: {  	[sflag:s30] =	ssyncpa.u1 $0x1  }
0x144: {  	_ =	strace $0x90000047  }
0x145: {  	[bflag:$0x2] =	sbarrier.arrive $0xFFFF  }
0x146: {  	s31 =	rddreg [dreg:$0x1]  }
0x147: {  	s0 =	sadd.s32 $0x100000, s31  }
0x148: {  	[sflag:s0] =	ssyncadd.tile.s32 $0x1;
	_ =	shalt  }
.Lfunc_end2:
_tile_overlayer_lowered:
.L_overlay_start_2:
0x149: {  	(tag) =	ssettag $0x2  }
0x14a: {  	s0 =	rddreg [dreg:$0x0];
	s2 =	stileid.u32  }
0x14b: {  	s1 =	rddreg [dreg:$0x1];
	p0 =	sne.s32 s2, $0x0  }
0x14c: {  	s3 =	rddreg [dreg:$0x2];
	[bflag:$0x3] =	sbarrier.arrive $0xFFFF;
	s2 =	simm.s32 @!p0 $0x1C01  }
0x14d: {  	[timem:s3], [sflag:s2] =	dma.local @!p0 [hbm:s0], s1  }
0x14e: {  	s0 =	simm.s32 @!p0 $0x1  }
0x14f: {  	_ =	swait.ge @!p0 [sflag:s0], s1  }
0x150: {  	s1 =	ssub.s32 @!p0 $0x0, s1;
	[sflag:s0] =	ssyncset.done @!p0 $0x0  }
0x151: {  	[sflag:s0] =	ssyncadd.s32 @!p0 s1  }
0x152: {  	[bflag:$0x3] =	sbarrier.arrive $0xFFFF  }
0x153: {  	_ =	shalt  }

</sc_bundles>
